<compile_context>
chip_gen: v7x
topology: tpu7x:2x2x1
jax: 0.10.2.dev20260603
libtpu: 0.0.44.dev20260713+nightly
codegen_flags: <defaults>
</compile_context>

<pallas_src>
import functools

import jax
import jax.numpy as jnp
from jax import lax
from jax.experimental import pallas as pl
from jax.experimental.pallas import tpu as pltpu
from jax.experimental.pallas import tpu_sc as plsc

_N = 10000
_D = 128
_E = 320000
_NP = 10240
_NC = 2
_NS = 16
_NW = _NC * _NS
_CBD = 64
_CHD = 158
_EP = _NW * _CBD * _CHD
_RPS = _NP // _NS
_DW = 128
_R = 1024

_CBA = 72
_CHF = 184
_CHS = 96
_FAST = 0
_EF = _CHF * _CBA
_ES = _CHS * _CBA

@functools.cache
def _sc_kernels():
    mesh = plsc.VectorSubcoreMesh(core_axis_name="c", subcore_axis_name="s")

    @functools.partial(
        pl.kernel,
        mesh=mesh,
        out_type=jax.ShapeDtypeStruct((_NC, _NP, _DW), jnp.float32),
        scratch_types=[
            pltpu.VMEM((1, _CBD), jnp.int32),
            pltpu.VMEM((1, _CBD), jnp.int32),
            pltpu.VMEM((_CBD, _DW), jnp.float32),
            pltpu.VMEM_SHARED((_NP, _DW), jnp.float32),
            pltpu.SemaphoreType.DMA,
            pltpu.SemaphoreType.DMA,
            pltpu.SemaphoreType.DMA,
            pltpu.SemaphoreType.DMA,
        ],
    )
    def sc_degree(dst_hbm, ones_hbm, zero_hbm, out_hbm,
                  idx0, idx1, ones_v, acc_sh, is0, is1, ss0, ss1):
        c = lax.axis_index("c")
        s = lax.axis_index("s")
        wid = s * _NC + c
        pltpu.sync_copy(ones_hbm, ones_v)
        pltpu.sync_copy(zero_hbm, acc_sh.at[pl.ds(s * _RPS, _RPS)])
        plsc.subcore_barrier()

        pltpu.async_copy(dst_hbm.at[wid, 0], idx0, is0)
        pltpu.async_copy(dst_hbm.at[wid, 1], idx1, is1)

        def body(j, carry):
            e0 = 2 * j
            e1 = 2 * j + 1
            pltpu.make_async_copy(dst_hbm.at[wid, e0], idx0, is0).wait()
            pltpu.async_copy(ones_v, acc_sh.at[idx0.at[0]], ss0, add=True)
            pltpu.make_async_copy(dst_hbm.at[wid, e1], idx1, is1).wait()
            pltpu.async_copy(ones_v, acc_sh.at[idx1.at[0]], ss1, add=True)
            pltpu.make_async_copy(ones_v, acc_sh.at[idx0.at[0]], ss0).wait()
            pltpu.async_copy(dst_hbm.at[wid, e0 + 2], idx0, is0)
            pltpu.make_async_copy(ones_v, acc_sh.at[idx1.at[0]], ss1).wait()
            pltpu.async_copy(dst_hbm.at[wid, e1 + 2], idx1, is1)
            return carry

        lax.fori_loop(0, _CHD // 2 - 1, body, 0)
        pltpu.make_async_copy(dst_hbm.at[wid, 0], idx0, is0).wait()
        pltpu.sync_copy(ones_v, acc_sh.at[idx0.at[0]], add=True)
        pltpu.make_async_copy(dst_hbm.at[wid, 0], idx1, is1).wait()
        pltpu.sync_copy(ones_v, acc_sh.at[idx1.at[0]], add=True)
        plsc.subcore_barrier()
        pltpu.sync_copy(acc_sh.at[pl.ds(s * _RPS, _RPS)],
                        out_hbm.at[c].at[pl.ds(s * _RPS, _RPS)])

    @functools.partial(
        pl.kernel,
        mesh=mesh,
        out_type=jax.ShapeDtypeStruct((_NC, _NP, _D), jnp.float32),
        scratch_types=(
            [pltpu.VMEM((2, _CBA), jnp.int32)] * 4
            + [pltpu.VMEM((_CBA, _D), jnp.float32)] * 4
            + [pltpu.VMEM_SHARED((_NP, _D), jnp.float32)]
            + [pltpu.SemaphoreType.DMA] * 12
        ),
    )
    def sc_aggregate(y_hbm, ei_hbm, zero_hbm, out_hbm,
                     idx0, idx1, idx2, idx3, rows0, rows1, rows2, rows3,
                     acc_sh, is0, is1, is2, is3, gs0, gs1, gs2, gs3,
                     ss0, ss1, ss2, ss3):
        c = lax.axis_index("c")
        s = lax.axis_index("s")
        wid = s * _NC + c
        pltpu.sync_copy(zero_hbm, acc_sh.at[pl.ds(s * _RPS, _RPS)])
        plsc.subcore_barrier()

        nch = lax.select(c == _FAST, _CHF, _CHS)
        pltpu.async_copy(ei_hbm.at[wid, 0], idx0, is0)
        pltpu.async_copy(ei_hbm.at[wid, 1], idx1, is1)
        pltpu.async_copy(ei_hbm.at[wid, 2], idx2, is2)
        pltpu.async_copy(ei_hbm.at[wid, 3], idx3, is3)
        pltpu.make_async_copy(ei_hbm.at[wid, 0], idx0, is0).wait()
        pltpu.async_copy(y_hbm.at[idx0.at[0]], rows0, gs0)
        pltpu.make_async_copy(ei_hbm.at[wid, 0], idx1, is1).wait()
        pltpu.async_copy(y_hbm.at[idx1.at[0]], rows1, gs1)
        pltpu.make_async_copy(ei_hbm.at[wid, 0], idx2, is2).wait()
        pltpu.async_copy(y_hbm.at[idx2.at[0]], rows2, gs2)

        def body(j, carry):
            e0 = 4 * j
            pltpu.make_async_copy(y_hbm.at[idx0.at[0]], rows0, gs0).wait()
            pltpu.async_copy(rows0, acc_sh.at[idx0.at[1]], ss0, add=True)
            pltpu.make_async_copy(ei_hbm.at[wid, 0], idx3, is3).wait()
            pltpu.async_copy(y_hbm.at[idx3.at[0]], rows3, gs3)
            pltpu.make_async_copy(rows0, acc_sh.at[idx0.at[1]], ss0).wait()
            pltpu.async_copy(ei_hbm.at[wid, e0 + 4], idx0, is0)
            pltpu.make_async_copy(y_hbm.at[idx1.at[0]], rows1, gs1).wait()
            pltpu.async_copy(rows1, acc_sh.at[idx1.at[1]], ss1, add=True)
            pltpu.make_async_copy(ei_hbm.at[wid, 0], idx0, is0).wait()
            pltpu.async_copy(y_hbm.at[idx0.at[0]], rows0, gs0)
            pltpu.make_async_copy(rows1, acc_sh.at[idx1.at[1]], ss1).wait()
            pltpu.async_copy(ei_hbm.at[wid, e0 + 5], idx1, is1)
            pltpu.make_async_copy(y_hbm.at[idx2.at[0]], rows2, gs2).wait()
            pltpu.async_copy(rows2, acc_sh.at[idx2.at[1]], ss2, add=True)
            pltpu.make_async_copy(ei_hbm.at[wid, 0], idx1, is1).wait()
            pltpu.async_copy(y_hbm.at[idx1.at[0]], rows1, gs1)
            pltpu.make_async_copy(rows2, acc_sh.at[idx2.at[1]], ss2).wait()
            pltpu.async_copy(ei_hbm.at[wid, e0 + 6], idx2, is2)
            pltpu.make_async_copy(y_hbm.at[idx3.at[0]], rows3, gs3).wait()
            pltpu.async_copy(rows3, acc_sh.at[idx3.at[1]], ss3, add=True)
            pltpu.make_async_copy(ei_hbm.at[wid, 0], idx2, is2).wait()
            pltpu.async_copy(y_hbm.at[idx2.at[0]], rows2, gs2)
            pltpu.make_async_copy(rows3, acc_sh.at[idx3.at[1]], ss3).wait()
            pltpu.async_copy(ei_hbm.at[wid, e0 + 7], idx3, is3)
            return carry

        lax.fori_loop(0, nch // 4 - 1, body, 0)
        pltpu.make_async_copy(y_hbm.at[idx0.at[0]], rows0, gs0).wait()
        pltpu.sync_copy(rows0, acc_sh.at[idx0.at[1]], add=True)
        pltpu.make_async_copy(y_hbm.at[idx1.at[0]], rows1, gs1).wait()
        pltpu.sync_copy(rows1, acc_sh.at[idx1.at[1]], add=True)
        pltpu.make_async_copy(y_hbm.at[idx2.at[0]], rows2, gs2).wait()
        pltpu.sync_copy(rows2, acc_sh.at[idx2.at[1]], add=True)
        pltpu.make_async_copy(ei_hbm.at[wid, 0], idx3, is3).wait()
        pltpu.sync_copy(y_hbm.at[idx3.at[0]], rows3)
        pltpu.sync_copy(rows3, acc_sh.at[idx3.at[1]], add=True)
        plsc.subcore_barrier()
        pltpu.sync_copy(acc_sh.at[pl.ds(s * _RPS, _RPS)],
                        out_hbm.at[c].at[pl.ds(s * _RPS, _RPS)])

    return sc_degree, sc_aggregate


def _tc_matmul1(x_p, W):
    def body(x_ref, w_ref, xw_ref):
        xw_ref[...] = jnp.dot(x_ref[...], w_ref[...],
                              preferred_element_type=jnp.float32)

    return pl.pallas_call(
        body,
        grid=(_NP // _R,),
        in_specs=[
            pl.BlockSpec((_R, _D), lambda i: (i, 0)),
            pl.BlockSpec((_D, _D), lambda i: (0, 0)),
        ],
        out_specs=pl.BlockSpec((_R, _D), lambda i: (i, 0)),
        out_shape=jax.ShapeDtypeStruct((_NP, _D), jnp.float32),
    )(x_p, W)


def _tc_scale(degp, xw):
    def body(deg_ref, xw_ref, y_ref, dinv_ref):
        deg = deg_ref[0] + deg_ref[1] + 1.0
        dinv = lax.rsqrt(deg)
        y_ref[...] = dinv * xw_ref[...]
        dinv_ref[...] = dinv

    return pl.pallas_call(
        body,
        grid=(_NP // _R,),
        in_specs=[
            pl.BlockSpec((_NC, _R, _DW), lambda i: (0, i, 0)),
            pl.BlockSpec((_R, _D), lambda i: (i, 0)),
        ],
        out_specs=[
            pl.BlockSpec((_R, _D), lambda i: (i, 0)),
            pl.BlockSpec((_R, _DW), lambda i: (i, 0)),
        ],
        out_shape=[
            jax.ShapeDtypeStruct((_NP, _D), jnp.float32),
            jax.ShapeDtypeStruct((_NP, _DW), jnp.float32),
        ],
    )(degp, xw)


def _tc_mid(parts, xw1, dinv, b1, W2):
    def body(p_ref, xw_ref, dinv_ref, b_ref, w_ref, y_ref, xw2_ref):
        dv = dinv_ref[...]
        h = dv * (p_ref[0] + p_ref[1]) + (dv * dv) * xw_ref[...] + b_ref[...]
        h = jnp.maximum(h, 0.0)
        xw2 = jnp.dot(h, w_ref[...], preferred_element_type=jnp.float32)
        y_ref[...] = dv * xw2
        xw2_ref[...] = xw2

    return pl.pallas_call(
        body,
        grid=(_NP // _R,),
        in_specs=[
            pl.BlockSpec((_NC, _R, _D), lambda i: (0, i, 0)),
            pl.BlockSpec((_R, _D), lambda i: (i, 0)),
            pl.BlockSpec((_R, _DW), lambda i: (i, 0)),
            pl.BlockSpec((1, _D), lambda i: (0, 0)),
            pl.BlockSpec((_D, _D), lambda i: (0, 0)),
        ],
        out_specs=[
            pl.BlockSpec((_R, _D), lambda i: (i, 0)),
            pl.BlockSpec((_R, _D), lambda i: (i, 0)),
        ],
        out_shape=[
            jax.ShapeDtypeStruct((_NP, _D), jnp.float32),
            jax.ShapeDtypeStruct((_NP, _D), jnp.float32),
        ],
    )(parts, xw1, dinv, b1, W2)


def _tc_final(parts, xw2, dinv, b2):
    def body(p_ref, xw_ref, dinv_ref, b_ref, o_ref):
        dv = dinv_ref[...]
        o_ref[...] = dv * (p_ref[0] + p_ref[1]) + (dv * dv) * xw_ref[...] + b_ref[...]

    return pl.pallas_call(
        body,
        grid=(_NP // _R,),
        in_specs=[
            pl.BlockSpec((_NC, _R, _D), lambda i: (0, i, 0)),
            pl.BlockSpec((_R, _D), lambda i: (i, 0)),
            pl.BlockSpec((_R, _DW), lambda i: (i, 0)),
            pl.BlockSpec((1, _D), lambda i: (0, 0)),
        ],
        out_specs=pl.BlockSpec((_R, _D), lambda i: (i, 0)),
        out_shape=jax.ShapeDtypeStruct((_NP, _D), jnp.float32),
    )(parts, xw2, dinv, b2)


def _split_edges(v):
    esr = (_E - (_NW // _NC) * _EF) // (_NW // _NC)
    slow_base = (_NW // _NC) * _EF
    rows = []
    for wid in range(_NW):
        k = wid // _NC
        if wid % _NC == _FAST:
            r = v[k * _EF:(k + 1) * _EF]
        else:
            r = v[slow_base + k * esr: slow_base + (k + 1) * esr]
            r = jnp.concatenate([r, jnp.full((_EF - esr,), _N, jnp.int32)])
        rows.append(r)
    return jnp.stack(rows).reshape(_NW, _CHF, _CBA)


def kernel(x, edge_index, W1, b1, W2, b2):
    src = edge_index[0].astype(jnp.int32)
    dst = edge_index[1].astype(jnp.int32)
    pad = jnp.full((_EP - _E,), _N, dtype=jnp.int32)
    dst_deg = jnp.concatenate([dst, pad]).reshape(_NW, _CHD, 1, _CBD)
    ei_a = jnp.stack([_split_edges(src), _split_edges(dst)], axis=2)
    x_p = jnp.pad(x, ((0, _NP - _N), (0, 0)))
    ones_dw = jnp.ones((_CBD, _DW), jnp.float32)
    zero_d = jnp.zeros((_RPS, _D), jnp.float32)

    sc_degree, sc_aggregate = _sc_kernels()
    degp = sc_degree(dst_deg, ones_dw, zero_d)
    xw1 = _tc_matmul1(x_p, W1)
    y1, dinv = _tc_scale(degp, xw1)
    p1 = sc_aggregate(y1, ei_a, zero_d)
    y2, xw2 = _tc_mid(p1, xw1, dinv, b1.reshape(1, _D), W2)
    p2 = sc_aggregate(y2, ei_a, zero_d)
    out = _tc_final(p2, xw2, dinv, b2.reshape(1, _D))
    return out[:_N]

# --- scband reference (transcript-rebuilt; emitter-appended) ---
"""Pipeline reference for scband-gcnencoder-26061861552478 (READ-ONLY COPY).

The authoritative reference and input builder live on the scoring server;
editing this copy changes nothing except your own understanding.
"""

import jax, jax.numpy as jnp
import numpy as np

N = 10000
E = 320000
D_IN = 128
D_HID = 128
D_OUT = 128


def _gcn_conv(x, src, dst, W, b, n):
    # x' = D^{-1/2} (A + I) D^{-1/2} X W + b  (PyG GCNConv with add_self_loops=True)
    loop = jnp.arange(n, dtype=src.dtype)
    src_l = jnp.concatenate([src, loop])
    dst_l = jnp.concatenate([dst, loop])
    xw = x @ W
    ones = jnp.ones(src_l.shape[0], dtype=xw.dtype)
    deg = jnp.zeros((n,), dtype=xw.dtype).at[dst_l].add(ones)
    dinv = jnp.where(deg > 0, jax.lax.rsqrt(deg), 0.0)
    norm = dinv[src_l] * dinv[dst_l]
    msgs = xw[src_l] * norm[:, None]
    out = jnp.zeros((n, xw.shape[1]), dtype=xw.dtype).at[dst_l].add(msgs)
    return out + b


def setup_inputs(seed: int = 0) -> dict:
    key = jax.random.key(seed)
    k1, k2, k3, k4, k5, k6 = jax.random.split(key, 6)
    x = jax.random.normal(k1, (N, D_IN), dtype=jnp.float32)
    edge_index = jax.random.randint(k2, (2, E), 0, N)
    W1 = jax.random.normal(k3, (D_IN, D_HID), dtype=jnp.float32) * (1.0 / np.sqrt(D_IN))
    b1 = jnp.zeros((D_HID,), dtype=jnp.float32)
    W2 = jax.random.normal(k4, (D_HID, D_OUT), dtype=jnp.float32) * (1.0 / np.sqrt(D_HID))
    b2 = jnp.zeros((D_OUT,), dtype=jnp.float32)
    return {"x": x, "edge_index": edge_index, "W1": W1, "b1": b1, "W2": W2, "b2": b2}


def reference(x, edge_index, W1, b1, W2, b2):
    src = edge_index[0]
    dst = edge_index[1]
    h = _gcn_conv(x, src, dst, W1, b1, N)
    h = jax.nn.relu(h)
    # dropout p=0.0 (eval) -> identity
    out = _gcn_conv(h, src, dst, W2, b2, N)
    return out

if __name__ == "__main__":
    import jax
    _d = setup_inputs()
    print(jax.jit(kernel)(*tuple(_d.values())))

</pallas_src>

<mosaic_0001>
#map = affine_map<(d0, d1) -> (0, 0, 0, 0)>
#map1 = affine_map<(d0, d1) -> (0, 0)>
#map2 = affine_map<(d0, d1) -> (0, 0, 0)>
module attributes {stable_mosaic.version = 14 : i64} {
  func.func @sc_degree(%arg0: i32, %arg1: i32, %arg2: memref<32x158x1x64xi32, #tpu.memory_space<hbm>>, %arg3: memref<64x128xf32, #tpu.memory_space<hbm>>, %arg4: memref<640x128xf32, #tpu.memory_space<hbm>>, %arg5: memref<2x10240x128xf32, #tpu.memory_space<hbm>>, %arg6: memref<1x64xi32, #tpu.memory_space<vmem>>, %arg7: memref<1x64xi32, #tpu.memory_space<vmem>>, %arg8: memref<64x128xf32, #tpu.memory_space<vmem>>, %arg9: memref<10240x128xf32, #tpu.memory_space<vmem_shared>>, %arg10: memref<!tpu.dma_semaphore, #tpu.memory_space<semaphore_mem>>, %arg11: memref<!tpu.dma_semaphore, #tpu.memory_space<semaphore_mem>>, %arg12: memref<!tpu.dma_semaphore, #tpu.memory_space<semaphore_mem>>, %arg13: memref<!tpu.dma_semaphore, #tpu.memory_space<semaphore_mem>>) attributes {dimension_semantics = [#tpu.dimension_semantics<core_parallel>, #tpu.dimension_semantics<subcore_parallel>], iteration_bounds = array<i64: 2, 16>, scalar_prefetch = 0 : i64, scratch_operands = 8 : i64, tpu.core_type = #tpu.core_type<sc_vector_subcore>, window_params = [{transform_indices = #map}, {transform_indices = #map1}, {transform_indices = #map1}, {transform_indices = #map2}]} {
    %mul3A = arith.constant 2 : i32
    %mul3A_0 = arith.muli %arg1, %mul3A : i32
    %add3A = arith.addi %mul3A_0, %arg0 : i32
    "tpu.region"() ({
      %run_scoped3A_48 = tpu.sem_alloc : memref<!tpu.dma_semaphore, #tpu.memory_space<semaphore_mem>>
      tpu.enqueue_dma source(%arg3 : memref<64x128xf32, #tpu.memory_space<hbm>>) target(%arg8 : memref<64x128xf32, #tpu.memory_space<vmem>>) target_semaphore(%run_scoped3A_48 : memref<!tpu.dma_semaphore, #tpu.memory_space<semaphore_mem>>)
      tpu.wait_dma2 semaphore(%run_scoped3A_48 : memref<!tpu.dma_semaphore, #tpu.memory_space<semaphore_mem>>) src(%arg3 : memref<64x128xf32, #tpu.memory_space<hbm>>) dst(%arg8 : memref<64x128xf32, #tpu.memory_space<vmem>>)
      tpu.yield
    }) : () -> ()
    %mul3A_1 = arith.constant 640 : i32
    %mul3A_2 = arith.muli %arg1, %mul3A_1 : i32
    "tpu.region"() ({
      %run_scoped3A_48 = tpu.sem_alloc : memref<!tpu.dma_semaphore, #tpu.memory_space<semaphore_mem>>
      %dma_start3A_49 = arith.constant 0 : i32
      %dma_start3A_50 = tpu.memref_slice %arg9[%mul3A_2, %dma_start3A_49] : memref<10240x128xf32, #tpu.memory_space<vmem_shared>> -> memref<640x128xf32, #tpu.memory_space<vmem_shared>>
      tpu.enqueue_dma source(%arg4 : memref<640x128xf32, #tpu.memory_space<hbm>>) target(%dma_start3A_50 : memref<640x128xf32, #tpu.memory_space<vmem_shared>>) target_semaphore(%run_scoped3A_48 : memref<!tpu.dma_semaphore, #tpu.memory_space<semaphore_mem>>)
      %dma_wait3A_51 = arith.constant 0 : i32
      %dma_wait3A_52 = tpu.memref_slice %arg9[%mul3A_2, %dma_wait3A_51] : memref<10240x128xf32, #tpu.memory_space<vmem_shared>> -> memref<640x128xf32, #tpu.memory_space<vmem_shared>>
      tpu.wait_dma2 semaphore(%run_scoped3A_48 : memref<!tpu.dma_semaphore, #tpu.memory_space<semaphore_mem>>) src(%arg4 : memref<640x128xf32, #tpu.memory_space<hbm>>) dst(%dma_wait3A_52 : memref<640x128xf32, #tpu.memory_space<vmem_shared>>)
      tpu.yield
    }) : () -> ()
    %barrier3A = arith.constant 0 : index
    tpu.barrier barrier_id(%barrier3A)
    %dma_start3A = arith.constant 0 : i32
    %dma_start3A_3 = arith.constant 0 : i32
    %dma_start3A_4 = arith.constant 0 : i32
    %dma_start3A_5 = tpu.memref_slice %arg2[%add3A, %dma_start3A, %dma_start3A_3, %dma_start3A_4] : memref<32x158x1x64xi32, #tpu.memory_space<hbm>> -> memref<1x1x1x64xi32, #tpu.memory_space<hbm>>
    %dma_start3A_6 = tpu.memref_squeeze %dma_start3A_5 : memref<1x1x1x64xi32, #tpu.memory_space<hbm>> -> memref<1x64xi32, #tpu.memory_space<hbm>>
    %dma_start3A_7 = arith.constant 0 : i32
    %dma_start3A_8 = arith.constant 0 : i32
    %dma_start3A_9 = tpu.memref_slice %arg2[%add3A, %dma_start3A, %dma_start3A_7, %dma_start3A_8] : memref<32x158x1x64xi32, #tpu.memory_space<hbm>> -> memref<1x1x1x64xi32, #tpu.memory_space<hbm>>
    %dma_start3A_10 = tpu.memref_squeeze %dma_start3A_9 : memref<1x1x1x64xi32, #tpu.memory_space<hbm>> -> memref<1x64xi32, #tpu.memory_space<hbm>>
    tpu.enqueue_dma source(%dma_start3A_10 : memref<1x64xi32, #tpu.memory_space<hbm>>) target(%arg6 : memref<1x64xi32, #tpu.memory_space<vmem>>) target_semaphore(%arg10 : memref<!tpu.dma_semaphore, #tpu.memory_space<semaphore_mem>>)
    %dma_start3A_11 = arith.constant 1 : i32
    %dma_start3A_12 = arith.constant 0 : i32
    %dma_start3A_13 = arith.constant 0 : i32
    %dma_start3A_14 = tpu.memref_slice %arg2[%add3A, %dma_start3A_11, %dma_start3A_12, %dma_start3A_13] : memref<32x158x1x64xi32, #tpu.memory_space<hbm>> -> memref<1x1x1x64xi32, #tpu.memory_space<hbm>>
    %dma_start3A_15 = tpu.memref_squeeze %dma_start3A_14 : memref<1x1x1x64xi32, #tpu.memory_space<hbm>> -> memref<1x64xi32, #tpu.memory_space<hbm>>
    %dma_start3A_16 = arith.constant 0 : i32
    %dma_start3A_17 = arith.constant 0 : i32
    %dma_start3A_18 = tpu.memref_slice %arg2[%add3A, %dma_start3A_11, %dma_start3A_16, %dma_start3A_17] : memref<32x158x1x64xi32, #tpu.memory_space<hbm>> -> memref<1x1x1x64xi32, #tpu.memory_space<hbm>>
    %dma_start3A_19 = tpu.memref_squeeze %dma_start3A_18 : memref<1x1x1x64xi32, #tpu.memory_space<hbm>> -> memref<1x64xi32, #tpu.memory_space<hbm>>
    tpu.enqueue_dma source(%dma_start3A_19 : memref<1x64xi32, #tpu.memory_space<hbm>>) target(%arg7 : memref<1x64xi32, #tpu.memory_space<vmem>>) target_semaphore(%arg11 : memref<!tpu.dma_semaphore, #tpu.memory_space<semaphore_mem>>)
    %scan3A = arith.constant 0 : i32
    %scan3A_20 = arith.constant 0 : i32
    %scan3A_21 = arith.constant 78 : i32
    %scan3A_22 = arith.addi %scan3A_20, %scan3A_21 : i32
    %scan3A_23 = arith.constant 1 : i32
    scf.for %scan3A_48 = %scan3A_20 to %scan3A_22 step %scan3A_23  : i32 {
      %mul3A_49 = arith.constant 2 : i32
      %mul3A_50 = arith.muli %mul3A_49, %scan3A_48 : i32
      %mul3A_51 = arith.constant 2 : i32
      %mul3A_52 = arith.muli %mul3A_51, %scan3A_48 : i32
      %add3A_53 = arith.constant 1 : i32
      %add3A_54 = arith.addi %mul3A_52, %add3A_53 : i32
      %dma_wait3A_55 = arith.constant 0 : i32
      %dma_wait3A_56 = arith.constant 0 : i32
      %dma_wait3A_57 = tpu.memref_slice %arg2[%add3A, %mul3A_50, %dma_wait3A_55, %dma_wait3A_56] : memref<32x158x1x64xi32, #tpu.memory_space<hbm>> -> memref<1x1x1x64xi32, #tpu.memory_space<hbm>>
      %dma_wait3A_58 = tpu.memref_squeeze %dma_wait3A_57 : memref<1x1x1x64xi32, #tpu.memory_space<hbm>> -> memref<1x64xi32, #tpu.memory_space<hbm>>
      %dma_wait3A_59 = arith.constant 0 : i32
      %dma_wait3A_60 = arith.constant 0 : i32
      %dma_wait3A_61 = tpu.memref_slice %arg2[%add3A, %mul3A_50, %dma_wait3A_59, %dma_wait3A_60] : memref<32x158x1x64xi32, #tpu.memory_space<hbm>> -> memref<1x1x1x64xi32, #tpu.memory_space<hbm>>
      %dma_wait3A_62 = tpu.memref_squeeze %dma_wait3A_61 : memref<1x1x1x64xi32, #tpu.memory_space<hbm>> -> memref<1x64xi32, #tpu.memory_space<hbm>>
      tpu.wait_dma2 semaphore(%arg10 : memref<!tpu.dma_semaphore, #tpu.memory_space<semaphore_mem>>) src(%dma_wait3A_62 : memref<1x64xi32, #tpu.memory_space<hbm>>) dst(%arg6 : memref<1x64xi32, #tpu.memory_space<vmem>>)
      %dma_start3A_63 = arith.constant 0 : i32
      %dma_start3A_64 = arith.constant 0 : i32
      %dma_start3A_65 = tpu.memref_slice %arg6[%dma_start3A_63, %dma_start3A_64] : memref<1x64xi32, #tpu.memory_space<vmem>> -> memref<1x64xi32, #tpu.memory_space<vmem>>
      %dma_start3A_66 = tpu.memref_squeeze %dma_start3A_65 : memref<1x64xi32, #tpu.memory_space<vmem>> -> memref<64xi32, #tpu.memory_space<vmem>>
      %dma_start3A_67 = arith.constant 0 : i32
      %dma_start3A_68 = arith.constant 0 : i32
      %dma_start3A_69 = tpu.memref_slice %arg9[%dma_start3A_67, %dma_start3A_68] : memref<10240x128xf32, #tpu.memory_space<vmem_shared>> -> memref<10240x128xf32, #tpu.memory_space<vmem_shared>>
      tpu.enqueue_indirect_dma source(%arg8 : memref<64x128xf32, #tpu.memory_space<vmem>>) target(%dma_start3A_69 : memref<10240x128xf32, #tpu.memory_space<vmem_shared>>) offsets(%dma_start3A_66 : memref<64xi32, #tpu.memory_space<vmem>>) semaphore(%arg12 : memref<!tpu.dma_semaphore, #tpu.memory_space<semaphore_mem>>) {add = true}
      %dma_wait3A_70 = arith.constant 0 : i32
      %dma_wait3A_71 = arith.constant 0 : i32
      %dma_wait3A_72 = tpu.memref_slice %arg2[%add3A, %add3A_54, %dma_wait3A_70, %dma_wait3A_71] : memref<32x158x1x64xi32, #tpu.memory_space<hbm>> -> memref<1x1x1x64xi32, #tpu.memory_space<hbm>>
      %dma_wait3A_73 = tpu.memref_squeeze %dma_wait3A_72 : memref<1x1x1x64xi32, #tpu.memory_space<hbm>> -> memref<1x64xi32, #tpu.memory_space<hbm>>
      %dma_wait3A_74 = arith.constant 0 : i32
      %dma_wait3A_75 = arith.constant 0 : i32
      %dma_wait3A_76 = tpu.memref_slice %arg2[%add3A, %add3A_54, %dma_wait3A_74, %dma_wait3A_75] : memref<32x158x1x64xi32, #tpu.memory_space<hbm>> -> memref<1x1x1x64xi32, #tpu.memory_space<hbm>>
      %dma_wait3A_77 = tpu.memref_squeeze %dma_wait3A_76 : memref<1x1x1x64xi32, #tpu.memory_space<hbm>> -> memref<1x64xi32, #tpu.memory_space<hbm>>
      tpu.wait_dma2 semaphore(%arg11 : memref<!tpu.dma_semaphore, #tpu.memory_space<semaphore_mem>>) src(%dma_wait3A_77 : memref<1x64xi32, #tpu.memory_space<hbm>>) dst(%arg7 : memref<1x64xi32, #tpu.memory_space<vmem>>)
      %dma_start3A_78 = arith.constant 0 : i32
      %dma_start3A_79 = arith.constant 0 : i32
      %dma_start3A_80 = tpu.memref_slice %arg7[%dma_start3A_78, %dma_start3A_79] : memref<1x64xi32, #tpu.memory_space<vmem>> -> memref<1x64xi32, #tpu.memory_space<vmem>>
      %dma_start3A_81 = tpu.memref_squeeze %dma_start3A_80 : memref<1x64xi32, #tpu.memory_space<vmem>> -> memref<64xi32, #tpu.memory_space<vmem>>
      %dma_start3A_82 = arith.constant 0 : i32
      %dma_start3A_83 = arith.constant 0 : i32
      %dma_start3A_84 = tpu.memref_slice %arg9[%dma_start3A_82, %dma_start3A_83] : memref<10240x128xf32, #tpu.memory_space<vmem_shared>> -> memref<10240x128xf32, #tpu.memory_space<vmem_shared>>
      tpu.enqueue_indirect_dma source(%arg8 : memref<64x128xf32, #tpu.memory_space<vmem>>) target(%dma_start3A_84 : memref<10240x128xf32, #tpu.memory_space<vmem_shared>>) offsets(%dma_start3A_81 : memref<64xi32, #tpu.memory_space<vmem>>) semaphore(%arg13 : memref<!tpu.dma_semaphore, #tpu.memory_space<semaphore_mem>>) {add = true}
      %dma_wait3A_85 = arith.constant 0 : i32
      %dma_wait3A_86 = arith.constant 0 : i32
      %dma_wait3A_87 = tpu.memref_slice %arg6[%dma_wait3A_85, %dma_wait3A_86] : memref<1x64xi32, #tpu.memory_space<vmem>> -> memref<1x64xi32, #tpu.memory_space<vmem>>
      %dma_wait3A_88 = tpu.memref_squeeze %dma_wait3A_87 : memref<1x64xi32, #tpu.memory_space<vmem>> -> memref<64xi32, #tpu.memory_space<vmem>>
      %dma_wait3A_89 = arith.constant 0 : i32
      %dma_wait3A_90 = arith.constant 0 : i32
      %dma_wait3A_91 = tpu.memref_slice %arg9[%dma_wait3A_89, %dma_wait3A_90] : memref<10240x128xf32, #tpu.memory_space<vmem_shared>> -> memref<10240x128xf32, #tpu.memory_space<vmem_shared>>
      tpu.wait_indirect_dma semaphore(%arg12 : memref<!tpu.dma_semaphore, #tpu.memory_space<semaphore_mem>>) src(%arg8 : memref<64x128xf32, #tpu.memory_space<vmem>>) dst(%dma_wait3A_91 : memref<10240x128xf32, #tpu.memory_space<vmem_shared>>)
      %add3A_92 = arith.constant 2 : i32
      %add3A_93 = arith.addi %mul3A_50, %add3A_92 : i32
      %dma_start3A_94 = arith.constant 0 : i32
      %dma_start3A_95 = arith.constant 0 : i32
      %dma_start3A_96 = tpu.memref_slice %arg2[%add3A, %add3A_93, %dma_start3A_94, %dma_start3A_95] : memref<32x158x1x64xi32, #tpu.memory_space<hbm>> -> memref<1x1x1x64xi32, #tpu.memory_space<hbm>>
      %dma_start3A_97 = tpu.memref_squeeze %dma_start3A_96 : memref<1x1x1x64xi32, #tpu.memory_space<hbm>> -> memref<1x64xi32, #tpu.memory_space<hbm>>
      %dma_start3A_98 = arith.constant 0 : i32
      %dma_start3A_99 = arith.constant 0 : i32
      %dma_start3A_100 = tpu.memref_slice %arg2[%add3A, %add3A_93, %dma_start3A_98, %dma_start3A_99] : memref<32x158x1x64xi32, #tpu.memory_space<hbm>> -> memref<1x1x1x64xi32, #tpu.memory_space<hbm>>
      %dma_start3A_101 = tpu.memref_squeeze %dma_start3A_100 : memref<1x1x1x64xi32, #tpu.memory_space<hbm>> -> memref<1x64xi32, #tpu.memory_space<hbm>>
      tpu.enqueue_dma source(%dma_start3A_101 : memref<1x64xi32, #tpu.memory_space<hbm>>) target(%arg6 : memref<1x64xi32, #tpu.memory_space<vmem>>) target_semaphore(%arg10 : memref<!tpu.dma_semaphore, #tpu.memory_space<semaphore_mem>>)
      %dma_wait3A_102 = arith.constant 0 : i32
      %dma_wait3A_103 = arith.constant 0 : i32
      %dma_wait3A_104 = tpu.memref_slice %arg7[%dma_wait3A_102, %dma_wait3A_103] : memref<1x64xi32, #tpu.memory_space<vmem>> -> memref<1x64xi32, #tpu.memory_space<vmem>>
      %dma_wait3A_105 = tpu.memref_squeeze %dma_wait3A_104 : memref<1x64xi32, #tpu.memory_space<vmem>> -> memref<64xi32, #tpu.memory_space<vmem>>
      %dma_wait3A_106 = arith.constant 0 : i32
      %dma_wait3A_107 = arith.constant 0 : i32
      %dma_wait3A_108 = tpu.memref_slice %arg9[%dma_wait3A_106, %dma_wait3A_107] : memref<10240x128xf32, #tpu.memory_space<vmem_shared>> -> memref<10240x128xf32, #tpu.memory_space<vmem_shared>>
      tpu.wait_indirect_dma semaphore(%arg13 : memref<!tpu.dma_semaphore, #tpu.memory_space<semaphore_mem>>) src(%arg8 : memref<64x128xf32, #tpu.memory_space<vmem>>) dst(%dma_wait3A_108 : memref<10240x128xf32, #tpu.memory_space<vmem_shared>>)
      %add3A_109 = arith.constant 2 : i32
      %add3A_110 = arith.addi %add3A_54, %add3A_109 : i32
      %dma_start3A_111 = arith.constant 0 : i32
      %dma_start3A_112 = arith.constant 0 : i32
      %dma_start3A_113 = tpu.memref_slice %arg2[%add3A, %add3A_110, %dma_start3A_111, %dma_start3A_112] : memref<32x158x1x64xi32, #tpu.memory_space<hbm>> -> memref<1x1x1x64xi32, #tpu.memory_space<hbm>>
      %dma_start3A_114 = tpu.memref_squeeze %dma_start3A_113 : memref<1x1x1x64xi32, #tpu.memory_space<hbm>> -> memref<1x64xi32, #tpu.memory_space<hbm>>
      %dma_start3A_115 = arith.constant 0 : i32
      %dma_start3A_116 = arith.constant 0 : i32
      %dma_start3A_117 = tpu.memref_slice %arg2[%add3A, %add3A_110, %dma_start3A_115, %dma_start3A_116] : memref<32x158x1x64xi32, #tpu.memory_space<hbm>> -> memref<1x1x1x64xi32, #tpu.memory_space<hbm>>
      %dma_start3A_118 = tpu.memref_squeeze %dma_start3A_117 : memref<1x1x1x64xi32, #tpu.memory_space<hbm>> -> memref<1x64xi32, #tpu.memory_space<hbm>>
      tpu.enqueue_dma source(%dma_start3A_118 : memref<1x64xi32, #tpu.memory_space<hbm>>) target(%arg7 : memref<1x64xi32, #tpu.memory_space<vmem>>) target_semaphore(%arg11 : memref<!tpu.dma_semaphore, #tpu.memory_space<semaphore_mem>>)
    }
    %scan3A_24 = arith.constant 78 : i32
    %dma_wait3A = arith.constant 0 : i32
    %dma_wait3A_25 = arith.constant 0 : i32
    %dma_wait3A_26 = arith.constant 0 : i32
    %dma_wait3A_27 = tpu.memref_slice %arg2[%add3A, %dma_wait3A, %dma_wait3A_25, %dma_wait3A_26] : memref<32x158x1x64xi32, #tpu.memory_space<hbm>> -> memref<1x1x1x64xi32, #tpu.memory_space<hbm>>
    %dma_wait3A_28 = tpu.memref_squeeze %dma_wait3A_27 : memref<1x1x1x64xi32, #tpu.memory_space<hbm>> -> memref<1x64xi32, #tpu.memory_space<hbm>>
    %dma_wait3A_29 = arith.constant 0 : i32
    %dma_wait3A_30 = arith.constant 0 : i32
    %dma_wait3A_31 = tpu.memref_slice %arg2[%add3A, %dma_wait3A, %dma_wait3A_29, %dma_wait3A_30] : memref<32x158x1x64xi32, #tpu.memory_space<hbm>> -> memref<1x1x1x64xi32, #tpu.memory_space<hbm>>
    %dma_wait3A_32 = tpu.memref_squeeze %dma_wait3A_31 : memref<1x1x1x64xi32, #tpu.memory_space<hbm>> -> memref<1x64xi32, #tpu.memory_space<hbm>>
    tpu.wait_dma2 semaphore(%arg10 : memref<!tpu.dma_semaphore, #tpu.memory_space<semaphore_mem>>) src(%dma_wait3A_32 : memref<1x64xi32, #tpu.memory_space<hbm>>) dst(%arg6 : memref<1x64xi32, #tpu.memory_space<vmem>>)
    %run_scoped3A = arith.constant 0 : i32
    "tpu.region"() ({
      %run_scoped3A_48 = tpu.sem_alloc : memref<!tpu.dma_semaphore, #tpu.memory_space<semaphore_mem>>
      %dma_start3A_49 = arith.constant 0 : i32
      %dma_start3A_50 = tpu.memref_slice %arg6[%run_scoped3A, %dma_start3A_49] : memref<1x64xi32, #tpu.memory_space<vmem>> -> memref<1x64xi32, #tpu.memory_space<vmem>>
      %dma_start3A_51 = tpu.memref_squeeze %dma_start3A_50 : memref<1x64xi32, #tpu.memory_space<vmem>> -> memref<64xi32, #tpu.memory_space<vmem>>
      %dma_start3A_52 = arith.constant 0 : i32
      %dma_start3A_53 = arith.constant 0 : i32
      %dma_start3A_54 = tpu.memref_slice %arg9[%dma_start3A_52, %dma_start3A_53] : memref<10240x128xf32, #tpu.memory_space<vmem_shared>> -> memref<10240x128xf32, #tpu.memory_space<vmem_shared>>
      tpu.enqueue_indirect_dma source(%arg8 : memref<64x128xf32, #tpu.memory_space<vmem>>) target(%dma_start3A_54 : memref<10240x128xf32, #tpu.memory_space<vmem_shared>>) offsets(%dma_start3A_51 : memref<64xi32, #tpu.memory_space<vmem>>) semaphore(%run_scoped3A_48 : memref<!tpu.dma_semaphore, #tpu.memory_space<semaphore_mem>>) {add = true}
      %dma_wait3A_55 = arith.constant 0 : i32
      %dma_wait3A_56 = tpu.memref_slice %arg6[%run_scoped3A, %dma_wait3A_55] : memref<1x64xi32, #tpu.memory_space<vmem>> -> memref<1x64xi32, #tpu.memory_space<vmem>>
      %dma_wait3A_57 = tpu.memref_squeeze %dma_wait3A_56 : memref<1x64xi32, #tpu.memory_space<vmem>> -> memref<64xi32, #tpu.memory_space<vmem>>
      %dma_wait3A_58 = arith.constant 0 : i32
      %dma_wait3A_59 = arith.constant 0 : i32
      %dma_wait3A_60 = tpu.memref_slice %arg9[%dma_wait3A_58, %dma_wait3A_59] : memref<10240x128xf32, #tpu.memory_space<vmem_shared>> -> memref<10240x128xf32, #tpu.memory_space<vmem_shared>>
      tpu.wait_indirect_dma semaphore(%run_scoped3A_48 : memref<!tpu.dma_semaphore, #tpu.memory_space<semaphore_mem>>) src(%arg8 : memref<64x128xf32, #tpu.memory_space<vmem>>) dst(%dma_wait3A_60 : memref<10240x128xf32, #tpu.memory_space<vmem_shared>>)
      tpu.yield
    }) : () -> ()
    %dma_wait3A_33 = arith.constant 0 : i32
    %dma_wait3A_34 = arith.constant 0 : i32
    %dma_wait3A_35 = arith.constant 0 : i32
    %dma_wait3A_36 = tpu.memref_slice %arg2[%add3A, %dma_wait3A_33, %dma_wait3A_34, %dma_wait3A_35] : memref<32x158x1x64xi32, #tpu.memory_space<hbm>> -> memref<1x1x1x64xi32, #tpu.memory_space<hbm>>
    %dma_wait3A_37 = tpu.memref_squeeze %dma_wait3A_36 : memref<1x1x1x64xi32, #tpu.memory_space<hbm>> -> memref<1x64xi32, #tpu.memory_space<hbm>>
    %dma_wait3A_38 = arith.constant 0 : i32
    %dma_wait3A_39 = arith.constant 0 : i32
    %dma_wait3A_40 = tpu.memref_slice %arg2[%add3A, %dma_wait3A_33, %dma_wait3A_38, %dma_wait3A_39] : memref<32x158x1x64xi32, #tpu.memory_space<hbm>> -> memref<1x1x1x64xi32, #tpu.memory_space<hbm>>
    %dma_wait3A_41 = tpu.memref_squeeze %dma_wait3A_40 : memref<1x1x1x64xi32, #tpu.memory_space<hbm>> -> memref<1x64xi32, #tpu.memory_space<hbm>>
    tpu.wait_dma2 semaphore(%arg11 : memref<!tpu.dma_semaphore, #tpu.memory_space<semaphore_mem>>) src(%dma_wait3A_41 : memref<1x64xi32, #tpu.memory_space<hbm>>) dst(%arg7 : memref<1x64xi32, #tpu.memory_space<vmem>>)
    %run_scoped3A_42 = arith.constant 0 : i32
    "tpu.region"() ({
      %run_scoped3A_48 = tpu.sem_alloc : memref<!tpu.dma_semaphore, #tpu.memory_space<semaphore_mem>>
      %dma_start3A_49 = arith.constant 0 : i32
      %dma_start3A_50 = tpu.memref_slice %arg7[%run_scoped3A_42, %dma_start3A_49] : memref<1x64xi32, #tpu.memory_space<vmem>> -> memref<1x64xi32, #tpu.memory_space<vmem>>
      %dma_start3A_51 = tpu.memref_squeeze %dma_start3A_50 : memref<1x64xi32, #tpu.memory_space<vmem>> -> memref<64xi32, #tpu.memory_space<vmem>>
      %dma_start3A_52 = arith.constant 0 : i32
      %dma_start3A_53 = arith.constant 0 : i32
      %dma_start3A_54 = tpu.memref_slice %arg9[%dma_start3A_52, %dma_start3A_53] : memref<10240x128xf32, #tpu.memory_space<vmem_shared>> -> memref<10240x128xf32, #tpu.memory_space<vmem_shared>>
      tpu.enqueue_indirect_dma source(%arg8 : memref<64x128xf32, #tpu.memory_space<vmem>>) target(%dma_start3A_54 : memref<10240x128xf32, #tpu.memory_space<vmem_shared>>) offsets(%dma_start3A_51 : memref<64xi32, #tpu.memory_space<vmem>>) semaphore(%run_scoped3A_48 : memref<!tpu.dma_semaphore, #tpu.memory_space<semaphore_mem>>) {add = true}
      %dma_wait3A_55 = arith.constant 0 : i32
      %dma_wait3A_56 = tpu.memref_slice %arg7[%run_scoped3A_42, %dma_wait3A_55] : memref<1x64xi32, #tpu.memory_space<vmem>> -> memref<1x64xi32, #tpu.memory_space<vmem>>
      %dma_wait3A_57 = tpu.memref_squeeze %dma_wait3A_56 : memref<1x64xi32, #tpu.memory_space<vmem>> -> memref<64xi32, #tpu.memory_space<vmem>>
      %dma_wait3A_58 = arith.constant 0 : i32
      %dma_wait3A_59 = arith.constant 0 : i32
      %dma_wait3A_60 = tpu.memref_slice %arg9[%dma_wait3A_58, %dma_wait3A_59] : memref<10240x128xf32, #tpu.memory_space<vmem_shared>> -> memref<10240x128xf32, #tpu.memory_space<vmem_shared>>
      tpu.wait_indirect_dma semaphore(%run_scoped3A_48 : memref<!tpu.dma_semaphore, #tpu.memory_space<semaphore_mem>>) src(%arg8 : memref<64x128xf32, #tpu.memory_space<vmem>>) dst(%dma_wait3A_60 : memref<10240x128xf32, #tpu.memory_space<vmem_shared>>)
      tpu.yield
    }) : () -> ()
    %barrier3A_43 = arith.constant 0 : index
    tpu.barrier barrier_id(%barrier3A_43)
    %mul3A_44 = arith.constant 640 : i32
    %mul3A_45 = arith.muli %arg1, %mul3A_44 : i32
    %mul3A_46 = arith.constant 640 : i32
    %mul3A_47 = arith.muli %arg1, %mul3A_46 : i32
    "tpu.region"() ({
      %run_scoped3A_48 = tpu.sem_alloc : memref<!tpu.dma_semaphore, #tpu.memory_space<semaphore_mem>>
      %dma_start3A_49 = arith.constant 0 : i32
      %dma_start3A_50 = arith.constant 0 : i32
      %dma_start3A_51 = tpu.memref_slice %arg5[%arg0, %dma_start3A_49, %dma_start3A_50] : memref<2x10240x128xf32, #tpu.memory_space<hbm>> -> memref<1x10240x128xf32, #tpu.memory_space<hbm>>
      %dma_start3A_52 = tpu.memref_squeeze %dma_start3A_51 : memref<1x10240x128xf32, #tpu.memory_space<hbm>> -> memref<10240x128xf32, #tpu.memory_space<hbm>>
      %dma_start3A_53 = arith.constant 0 : i32
      %dma_start3A_54 = tpu.memref_slice %dma_start3A_52[%mul3A_47, %dma_start3A_53] : memref<10240x128xf32, #tpu.memory_space<hbm>> -> memref<640x128xf32, #tpu.memory_space<hbm>>
      %dma_start3A_55 = arith.constant 0 : i32
      %dma_start3A_56 = tpu.memref_slice %arg9[%mul3A_45, %dma_start3A_55] : memref<10240x128xf32, #tpu.memory_space<vmem_shared>> -> memref<640x128xf32, #tpu.memory_space<vmem_shared>>
      tpu.enqueue_dma source(%dma_start3A_56 : memref<640x128xf32, #tpu.memory_space<vmem_shared>>) target(%dma_start3A_54 : memref<640x128xf32, #tpu.memory_space<hbm>>) target_semaphore(%run_scoped3A_48 : memref<!tpu.dma_semaphore, #tpu.memory_space<semaphore_mem>>)
      %dma_wait3A_57 = arith.constant 0 : i32
      %dma_wait3A_58 = arith.constant 0 : i32
      %dma_wait3A_59 = tpu.memref_slice %arg5[%arg0, %dma_wait3A_57, %dma_wait3A_58] : memref<2x10240x128xf32, #tpu.memory_space<hbm>> -> memref<1x10240x128xf32, #tpu.memory_space<hbm>>
      %dma_wait3A_60 = tpu.memref_squeeze %dma_wait3A_59 : memref<1x10240x128xf32, #tpu.memory_space<hbm>> -> memref<10240x128xf32, #tpu.memory_space<hbm>>
      %dma_wait3A_61 = arith.constant 0 : i32
      %dma_wait3A_62 = tpu.memref_slice %dma_wait3A_60[%mul3A_47, %dma_wait3A_61] : memref<10240x128xf32, #tpu.memory_space<hbm>> -> memref<640x128xf32, #tpu.memory_space<hbm>>
      %dma_wait3A_63 = arith.constant 0 : i32
      %dma_wait3A_64 = tpu.memref_slice %arg9[%mul3A_45, %dma_wait3A_63] : memref<10240x128xf32, #tpu.memory_space<vmem_shared>> -> memref<640x128xf32, #tpu.memory_space<vmem_shared>>
      tpu.wait_dma2 semaphore(%run_scoped3A_48 : memref<!tpu.dma_semaphore, #tpu.memory_space<semaphore_mem>>) src(%dma_wait3A_64 : memref<640x128xf32, #tpu.memory_space<vmem_shared>>) dst(%dma_wait3A_62 : memref<640x128xf32, #tpu.memory_space<hbm>>)
      tpu.yield
    }) : () -> ()
    return
  }
}

#map = affine_map<(d0, d1) -> (0, 0)>
#map1 = affine_map<(d0, d1) -> (0, 0, 0, 0)>
#map2 = affine_map<(d0, d1) -> (0, 0, 0)>
module attributes {stable_mosaic.version = 14 : i64} {
  func.func @sc_aggregate(%arg0: i32, %arg1: i32, %arg2: memref<10240x128xf32, #tpu.memory_space<hbm>>, %arg3: memref<32x184x2x72xi32, #tpu.memory_space<hbm>>, %arg4: memref<640x128xf32, #tpu.memory_space<hbm>>, %arg5: memref<2x10240x128xf32, #tpu.memory_space<hbm>>, %arg6: memref<2x72xi32, #tpu.memory_space<vmem>>, %arg7: memref<2x72xi32, #tpu.memory_space<vmem>>, %arg8: memref<2x72xi32, #tpu.memory_space<vmem>>, %arg9: memref<2x72xi32, #tpu.memory_space<vmem>>, %arg10: memref<72x128xf32, #tpu.memory_space<vmem>>, %arg11: memref<72x128xf32, #tpu.memory_space<vmem>>, %arg12: memref<72x128xf32, #tpu.memory_space<vmem>>, %arg13: memref<72x128xf32, #tpu.memory_space<vmem>>, %arg14: memref<10240x128xf32, #tpu.memory_space<vmem_shared>>, %arg15: memref<!tpu.dma_semaphore, #tpu.memory_space<semaphore_mem>>, %arg16: memref<!tpu.dma_semaphore, #tpu.memory_space<semaphore_mem>>, %arg17: memref<!tpu.dma_semaphore, #tpu.memory_space<semaphore_mem>>, %arg18: memref<!tpu.dma_semaphore, #tpu.memory_space<semaphore_mem>>, %arg19: memref<!tpu.dma_semaphore, #tpu.memory_space<semaphore_mem>>, %arg20: memref<!tpu.dma_semaphore, #tpu.memory_space<semaphore_mem>>, %arg21: memref<!tpu.dma_semaphore, #tpu.memory_space<semaphore_mem>>, %arg22: memref<!tpu.dma_semaphore, #tpu.memory_space<semaphore_mem>>, %arg23: memref<!tpu.dma_semaphore, #tpu.memory_space<semaphore_mem>>, %arg24: memref<!tpu.dma_semaphore, #tpu.memory_space<semaphore_mem>>, %arg25: memref<!tpu.dma_semaphore, #tpu.memory_space<semaphore_mem>>, %arg26: memref<!tpu.dma_semaphore, #tpu.memory_space<semaphore_mem>>) attributes {dimension_semantics = [#tpu.dimension_semantics<core_parallel>, #tpu.dimension_semantics<subcore_parallel>], iteration_bounds = array<i64: 2, 16>, scalar_prefetch = 0 : i64, scratch_operands = 21 : i64, tpu.core_type = #tpu.core_type<sc_vector_subcore>, window_params = [{transform_indices = #map}, {transform_indices = #map1}, {transform_indices = #map}, {transform_indices = #map2}]} {
    %mul3A = arith.constant 2 : i32
    %mul3A_0 = arith.muli %arg1, %mul3A : i32
    %add3A = arith.addi %mul3A_0, %arg0 : i32
    %mul3A_1 = arith.constant 640 : i32
    %mul3A_2 = arith.muli %arg1, %mul3A_1 : i32
    "tpu.region"() ({
      %run_scoped3A_155 = tpu.sem_alloc : memref<!tpu.dma_semaphore, #tpu.memory_space<semaphore_mem>>
      %dma_start3A_156 = arith.constant 0 : i32
      %dma_start3A_157 = tpu.memref_slice %arg14[%mul3A_2, %dma_start3A_156] : memref<10240x128xf32, #tpu.memory_space<vmem_shared>> -> memref<640x128xf32, #tpu.memory_space<vmem_shared>>
      tpu.enqueue_dma source(%arg4 : memref<640x128xf32, #tpu.memory_space<hbm>>) target(%dma_start3A_157 : memref<640x128xf32, #tpu.memory_space<vmem_shared>>) target_semaphore(%run_scoped3A_155 : memref<!tpu.dma_semaphore, #tpu.memory_space<semaphore_mem>>)
      %dma_wait3A_158 = arith.constant 0 : i32
      %dma_wait3A_159 = tpu.memref_slice %arg14[%mul3A_2, %dma_wait3A_158] : memref<10240x128xf32, #tpu.memory_space<vmem_shared>> -> memref<640x128xf32, #tpu.memory_space<vmem_shared>>
      tpu.wait_dma2 semaphore(%run_scoped3A_155 : memref<!tpu.dma_semaphore, #tpu.memory_space<semaphore_mem>>) src(%arg4 : memref<640x128xf32, #tpu.memory_space<hbm>>) dst(%dma_wait3A_159 : memref<640x128xf32, #tpu.memory_space<vmem_shared>>)
      tpu.yield
    }) : () -> ()
    %barrier3A = arith.constant 0 : index
    tpu.barrier barrier_id(%barrier3A)
    %eq3A = arith.constant 0 : i32
    %eq3A_3 = arith.cmpi eq, %arg0, %eq3A : i32
    %select_n3A = arith.constant 96 : i32
    %select_n3A_4 = arith.constant 184 : i32
    %select_n3A_5 = arith.select %eq3A_3, %select_n3A_4, %select_n3A : i32
    %dma_start3A = arith.constant 0 : i32
    %dma_start3A_6 = arith.constant 0 : i32
    %dma_start3A_7 = arith.constant 0 : i32
    %dma_start3A_8 = tpu.memref_slice %arg3[%add3A, %dma_start3A, %dma_start3A_6, %dma_start3A_7] : memref<32x184x2x72xi32, #tpu.memory_space<hbm>> -> memref<1x1x2x72xi32, #tpu.memory_space<hbm>>
    %dma_start3A_9 = tpu.memref_squeeze %dma_start3A_8 : memref<1x1x2x72xi32, #tpu.memory_space<hbm>> -> memref<2x72xi32, #tpu.memory_space<hbm>>
    %dma_start3A_10 = arith.constant 0 : i32
    %dma_start3A_11 = arith.constant 0 : i32
    %dma_start3A_12 = tpu.memref_slice %arg3[%add3A, %dma_start3A, %dma_start3A_10, %dma_start3A_11] : memref<32x184x2x72xi32, #tpu.memory_space<hbm>> -> memref<1x1x2x72xi32, #tpu.memory_space<hbm>>
    %dma_start3A_13 = tpu.memref_squeeze %dma_start3A_12 : memref<1x1x2x72xi32, #tpu.memory_space<hbm>> -> memref<2x72xi32, #tpu.memory_space<hbm>>
    tpu.enqueue_dma source(%dma_start3A_13 : memref<2x72xi32, #tpu.memory_space<hbm>>) target(%arg6 : memref<2x72xi32, #tpu.memory_space<vmem>>) target_semaphore(%arg15 : memref<!tpu.dma_semaphore, #tpu.memory_space<semaphore_mem>>)
    %dma_start3A_14 = arith.constant 1 : i32
    %dma_start3A_15 = arith.constant 0 : i32
    %dma_start3A_16 = arith.constant 0 : i32
    %dma_start3A_17 = tpu.memref_slice %arg3[%add3A, %dma_start3A_14, %dma_start3A_15, %dma_start3A_16] : memref<32x184x2x72xi32, #tpu.memory_space<hbm>> -> memref<1x1x2x72xi32, #tpu.memory_space<hbm>>
    %dma_start3A_18 = tpu.memref_squeeze %dma_start3A_17 : memref<1x1x2x72xi32, #tpu.memory_space<hbm>> -> memref<2x72xi32, #tpu.memory_space<hbm>>
    %dma_start3A_19 = arith.constant 0 : i32
    %dma_start3A_20 = arith.constant 0 : i32
    %dma_start3A_21 = tpu.memref_slice %arg3[%add3A, %dma_start3A_14, %dma_start3A_19, %dma_start3A_20] : memref<32x184x2x72xi32, #tpu.memory_space<hbm>> -> memref<1x1x2x72xi32, #tpu.memory_space<hbm>>
    %dma_start3A_22 = tpu.memref_squeeze %dma_start3A_21 : memref<1x1x2x72xi32, #tpu.memory_space<hbm>> -> memref<2x72xi32, #tpu.memory_space<hbm>>
    tpu.enqueue_dma source(%dma_start3A_22 : memref<2x72xi32, #tpu.memory_space<hbm>>) target(%arg7 : memref<2x72xi32, #tpu.memory_space<vmem>>) target_semaphore(%arg16 : memref<!tpu.dma_semaphore, #tpu.memory_space<semaphore_mem>>)
    %dma_start3A_23 = arith.constant 2 : i32
    %dma_start3A_24 = arith.constant 0 : i32
    %dma_start3A_25 = arith.constant 0 : i32
    %dma_start3A_26 = tpu.memref_slice %arg3[%add3A, %dma_start3A_23, %dma_start3A_24, %dma_start3A_25] : memref<32x184x2x72xi32, #tpu.memory_space<hbm>> -> memref<1x1x2x72xi32, #tpu.memory_space<hbm>>
    %dma_start3A_27 = tpu.memref_squeeze %dma_start3A_26 : memref<1x1x2x72xi32, #tpu.memory_space<hbm>> -> memref<2x72xi32, #tpu.memory_space<hbm>>
    %dma_start3A_28 = arith.constant 0 : i32
    %dma_start3A_29 = arith.constant 0 : i32
    %dma_start3A_30 = tpu.memref_slice %arg3[%add3A, %dma_start3A_23, %dma_start3A_28, %dma_start3A_29] : memref<32x184x2x72xi32, #tpu.memory_space<hbm>> -> memref<1x1x2x72xi32, #tpu.memory_space<hbm>>
    %dma_start3A_31 = tpu.memref_squeeze %dma_start3A_30 : memref<1x1x2x72xi32, #tpu.memory_space<hbm>> -> memref<2x72xi32, #tpu.memory_space<hbm>>
    tpu.enqueue_dma source(%dma_start3A_31 : memref<2x72xi32, #tpu.memory_space<hbm>>) target(%arg8 : memref<2x72xi32, #tpu.memory_space<vmem>>) target_semaphore(%arg17 : memref<!tpu.dma_semaphore, #tpu.memory_space<semaphore_mem>>)
    %dma_start3A_32 = arith.constant 3 : i32
    %dma_start3A_33 = arith.constant 0 : i32
    %dma_start3A_34 = arith.constant 0 : i32
    %dma_start3A_35 = tpu.memref_slice %arg3[%add3A, %dma_start3A_32, %dma_start3A_33, %dma_start3A_34] : memref<32x184x2x72xi32, #tpu.memory_space<hbm>> -> memref<1x1x2x72xi32, #tpu.memory_space<hbm>>
    %dma_start3A_36 = tpu.memref_squeeze %dma_start3A_35 : memref<1x1x2x72xi32, #tpu.memory_space<hbm>> -> memref<2x72xi32, #tpu.memory_space<hbm>>
    %dma_start3A_37 = arith.constant 0 : i32
    %dma_start3A_38 = arith.constant 0 : i32
    %dma_start3A_39 = tpu.memref_slice %arg3[%add3A, %dma_start3A_32, %dma_start3A_37, %dma_start3A_38] : memref<32x184x2x72xi32, #tpu.memory_space<hbm>> -> memref<1x1x2x72xi32, #tpu.memory_space<hbm>>
    %dma_start3A_40 = tpu.memref_squeeze %dma_start3A_39 : memref<1x1x2x72xi32, #tpu.memory_space<hbm>> -> memref<2x72xi32, #tpu.memory_space<hbm>>
    tpu.enqueue_dma source(%dma_start3A_40 : memref<2x72xi32, #tpu.memory_space<hbm>>) target(%arg9 : memref<2x72xi32, #tpu.memory_space<vmem>>) target_semaphore(%arg18 : memref<!tpu.dma_semaphore, #tpu.memory_space<semaphore_mem>>)
    %dma_wait3A = arith.constant 0 : i32
    %dma_wait3A_41 = arith.constant 0 : i32
    %dma_wait3A_42 = arith.constant 0 : i32
    %dma_wait3A_43 = tpu.memref_slice %arg3[%add3A, %dma_wait3A, %dma_wait3A_41, %dma_wait3A_42] : memref<32x184x2x72xi32, #tpu.memory_space<hbm>> -> memref<1x1x2x72xi32, #tpu.memory_space<hbm>>
    %dma_wait3A_44 = tpu.memref_squeeze %dma_wait3A_43 : memref<1x1x2x72xi32, #tpu.memory_space<hbm>> -> memref<2x72xi32, #tpu.memory_space<hbm>>
    %dma_wait3A_45 = arith.constant 0 : i32
    %dma_wait3A_46 = arith.constant 0 : i32
    %dma_wait3A_47 = tpu.memref_slice %arg3[%add3A, %dma_wait3A, %dma_wait3A_45, %dma_wait3A_46] : memref<32x184x2x72xi32, #tpu.memory_space<hbm>> -> memref<1x1x2x72xi32, #tpu.memory_space<hbm>>
    %dma_wait3A_48 = tpu.memref_squeeze %dma_wait3A_47 : memref<1x1x2x72xi32, #tpu.memory_space<hbm>> -> memref<2x72xi32, #tpu.memory_space<hbm>>
    tpu.wait_dma2 semaphore(%arg15 : memref<!tpu.dma_semaphore, #tpu.memory_space<semaphore_mem>>) src(%dma_wait3A_48 : memref<2x72xi32, #tpu.memory_space<hbm>>) dst(%arg6 : memref<2x72xi32, #tpu.memory_space<vmem>>)
    %dma_start3A_49 = arith.constant 0 : i32
    %dma_start3A_50 = arith.constant 0 : i32
    %dma_start3A_51 = tpu.memref_slice %arg6[%dma_start3A_49, %dma_start3A_50] : memref<2x72xi32, #tpu.memory_space<vmem>> -> memref<1x72xi32, #tpu.memory_space<vmem>>
    %dma_start3A_52 = tpu.memref_squeeze %dma_start3A_51 : memref<1x72xi32, #tpu.memory_space<vmem>> -> memref<72xi32, #tpu.memory_space<vmem>>
    %dma_start3A_53 = arith.constant 0 : i32
    %dma_start3A_54 = arith.constant 0 : i32
    %dma_start3A_55 = tpu.memref_slice %arg2[%dma_start3A_53, %dma_start3A_54] : memref<10240x128xf32, #tpu.memory_space<hbm>> -> memref<10240x128xf32, #tpu.memory_space<hbm>>
    tpu.enqueue_indirect_dma source(%dma_start3A_55 : memref<10240x128xf32, #tpu.memory_space<hbm>>) target(%arg10 : memref<72x128xf32, #tpu.memory_space<vmem>>) offsets(%dma_start3A_52 : memref<72xi32, #tpu.memory_space<vmem>>) semaphore(%arg19 : memref<!tpu.dma_semaphore, #tpu.memory_space<semaphore_mem>>)
    %dma_wait3A_56 = arith.constant 0 : i32
    %dma_wait3A_57 = arith.constant 0 : i32
    %dma_wait3A_58 = arith.constant 0 : i32
    %dma_wait3A_59 = tpu.memref_slice %arg3[%add3A, %dma_wait3A_56, %dma_wait3A_57, %dma_wait3A_58] : memref<32x184x2x72xi32, #tpu.memory_space<hbm>> -> memref<1x1x2x72xi32, #tpu.memory_space<hbm>>
    %dma_wait3A_60 = tpu.memref_squeeze %dma_wait3A_59 : memref<1x1x2x72xi32, #tpu.memory_space<hbm>> -> memref<2x72xi32, #tpu.memory_space<hbm>>
    %dma_wait3A_61 = arith.constant 0 : i32
    %dma_wait3A_62 = arith.constant 0 : i32
    %dma_wait3A_63 = tpu.memref_slice %arg3[%add3A, %dma_wait3A_56, %dma_wait3A_61, %dma_wait3A_62] : memref<32x184x2x72xi32, #tpu.memory_space<hbm>> -> memref<1x1x2x72xi32, #tpu.memory_space<hbm>>
    %dma_wait3A_64 = tpu.memref_squeeze %dma_wait3A_63 : memref<1x1x2x72xi32, #tpu.memory_space<hbm>> -> memref<2x72xi32, #tpu.memory_space<hbm>>
    tpu.wait_dma2 semaphore(%arg16 : memref<!tpu.dma_semaphore, #tpu.memory_space<semaphore_mem>>) src(%dma_wait3A_64 : memref<2x72xi32, #tpu.memory_space<hbm>>) dst(%arg7 : memref<2x72xi32, #tpu.memory_space<vmem>>)
    %dma_start3A_65 = arith.constant 0 : i32
    %dma_start3A_66 = arith.constant 0 : i32
    %dma_start3A_67 = tpu.memref_slice %arg7[%dma_start3A_65, %dma_start3A_66] : memref<2x72xi32, #tpu.memory_space<vmem>> -> memref<1x72xi32, #tpu.memory_space<vmem>>
    %dma_start3A_68 = tpu.memref_squeeze %dma_start3A_67 : memref<1x72xi32, #tpu.memory_space<vmem>> -> memref<72xi32, #tpu.memory_space<vmem>>
    %dma_start3A_69 = arith.constant 0 : i32
    %dma_start3A_70 = arith.constant 0 : i32
    %dma_start3A_71 = tpu.memref_slice %arg2[%dma_start3A_69, %dma_start3A_70] : memref<10240x128xf32, #tpu.memory_space<hbm>> -> memref<10240x128xf32, #tpu.memory_space<hbm>>
    tpu.enqueue_indirect_dma source(%dma_start3A_71 : memref<10240x128xf32, #tpu.memory_space<hbm>>) target(%arg11 : memref<72x128xf32, #tpu.memory_space<vmem>>) offsets(%dma_start3A_68 : memref<72xi32, #tpu.memory_space<vmem>>) semaphore(%arg20 : memref<!tpu.dma_semaphore, #tpu.memory_space<semaphore_mem>>)
    %dma_wait3A_72 = arith.constant 0 : i32
    %dma_wait3A_73 = arith.constant 0 : i32
    %dma_wait3A_74 = arith.constant 0 : i32
    %dma_wait3A_75 = tpu.memref_slice %arg3[%add3A, %dma_wait3A_72, %dma_wait3A_73, %dma_wait3A_74] : memref<32x184x2x72xi32, #tpu.memory_space<hbm>> -> memref<1x1x2x72xi32, #tpu.memory_space<hbm>>
    %dma_wait3A_76 = tpu.memref_squeeze %dma_wait3A_75 : memref<1x1x2x72xi32, #tpu.memory_space<hbm>> -> memref<2x72xi32, #tpu.memory_space<hbm>>
    %dma_wait3A_77 = arith.constant 0 : i32
    %dma_wait3A_78 = arith.constant 0 : i32
    %dma_wait3A_79 = tpu.memref_slice %arg3[%add3A, %dma_wait3A_72, %dma_wait3A_77, %dma_wait3A_78] : memref<32x184x2x72xi32, #tpu.memory_space<hbm>> -> memref<1x1x2x72xi32, #tpu.memory_space<hbm>>
    %dma_wait3A_80 = tpu.memref_squeeze %dma_wait3A_79 : memref<1x1x2x72xi32, #tpu.memory_space<hbm>> -> memref<2x72xi32, #tpu.memory_space<hbm>>
    tpu.wait_dma2 semaphore(%arg17 : memref<!tpu.dma_semaphore, #tpu.memory_space<semaphore_mem>>) src(%dma_wait3A_80 : memref<2x72xi32, #tpu.memory_space<hbm>>) dst(%arg8 : memref<2x72xi32, #tpu.memory_space<vmem>>)
    %dma_start3A_81 = arith.constant 0 : i32
    %dma_start3A_82 = arith.constant 0 : i32
    %dma_start3A_83 = tpu.memref_slice %arg8[%dma_start3A_81, %dma_start3A_82] : memref<2x72xi32, #tpu.memory_space<vmem>> -> memref<1x72xi32, #tpu.memory_space<vmem>>
    %dma_start3A_84 = tpu.memref_squeeze %dma_start3A_83 : memref<1x72xi32, #tpu.memory_space<vmem>> -> memref<72xi32, #tpu.memory_space<vmem>>
    %dma_start3A_85 = arith.constant 0 : i32
    %dma_start3A_86 = arith.constant 0 : i32
    %dma_start3A_87 = tpu.memref_slice %arg2[%dma_start3A_85, %dma_start3A_86] : memref<10240x128xf32, #tpu.memory_space<hbm>> -> memref<10240x128xf32, #tpu.memory_space<hbm>>
    tpu.enqueue_indirect_dma source(%dma_start3A_87 : memref<10240x128xf32, #tpu.memory_space<hbm>>) target(%arg12 : memref<72x128xf32, #tpu.memory_space<vmem>>) offsets(%dma_start3A_84 : memref<72xi32, #tpu.memory_space<vmem>>) semaphore(%arg21 : memref<!tpu.dma_semaphore, #tpu.memory_space<semaphore_mem>>)
    %jit3A = arith.constant 4 : i32
    %div3A = arith.divsi %select_n3A_5, %jit3A : i32
    %sign3A = arith.constant 0 : i32
    %sign3A_88 = arith.cmpi sgt, %select_n3A_5, %sign3A : i32
    %sign3A_89 = arith.extui %sign3A_88 : i1 to i32
    %sign3A_90 = arith.constant 0 : i32
    %sign3A_91 = arith.cmpi slt, %select_n3A_5, %sign3A_90 : i32
    %sign3A_92 = arith.extui %sign3A_91 : i1 to i32
    %sign3A_93 = arith.subi %sign3A_89, %sign3A_92 : i32
    %sign3A_94 = arith.constant 0 : i32
    %sign3A_95 = arith.cmpi sgt, %jit3A, %sign3A_94 : i32
    %sign3A_96 = arith.extui %sign3A_95 : i1 to i32
    %sign3A_97 = arith.constant 0 : i32
    %sign3A_98 = arith.cmpi slt, %jit3A, %sign3A_97 : i32
    %sign3A_99 = arith.extui %sign3A_98 : i1 to i32
    %sign3A_100 = arith.subi %sign3A_96, %sign3A_99 : i32
    %ne3A = arith.cmpi ne, %sign3A_93, %sign3A_100 : i32
    %rem3A = arith.remsi %select_n3A_5, %jit3A : i32
    %ne3A_101 = arith.constant 0 : i32
    %ne3A_102 = arith.cmpi ne, %rem3A, %ne3A_101 : i32
    %and3A = arith.andi %ne3A, %ne3A_102 : i1
    %sub3A = arith.constant 1 : i32
    %sub3A_103 = arith.subi %div3A, %sub3A : i32
    %select_n3A_104 = arith.select %and3A, %sub3A_103, %div3A : i32
    %sub3A_105 = arith.constant 1 : i32
    %sub3A_106 = arith.subi %select_n3A_104, %sub3A_105 : i32
    %while3A = arith.constant 0 : i32
    %while3A_107 = arith.constant 0 : i32
    %while3A_108 = arith.subi %sub3A_106, %while3A_107 : i32
    %while3A_109 = arith.addi %while3A_107, %while3A_108 : i32
    %while3A_110 = arith.constant 1 : i32
    %while3A_111 = arith.divsi %while3A_108, %while3A_110 : i32
    %while3A_112 = arith.muli %while3A_111, %while3A_110 : i32
    %while3A_113 = arith.addi %while3A_107, %while3A_112 : i32
    %while3A_114 = arith.constant 1 : i32
    scf.for %while3A_155 = %while3A_107 to %while3A_113 step %while3A_114  : i32 {
      %mul3A_156 = arith.constant 4 : i32
      %mul3A_157 = arith.muli %mul3A_156, %while3A_155 : i32
      %dma_wait3A_158 = arith.constant 0 : i32
      %dma_wait3A_159 = arith.constant 0 : i32
      %dma_wait3A_160 = tpu.memref_slice %arg6[%dma_wait3A_158, %dma_wait3A_159] : memref<2x72xi32, #tpu.memory_space<vmem>> -> memref<1x72xi32, #tpu.memory_space<vmem>>
      %dma_wait3A_161 = tpu.memref_squeeze %dma_wait3A_160 : memref<1x72xi32, #tpu.memory_space<vmem>> -> memref<72xi32, #tpu.memory_space<vmem>>
      %dma_wait3A_162 = arith.constant 0 : i32
      %dma_wait3A_163 = arith.constant 0 : i32
      %dma_wait3A_164 = tpu.memref_slice %arg2[%dma_wait3A_162, %dma_wait3A_163] : memref<10240x128xf32, #tpu.memory_space<hbm>> -> memref<10240x128xf32, #tpu.memory_space<hbm>>
      tpu.wait_indirect_dma semaphore(%arg19 : memref<!tpu.dma_semaphore, #tpu.memory_space<semaphore_mem>>) src(%dma_wait3A_164 : memref<10240x128xf32, #tpu.memory_space<hbm>>) dst(%arg10 : memref<72x128xf32, #tpu.memory_space<vmem>>)
      %dma_start3A_165 = arith.constant 1 : i32
      %dma_start3A_166 = arith.constant 0 : i32
      %dma_start3A_167 = tpu.memref_slice %arg6[%dma_start3A_165, %dma_start3A_166] : memref<2x72xi32, #tpu.memory_space<vmem>> -> memref<1x72xi32, #tpu.memory_space<vmem>>
      %dma_start3A_168 = tpu.memref_squeeze %dma_start3A_167 : memref<1x72xi32, #tpu.memory_space<vmem>> -> memref<72xi32, #tpu.memory_space<vmem>>
      %dma_start3A_169 = arith.constant 0 : i32
      %dma_start3A_170 = arith.constant 0 : i32
      %dma_start3A_171 = tpu.memref_slice %arg14[%dma_start3A_169, %dma_start3A_170] : memref<10240x128xf32, #tpu.memory_space<vmem_shared>> -> memref<10240x128xf32, #tpu.memory_space<vmem_shared>>
      tpu.enqueue_indirect_dma source(%arg10 : memref<72x128xf32, #tpu.memory_space<vmem>>) target(%dma_start3A_171 : memref<10240x128xf32, #tpu.memory_space<vmem_shared>>) offsets(%dma_start3A_168 : memref<72xi32, #tpu.memory_space<vmem>>) semaphore(%arg23 : memref<!tpu.dma_semaphore, #tpu.memory_space<semaphore_mem>>) {add = true}
      %dma_wait3A_172 = arith.constant 0 : i32
      %dma_wait3A_173 = arith.constant 0 : i32
      %dma_wait3A_174 = arith.constant 0 : i32
      %dma_wait3A_175 = tpu.memref_slice %arg3[%add3A, %dma_wait3A_172, %dma_wait3A_173, %dma_wait3A_174] : memref<32x184x2x72xi32, #tpu.memory_space<hbm>> -> memref<1x1x2x72xi32, #tpu.memory_space<hbm>>
      %dma_wait3A_176 = tpu.memref_squeeze %dma_wait3A_175 : memref<1x1x2x72xi32, #tpu.memory_space<hbm>> -> memref<2x72xi32, #tpu.memory_space<hbm>>
      %dma_wait3A_177 = arith.constant 0 : i32
      %dma_wait3A_178 = arith.constant 0 : i32
      %dma_wait3A_179 = tpu.memref_slice %arg3[%add3A, %dma_wait3A_172, %dma_wait3A_177, %dma_wait3A_178] : memref<32x184x2x72xi32, #tpu.memory_space<hbm>> -> memref<1x1x2x72xi32, #tpu.memory_space<hbm>>
      %dma_wait3A_180 = tpu.memref_squeeze %dma_wait3A_179 : memref<1x1x2x72xi32, #tpu.memory_space<hbm>> -> memref<2x72xi32, #tpu.memory_space<hbm>>
      tpu.wait_dma2 semaphore(%arg18 : memref<!tpu.dma_semaphore, #tpu.memory_space<semaphore_mem>>) src(%dma_wait3A_180 : memref<2x72xi32, #tpu.memory_space<hbm>>) dst(%arg9 : memref<2x72xi32, #tpu.memory_space<vmem>>)
      %dma_start3A_181 = arith.constant 0 : i32
      %dma_start3A_182 = arith.constant 0 : i32
      %dma_start3A_183 = tpu.memref_slice %arg9[%dma_start3A_181, %dma_start3A_182] : memref<2x72xi32, #tpu.memory_space<vmem>> -> memref<1x72xi32, #tpu.memory_space<vmem>>
      %dma_start3A_184 = tpu.memref_squeeze %dma_start3A_183 : memref<1x72xi32, #tpu.memory_space<vmem>> -> memref<72xi32, #tpu.memory_space<vmem>>
      %dma_start3A_185 = arith.constant 0 : i32
      %dma_start3A_186 = arith.constant 0 : i32
      %dma_start3A_187 = tpu.memref_slice %arg2[%dma_start3A_185, %dma_start3A_186] : memref<10240x128xf32, #tpu.memory_space<hbm>> -> memref<10240x128xf32, #tpu.memory_space<hbm>>
      tpu.enqueue_indirect_dma source(%dma_start3A_187 : memref<10240x128xf32, #tpu.memory_space<hbm>>) target(%arg13 : memref<72x128xf32, #tpu.memory_space<vmem>>) offsets(%dma_start3A_184 : memref<72xi32, #tpu.memory_space<vmem>>) semaphore(%arg22 : memref<!tpu.dma_semaphore, #tpu.memory_space<semaphore_mem>>)
      %dma_wait3A_188 = arith.constant 1 : i32
      %dma_wait3A_189 = arith.constant 0 : i32
      %dma_wait3A_190 = tpu.memref_slice %arg6[%dma_wait3A_188, %dma_wait3A_189] : memref<2x72xi32, #tpu.memory_space<vmem>> -> memref<1x72xi32, #tpu.memory_space<vmem>>
      %dma_wait3A_191 = tpu.memref_squeeze %dma_wait3A_190 : memref<1x72xi32, #tpu.memory_space<vmem>> -> memref<72xi32, #tpu.memory_space<vmem>>
      %dma_wait3A_192 = arith.constant 0 : i32
      %dma_wait3A_193 = arith.constant 0 : i32
      %dma_wait3A_194 = tpu.memref_slice %arg14[%dma_wait3A_192, %dma_wait3A_193] : memref<10240x128xf32, #tpu.memory_space<vmem_shared>> -> memref<10240x128xf32, #tpu.memory_space<vmem_shared>>
      tpu.wait_indirect_dma semaphore(%arg23 : memref<!tpu.dma_semaphore, #tpu.memory_space<semaphore_mem>>) src(%arg10 : memref<72x128xf32, #tpu.memory_space<vmem>>) dst(%dma_wait3A_194 : memref<10240x128xf32, #tpu.memory_space<vmem_shared>>)
      %add3A_195 = arith.constant 4 : i32
      %add3A_196 = arith.addi %mul3A_157, %add3A_195 : i32
      %dma_start3A_197 = arith.constant 0 : i32
      %dma_start3A_198 = arith.constant 0 : i32
      %dma_start3A_199 = tpu.memref_slice %arg3[%add3A, %add3A_196, %dma_start3A_197, %dma_start3A_198] : memref<32x184x2x72xi32, #tpu.memory_space<hbm>> -> memref<1x1x2x72xi32, #tpu.memory_space<hbm>>
      %dma_start3A_200 = tpu.memref_squeeze %dma_start3A_199 : memref<1x1x2x72xi32, #tpu.memory_space<hbm>> -> memref<2x72xi32, #tpu.memory_space<hbm>>
      %dma_start3A_201 = arith.constant 0 : i32
      %dma_start3A_202 = arith.constant 0 : i32
      %dma_start3A_203 = tpu.memref_slice %arg3[%add3A, %add3A_196, %dma_start3A_201, %dma_start3A_202] : memref<32x184x2x72xi32, #tpu.memory_space<hbm>> -> memref<1x1x2x72xi32, #tpu.memory_space<hbm>>
      %dma_start3A_204 = tpu.memref_squeeze %dma_start3A_203 : memref<1x1x2x72xi32, #tpu.memory_space<hbm>> -> memref<2x72xi32, #tpu.memory_space<hbm>>
      tpu.enqueue_dma source(%dma_start3A_204 : memref<2x72xi32, #tpu.memory_space<hbm>>) target(%arg6 : memref<2x72xi32, #tpu.memory_space<vmem>>) target_semaphore(%arg15 : memref<!tpu.dma_semaphore, #tpu.memory_space<semaphore_mem>>)
      %dma_wait3A_205 = arith.constant 0 : i32
      %dma_wait3A_206 = arith.constant 0 : i32
      %dma_wait3A_207 = tpu.memref_slice %arg7[%dma_wait3A_205, %dma_wait3A_206] : memref<2x72xi32, #tpu.memory_space<vmem>> -> memref<1x72xi32, #tpu.memory_space<vmem>>
      %dma_wait3A_208 = tpu.memref_squeeze %dma_wait3A_207 : memref<1x72xi32, #tpu.memory_space<vmem>> -> memref<72xi32, #tpu.memory_space<vmem>>
      %dma_wait3A_209 = arith.constant 0 : i32
      %dma_wait3A_210 = arith.constant 0 : i32
      %dma_wait3A_211 = tpu.memref_slice %arg2[%dma_wait3A_209, %dma_wait3A_210] : memref<10240x128xf32, #tpu.memory_space<hbm>> -> memref<10240x128xf32, #tpu.memory_space<hbm>>
      tpu.wait_indirect_dma semaphore(%arg20 : memref<!tpu.dma_semaphore, #tpu.memory_space<semaphore_mem>>) src(%dma_wait3A_211 : memref<10240x128xf32, #tpu.memory_space<hbm>>) dst(%arg11 : memref<72x128xf32, #tpu.memory_space<vmem>>)
      %dma_start3A_212 = arith.constant 1 : i32
      %dma_start3A_213 = arith.constant 0 : i32
      %dma_start3A_214 = tpu.memref_slice %arg7[%dma_start3A_212, %dma_start3A_213] : memref<2x72xi32, #tpu.memory_space<vmem>> -> memref<1x72xi32, #tpu.memory_space<vmem>>
      %dma_start3A_215 = tpu.memref_squeeze %dma_start3A_214 : memref<1x72xi32, #tpu.memory_space<vmem>> -> memref<72xi32, #tpu.memory_space<vmem>>
      %dma_start3A_216 = arith.constant 0 : i32
      %dma_start3A_217 = arith.constant 0 : i32
      %dma_start3A_218 = tpu.memref_slice %arg14[%dma_start3A_216, %dma_start3A_217] : memref<10240x128xf32, #tpu.memory_space<vmem_shared>> -> memref<10240x128xf32, #tpu.memory_space<vmem_shared>>
      tpu.enqueue_indirect_dma source(%arg11 : memref<72x128xf32, #tpu.memory_space<vmem>>) target(%dma_start3A_218 : memref<10240x128xf32, #tpu.memory_space<vmem_shared>>) offsets(%dma_start3A_215 : memref<72xi32, #tpu.memory_space<vmem>>) semaphore(%arg24 : memref<!tpu.dma_semaphore, #tpu.memory_space<semaphore_mem>>) {add = true}
      %dma_wait3A_219 = arith.constant 0 : i32
      %dma_wait3A_220 = arith.constant 0 : i32
      %dma_wait3A_221 = arith.constant 0 : i32
      %dma_wait3A_222 = tpu.memref_slice %arg3[%add3A, %dma_wait3A_219, %dma_wait3A_220, %dma_wait3A_221] : memref<32x184x2x72xi32, #tpu.memory_space<hbm>> -> memref<1x1x2x72xi32, #tpu.memory_space<hbm>>
      %dma_wait3A_223 = tpu.memref_squeeze %dma_wait3A_222 : memref<1x1x2x72xi32, #tpu.memory_space<hbm>> -> memref<2x72xi32, #tpu.memory_space<hbm>>
      %dma_wait3A_224 = arith.constant 0 : i32
      %dma_wait3A_225 = arith.constant 0 : i32
      %dma_wait3A_226 = tpu.memref_slice %arg3[%add3A, %dma_wait3A_219, %dma_wait3A_224, %dma_wait3A_225] : memref<32x184x2x72xi32, #tpu.memory_space<hbm>> -> memref<1x1x2x72xi32, #tpu.memory_space<hbm>>
      %dma_wait3A_227 = tpu.memref_squeeze %dma_wait3A_226 : memref<1x1x2x72xi32, #tpu.memory_space<hbm>> -> memref<2x72xi32, #tpu.memory_space<hbm>>
      tpu.wait_dma2 semaphore(%arg15 : memref<!tpu.dma_semaphore, #tpu.memory_space<semaphore_mem>>) src(%dma_wait3A_227 : memref<2x72xi32, #tpu.memory_space<hbm>>) dst(%arg6 : memref<2x72xi32, #tpu.memory_space<vmem>>)
      %dma_start3A_228 = arith.constant 0 : i32
      %dma_start3A_229 = arith.constant 0 : i32
      %dma_start3A_230 = tpu.memref_slice %arg6[%dma_start3A_228, %dma_start3A_229] : memref<2x72xi32, #tpu.memory_space<vmem>> -> memref<1x72xi32, #tpu.memory_space<vmem>>
      %dma_start3A_231 = tpu.memref_squeeze %dma_start3A_230 : memref<1x72xi32, #tpu.memory_space<vmem>> -> memref<72xi32, #tpu.memory_space<vmem>>
      %dma_start3A_232 = arith.constant 0 : i32
      %dma_start3A_233 = arith.constant 0 : i32
      %dma_start3A_234 = tpu.memref_slice %arg2[%dma_start3A_232, %dma_start3A_233] : memref<10240x128xf32, #tpu.memory_space<hbm>> -> memref<10240x128xf32, #tpu.memory_space<hbm>>
      tpu.enqueue_indirect_dma source(%dma_start3A_234 : memref<10240x128xf32, #tpu.memory_space<hbm>>) target(%arg10 : memref<72x128xf32, #tpu.memory_space<vmem>>) offsets(%dma_start3A_231 : memref<72xi32, #tpu.memory_space<vmem>>) semaphore(%arg19 : memref<!tpu.dma_semaphore, #tpu.memory_space<semaphore_mem>>)
      %dma_wait3A_235 = arith.constant 1 : i32
      %dma_wait3A_236 = arith.constant 0 : i32
      %dma_wait3A_237 = tpu.memref_slice %arg7[%dma_wait3A_235, %dma_wait3A_236] : memref<2x72xi32, #tpu.memory_space<vmem>> -> memref<1x72xi32, #tpu.memory_space<vmem>>
      %dma_wait3A_238 = tpu.memref_squeeze %dma_wait3A_237 : memref<1x72xi32, #tpu.memory_space<vmem>> -> memref<72xi32, #tpu.memory_space<vmem>>
      %dma_wait3A_239 = arith.constant 0 : i32
      %dma_wait3A_240 = arith.constant 0 : i32
      %dma_wait3A_241 = tpu.memref_slice %arg14[%dma_wait3A_239, %dma_wait3A_240] : memref<10240x128xf32, #tpu.memory_space<vmem_shared>> -> memref<10240x128xf32, #tpu.memory_space<vmem_shared>>
      tpu.wait_indirect_dma semaphore(%arg24 : memref<!tpu.dma_semaphore, #tpu.memory_space<semaphore_mem>>) src(%arg11 : memref<72x128xf32, #tpu.memory_space<vmem>>) dst(%dma_wait3A_241 : memref<10240x128xf32, #tpu.memory_space<vmem_shared>>)
      %add3A_242 = arith.constant 5 : i32
      %add3A_243 = arith.addi %mul3A_157, %add3A_242 : i32
      %dma_start3A_244 = arith.constant 0 : i32
      %dma_start3A_245 = arith.constant 0 : i32
      %dma_start3A_246 = tpu.memref_slice %arg3[%add3A, %add3A_243, %dma_start3A_244, %dma_start3A_245] : memref<32x184x2x72xi32, #tpu.memory_space<hbm>> -> memref<1x1x2x72xi32, #tpu.memory_space<hbm>>
      %dma_start3A_247 = tpu.memref_squeeze %dma_start3A_246 : memref<1x1x2x72xi32, #tpu.memory_space<hbm>> -> memref<2x72xi32, #tpu.memory_space<hbm>>
      %dma_start3A_248 = arith.constant 0 : i32
      %dma_start3A_249 = arith.constant 0 : i32
      %dma_start3A_250 = tpu.memref_slice %arg3[%add3A, %add3A_243, %dma_start3A_248, %dma_start3A_249] : memref<32x184x2x72xi32, #tpu.memory_space<hbm>> -> memref<1x1x2x72xi32, #tpu.memory_space<hbm>>
      %dma_start3A_251 = tpu.memref_squeeze %dma_start3A_250 : memref<1x1x2x72xi32, #tpu.memory_space<hbm>> -> memref<2x72xi32, #tpu.memory_space<hbm>>
      tpu.enqueue_dma source(%dma_start3A_251 : memref<2x72xi32, #tpu.memory_space<hbm>>) target(%arg7 : memref<2x72xi32, #tpu.memory_space<vmem>>) target_semaphore(%arg16 : memref<!tpu.dma_semaphore, #tpu.memory_space<semaphore_mem>>)
      %dma_wait3A_252 = arith.constant 0 : i32
      %dma_wait3A_253 = arith.constant 0 : i32
      %dma_wait3A_254 = tpu.memref_slice %arg8[%dma_wait3A_252, %dma_wait3A_253] : memref<2x72xi32, #tpu.memory_space<vmem>> -> memref<1x72xi32, #tpu.memory_space<vmem>>
      %dma_wait3A_255 = tpu.memref_squeeze %dma_wait3A_254 : memref<1x72xi32, #tpu.memory_space<vmem>> -> memref<72xi32, #tpu.memory_space<vmem>>
      %dma_wait3A_256 = arith.constant 0 : i32
      %dma_wait3A_257 = arith.constant 0 : i32
      %dma_wait3A_258 = tpu.memref_slice %arg2[%dma_wait3A_256, %dma_wait3A_257] : memref<10240x128xf32, #tpu.memory_space<hbm>> -> memref<10240x128xf32, #tpu.memory_space<hbm>>
      tpu.wait_indirect_dma semaphore(%arg21 : memref<!tpu.dma_semaphore, #tpu.memory_space<semaphore_mem>>) src(%dma_wait3A_258 : memref<10240x128xf32, #tpu.memory_space<hbm>>) dst(%arg12 : memref<72x128xf32, #tpu.memory_space<vmem>>)
      %dma_start3A_259 = arith.constant 1 : i32
      %dma_start3A_260 = arith.constant 0 : i32
      %dma_start3A_261 = tpu.memref_slice %arg8[%dma_start3A_259, %dma_start3A_260] : memref<2x72xi32, #tpu.memory_space<vmem>> -> memref<1x72xi32, #tpu.memory_space<vmem>>
      %dma_start3A_262 = tpu.memref_squeeze %dma_start3A_261 : memref<1x72xi32, #tpu.memory_space<vmem>> -> memref<72xi32, #tpu.memory_space<vmem>>
      %dma_start3A_263 = arith.constant 0 : i32
      %dma_start3A_264 = arith.constant 0 : i32
      %dma_start3A_265 = tpu.memref_slice %arg14[%dma_start3A_263, %dma_start3A_264] : memref<10240x128xf32, #tpu.memory_space<vmem_shared>> -> memref<10240x128xf32, #tpu.memory_space<vmem_shared>>
      tpu.enqueue_indirect_dma source(%arg12 : memref<72x128xf32, #tpu.memory_space<vmem>>) target(%dma_start3A_265 : memref<10240x128xf32, #tpu.memory_space<vmem_shared>>) offsets(%dma_start3A_262 : memref<72xi32, #tpu.memory_space<vmem>>) semaphore(%arg25 : memref<!tpu.dma_semaphore, #tpu.memory_space<semaphore_mem>>) {add = true}
      %dma_wait3A_266 = arith.constant 0 : i32
      %dma_wait3A_267 = arith.constant 0 : i32
      %dma_wait3A_268 = arith.constant 0 : i32
      %dma_wait3A_269 = tpu.memref_slice %arg3[%add3A, %dma_wait3A_266, %dma_wait3A_267, %dma_wait3A_268] : memref<32x184x2x72xi32, #tpu.memory_space<hbm>> -> memref<1x1x2x72xi32, #tpu.memory_space<hbm>>
      %dma_wait3A_270 = tpu.memref_squeeze %dma_wait3A_269 : memref<1x1x2x72xi32, #tpu.memory_space<hbm>> -> memref<2x72xi32, #tpu.memory_space<hbm>>
      %dma_wait3A_271 = arith.constant 0 : i32
      %dma_wait3A_272 = arith.constant 0 : i32
      %dma_wait3A_273 = tpu.memref_slice %arg3[%add3A, %dma_wait3A_266, %dma_wait3A_271, %dma_wait3A_272] : memref<32x184x2x72xi32, #tpu.memory_space<hbm>> -> memref<1x1x2x72xi32, #tpu.memory_space<hbm>>
      %dma_wait3A_274 = tpu.memref_squeeze %dma_wait3A_273 : memref<1x1x2x72xi32, #tpu.memory_space<hbm>> -> memref<2x72xi32, #tpu.memory_space<hbm>>
      tpu.wait_dma2 semaphore(%arg16 : memref<!tpu.dma_semaphore, #tpu.memory_space<semaphore_mem>>) src(%dma_wait3A_274 : memref<2x72xi32, #tpu.memory_space<hbm>>) dst(%arg7 : memref<2x72xi32, #tpu.memory_space<vmem>>)
      %dma_start3A_275 = arith.constant 0 : i32
      %dma_start3A_276 = arith.constant 0 : i32
      %dma_start3A_277 = tpu.memref_slice %arg7[%dma_start3A_275, %dma_start3A_276] : memref<2x72xi32, #tpu.memory_space<vmem>> -> memref<1x72xi32, #tpu.memory_space<vmem>>
      %dma_start3A_278 = tpu.memref_squeeze %dma_start3A_277 : memref<1x72xi32, #tpu.memory_space<vmem>> -> memref<72xi32, #tpu.memory_space<vmem>>
      %dma_start3A_279 = arith.constant 0 : i32
      %dma_start3A_280 = arith.constant 0 : i32
      %dma_start3A_281 = tpu.memref_slice %arg2[%dma_start3A_279, %dma_start3A_280] : memref<10240x128xf32, #tpu.memory_space<hbm>> -> memref<10240x128xf32, #tpu.memory_space<hbm>>
      tpu.enqueue_indirect_dma source(%dma_start3A_281 : memref<10240x128xf32, #tpu.memory_space<hbm>>) target(%arg11 : memref<72x128xf32, #tpu.memory_space<vmem>>) offsets(%dma_start3A_278 : memref<72xi32, #tpu.memory_space<vmem>>) semaphore(%arg20 : memref<!tpu.dma_semaphore, #tpu.memory_space<semaphore_mem>>)
      %dma_wait3A_282 = arith.constant 1 : i32
      %dma_wait3A_283 = arith.constant 0 : i32
      %dma_wait3A_284 = tpu.memref_slice %arg8[%dma_wait3A_282, %dma_wait3A_283] : memref<2x72xi32, #tpu.memory_space<vmem>> -> memref<1x72xi32, #tpu.memory_space<vmem>>
      %dma_wait3A_285 = tpu.memref_squeeze %dma_wait3A_284 : memref<1x72xi32, #tpu.memory_space<vmem>> -> memref<72xi32, #tpu.memory_space<vmem>>
      %dma_wait3A_286 = arith.constant 0 : i32
      %dma_wait3A_287 = arith.constant 0 : i32
      %dma_wait3A_288 = tpu.memref_slice %arg14[%dma_wait3A_286, %dma_wait3A_287] : memref<10240x128xf32, #tpu.memory_space<vmem_shared>> -> memref<10240x128xf32, #tpu.memory_space<vmem_shared>>
      tpu.wait_indirect_dma semaphore(%arg25 : memref<!tpu.dma_semaphore, #tpu.memory_space<semaphore_mem>>) src(%arg12 : memref<72x128xf32, #tpu.memory_space<vmem>>) dst(%dma_wait3A_288 : memref<10240x128xf32, #tpu.memory_space<vmem_shared>>)
      %add3A_289 = arith.constant 6 : i32
      %add3A_290 = arith.addi %mul3A_157, %add3A_289 : i32
      %dma_start3A_291 = arith.constant 0 : i32
      %dma_start3A_292 = arith.constant 0 : i32
      %dma_start3A_293 = tpu.memref_slice %arg3[%add3A, %add3A_290, %dma_start3A_291, %dma_start3A_292] : memref<32x184x2x72xi32, #tpu.memory_space<hbm>> -> memref<1x1x2x72xi32, #tpu.memory_space<hbm>>
      %dma_start3A_294 = tpu.memref_squeeze %dma_start3A_293 : memref<1x1x2x72xi32, #tpu.memory_space<hbm>> -> memref<2x72xi32, #tpu.memory_space<hbm>>
      %dma_start3A_295 = arith.constant 0 : i32
      %dma_start3A_296 = arith.constant 0 : i32
      %dma_start3A_297 = tpu.memref_slice %arg3[%add3A, %add3A_290, %dma_start3A_295, %dma_start3A_296] : memref<32x184x2x72xi32, #tpu.memory_space<hbm>> -> memref<1x1x2x72xi32, #tpu.memory_space<hbm>>
      %dma_start3A_298 = tpu.memref_squeeze %dma_start3A_297 : memref<1x1x2x72xi32, #tpu.memory_space<hbm>> -> memref<2x72xi32, #tpu.memory_space<hbm>>
      tpu.enqueue_dma source(%dma_start3A_298 : memref<2x72xi32, #tpu.memory_space<hbm>>) target(%arg8 : memref<2x72xi32, #tpu.memory_space<vmem>>) target_semaphore(%arg17 : memref<!tpu.dma_semaphore, #tpu.memory_space<semaphore_mem>>)
      %dma_wait3A_299 = arith.constant 0 : i32
      %dma_wait3A_300 = arith.constant 0 : i32
      %dma_wait3A_301 = tpu.memref_slice %arg9[%dma_wait3A_299, %dma_wait3A_300] : memref<2x72xi32, #tpu.memory_space<vmem>> -> memref<1x72xi32, #tpu.memory_space<vmem>>
      %dma_wait3A_302 = tpu.memref_squeeze %dma_wait3A_301 : memref<1x72xi32, #tpu.memory_space<vmem>> -> memref<72xi32, #tpu.memory_space<vmem>>
      %dma_wait3A_303 = arith.constant 0 : i32
      %dma_wait3A_304 = arith.constant 0 : i32
      %dma_wait3A_305 = tpu.memref_slice %arg2[%dma_wait3A_303, %dma_wait3A_304] : memref<10240x128xf32, #tpu.memory_space<hbm>> -> memref<10240x128xf32, #tpu.memory_space<hbm>>
      tpu.wait_indirect_dma semaphore(%arg22 : memref<!tpu.dma_semaphore, #tpu.memory_space<semaphore_mem>>) src(%dma_wait3A_305 : memref<10240x128xf32, #tpu.memory_space<hbm>>) dst(%arg13 : memref<72x128xf32, #tpu.memory_space<vmem>>)
      %dma_start3A_306 = arith.constant 1 : i32
      %dma_start3A_307 = arith.constant 0 : i32
      %dma_start3A_308 = tpu.memref_slice %arg9[%dma_start3A_306, %dma_start3A_307] : memref<2x72xi32, #tpu.memory_space<vmem>> -> memref<1x72xi32, #tpu.memory_space<vmem>>
      %dma_start3A_309 = tpu.memref_squeeze %dma_start3A_308 : memref<1x72xi32, #tpu.memory_space<vmem>> -> memref<72xi32, #tpu.memory_space<vmem>>
      %dma_start3A_310 = arith.constant 0 : i32
      %dma_start3A_311 = arith.constant 0 : i32
      %dma_start3A_312 = tpu.memref_slice %arg14[%dma_start3A_310, %dma_start3A_311] : memref<10240x128xf32, #tpu.memory_space<vmem_shared>> -> memref<10240x128xf32, #tpu.memory_space<vmem_shared>>
      tpu.enqueue_indirect_dma source(%arg13 : memref<72x128xf32, #tpu.memory_space<vmem>>) target(%dma_start3A_312 : memref<10240x128xf32, #tpu.memory_space<vmem_shared>>) offsets(%dma_start3A_309 : memref<72xi32, #tpu.memory_space<vmem>>) semaphore(%arg26 : memref<!tpu.dma_semaphore, #tpu.memory_space<semaphore_mem>>) {add = true}
      %dma_wait3A_313 = arith.constant 0 : i32
      %dma_wait3A_314 = arith.constant 0 : i32
      %dma_wait3A_315 = arith.constant 0 : i32
      %dma_wait3A_316 = tpu.memref_slice %arg3[%add3A, %dma_wait3A_313, %dma_wait3A_314, %dma_wait3A_315] : memref<32x184x2x72xi32, #tpu.memory_space<hbm>> -> memref<1x1x2x72xi32, #tpu.memory_space<hbm>>
      %dma_wait3A_317 = tpu.memref_squeeze %dma_wait3A_316 : memref<1x1x2x72xi32, #tpu.memory_space<hbm>> -> memref<2x72xi32, #tpu.memory_space<hbm>>
      %dma_wait3A_318 = arith.constant 0 : i32
      %dma_wait3A_319 = arith.constant 0 : i32
      %dma_wait3A_320 = tpu.memref_slice %arg3[%add3A, %dma_wait3A_313, %dma_wait3A_318, %dma_wait3A_319] : memref<32x184x2x72xi32, #tpu.memory_space<hbm>> -> memref<1x1x2x72xi32, #tpu.memory_space<hbm>>
      %dma_wait3A_321 = tpu.memref_squeeze %dma_wait3A_320 : memref<1x1x2x72xi32, #tpu.memory_space<hbm>> -> memref<2x72xi32, #tpu.memory_space<hbm>>
      tpu.wait_dma2 semaphore(%arg17 : memref<!tpu.dma_semaphore, #tpu.memory_space<semaphore_mem>>) src(%dma_wait3A_321 : memref<2x72xi32, #tpu.memory_space<hbm>>) dst(%arg8 : memref<2x72xi32, #tpu.memory_space<vmem>>)
      %dma_start3A_322 = arith.constant 0 : i32
      %dma_start3A_323 = arith.constant 0 : i32
      %dma_start3A_324 = tpu.memref_slice %arg8[%dma_start3A_322, %dma_start3A_323] : memref<2x72xi32, #tpu.memory_space<vmem>> -> memref<1x72xi32, #tpu.memory_space<vmem>>
      %dma_start3A_325 = tpu.memref_squeeze %dma_start3A_324 : memref<1x72xi32, #tpu.memory_space<vmem>> -> memref<72xi32, #tpu.memory_space<vmem>>
      %dma_start3A_326 = arith.constant 0 : i32
      %dma_start3A_327 = arith.constant 0 : i32
      %dma_start3A_328 = tpu.memref_slice %arg2[%dma_start3A_326, %dma_start3A_327] : memref<10240x128xf32, #tpu.memory_space<hbm>> -> memref<10240x128xf32, #tpu.memory_space<hbm>>
      tpu.enqueue_indirect_dma source(%dma_start3A_328 : memref<10240x128xf32, #tpu.memory_space<hbm>>) target(%arg12 : memref<72x128xf32, #tpu.memory_space<vmem>>) offsets(%dma_start3A_325 : memref<72xi32, #tpu.memory_space<vmem>>) semaphore(%arg21 : memref<!tpu.dma_semaphore, #tpu.memory_space<semaphore_mem>>)
      %dma_wait3A_329 = arith.constant 1 : i32
      %dma_wait3A_330 = arith.constant 0 : i32
      %dma_wait3A_331 = tpu.memref_slice %arg9[%dma_wait3A_329, %dma_wait3A_330] : memref<2x72xi32, #tpu.memory_space<vmem>> -> memref<1x72xi32, #tpu.memory_space<vmem>>
      %dma_wait3A_332 = tpu.memref_squeeze %dma_wait3A_331 : memref<1x72xi32, #tpu.memory_space<vmem>> -> memref<72xi32, #tpu.memory_space<vmem>>
      %dma_wait3A_333 = arith.constant 0 : i32
      %dma_wait3A_334 = arith.constant 0 : i32
      %dma_wait3A_335 = tpu.memref_slice %arg14[%dma_wait3A_333, %dma_wait3A_334] : memref<10240x128xf32, #tpu.memory_space<vmem_shared>> -> memref<10240x128xf32, #tpu.memory_space<vmem_shared>>
      tpu.wait_indirect_dma semaphore(%arg26 : memref<!tpu.dma_semaphore, #tpu.memory_space<semaphore_mem>>) src(%arg13 : memref<72x128xf32, #tpu.memory_space<vmem>>) dst(%dma_wait3A_335 : memref<10240x128xf32, #tpu.memory_space<vmem_shared>>)
      %add3A_336 = arith.constant 7 : i32
      %add3A_337 = arith.addi %mul3A_157, %add3A_336 : i32
      %dma_start3A_338 = arith.constant 0 : i32
      %dma_start3A_339 = arith.constant 0 : i32
      %dma_start3A_340 = tpu.memref_slice %arg3[%add3A, %add3A_337, %dma_start3A_338, %dma_start3A_339] : memref<32x184x2x72xi32, #tpu.memory_space<hbm>> -> memref<1x1x2x72xi32, #tpu.memory_space<hbm>>
      %dma_start3A_341 = tpu.memref_squeeze %dma_start3A_340 : memref<1x1x2x72xi32, #tpu.memory_space<hbm>> -> memref<2x72xi32, #tpu.memory_space<hbm>>
      %dma_start3A_342 = arith.constant 0 : i32
      %dma_start3A_343 = arith.constant 0 : i32
      %dma_start3A_344 = tpu.memref_slice %arg3[%add3A, %add3A_337, %dma_start3A_342, %dma_start3A_343] : memref<32x184x2x72xi32, #tpu.memory_space<hbm>> -> memref<1x1x2x72xi32, #tpu.memory_space<hbm>>
      %dma_start3A_345 = tpu.memref_squeeze %dma_start3A_344 : memref<1x1x2x72xi32, #tpu.memory_space<hbm>> -> memref<2x72xi32, #tpu.memory_space<hbm>>
      tpu.enqueue_dma source(%dma_start3A_345 : memref<2x72xi32, #tpu.memory_space<hbm>>) target(%arg9 : memref<2x72xi32, #tpu.memory_space<vmem>>) target_semaphore(%arg18 : memref<!tpu.dma_semaphore, #tpu.memory_space<semaphore_mem>>)
    }
    %while3A_115 = arith.constant 1 : i32
    scf.for %while3A_155 = %while3A_113 to %while3A_109 step %while3A_115  : i32 {
      %mul3A_156 = arith.constant 4 : i32
      %mul3A_157 = arith.muli %mul3A_156, %while3A_155 : i32
      %dma_wait3A_158 = arith.constant 0 : i32
      %dma_wait3A_159 = arith.constant 0 : i32
      %dma_wait3A_160 = tpu.memref_slice %arg6[%dma_wait3A_158, %dma_wait3A_159] : memref<2x72xi32, #tpu.memory_space<vmem>> -> memref<1x72xi32, #tpu.memory_space<vmem>>
      %dma_wait3A_161 = tpu.memref_squeeze %dma_wait3A_160 : memref<1x72xi32, #tpu.memory_space<vmem>> -> memref<72xi32, #tpu.memory_space<vmem>>
      %dma_wait3A_162 = arith.constant 0 : i32
      %dma_wait3A_163 = arith.constant 0 : i32
      %dma_wait3A_164 = tpu.memref_slice %arg2[%dma_wait3A_162, %dma_wait3A_163] : memref<10240x128xf32, #tpu.memory_space<hbm>> -> memref<10240x128xf32, #tpu.memory_space<hbm>>
      tpu.wait_indirect_dma semaphore(%arg19 : memref<!tpu.dma_semaphore, #tpu.memory_space<semaphore_mem>>) src(%dma_wait3A_164 : memref<10240x128xf32, #tpu.memory_space<hbm>>) dst(%arg10 : memref<72x128xf32, #tpu.memory_space<vmem>>)
      %dma_start3A_165 = arith.constant 1 : i32
      %dma_start3A_166 = arith.constant 0 : i32
      %dma_start3A_167 = tpu.memref_slice %arg6[%dma_start3A_165, %dma_start3A_166] : memref<2x72xi32, #tpu.memory_space<vmem>> -> memref<1x72xi32, #tpu.memory_space<vmem>>
      %dma_start3A_168 = tpu.memref_squeeze %dma_start3A_167 : memref<1x72xi32, #tpu.memory_space<vmem>> -> memref<72xi32, #tpu.memory_space<vmem>>
      %dma_start3A_169 = arith.constant 0 : i32
      %dma_start3A_170 = arith.constant 0 : i32
      %dma_start3A_171 = tpu.memref_slice %arg14[%dma_start3A_169, %dma_start3A_170] : memref<10240x128xf32, #tpu.memory_space<vmem_shared>> -> memref<10240x128xf32, #tpu.memory_space<vmem_shared>>
      tpu.enqueue_indirect_dma source(%arg10 : memref<72x128xf32, #tpu.memory_space<vmem>>) target(%dma_start3A_171 : memref<10240x128xf32, #tpu.memory_space<vmem_shared>>) offsets(%dma_start3A_168 : memref<72xi32, #tpu.memory_space<vmem>>) semaphore(%arg23 : memref<!tpu.dma_semaphore, #tpu.memory_space<semaphore_mem>>) {add = true}
      %dma_wait3A_172 = arith.constant 0 : i32
      %dma_wait3A_173 = arith.constant 0 : i32
      %dma_wait3A_174 = arith.constant 0 : i32
      %dma_wait3A_175 = tpu.memref_slice %arg3[%add3A, %dma_wait3A_172, %dma_wait3A_173, %dma_wait3A_174] : memref<32x184x2x72xi32, #tpu.memory_space<hbm>> -> memref<1x1x2x72xi32, #tpu.memory_space<hbm>>
      %dma_wait3A_176 = tpu.memref_squeeze %dma_wait3A_175 : memref<1x1x2x72xi32, #tpu.memory_space<hbm>> -> memref<2x72xi32, #tpu.memory_space<hbm>>
      %dma_wait3A_177 = arith.constant 0 : i32
      %dma_wait3A_178 = arith.constant 0 : i32
      %dma_wait3A_179 = tpu.memref_slice %arg3[%add3A, %dma_wait3A_172, %dma_wait3A_177, %dma_wait3A_178] : memref<32x184x2x72xi32, #tpu.memory_space<hbm>> -> memref<1x1x2x72xi32, #tpu.memory_space<hbm>>
      %dma_wait3A_180 = tpu.memref_squeeze %dma_wait3A_179 : memref<1x1x2x72xi32, #tpu.memory_space<hbm>> -> memref<2x72xi32, #tpu.memory_space<hbm>>
      tpu.wait_dma2 semaphore(%arg18 : memref<!tpu.dma_semaphore, #tpu.memory_space<semaphore_mem>>) src(%dma_wait3A_180 : memref<2x72xi32, #tpu.memory_space<hbm>>) dst(%arg9 : memref<2x72xi32, #tpu.memory_space<vmem>>)
      %dma_start3A_181 = arith.constant 0 : i32
      %dma_start3A_182 = arith.constant 0 : i32
      %dma_start3A_183 = tpu.memref_slice %arg9[%dma_start3A_181, %dma_start3A_182] : memref<2x72xi32, #tpu.memory_space<vmem>> -> memref<1x72xi32, #tpu.memory_space<vmem>>
      %dma_start3A_184 = tpu.memref_squeeze %dma_start3A_183 : memref<1x72xi32, #tpu.memory_space<vmem>> -> memref<72xi32, #tpu.memory_space<vmem>>
      %dma_start3A_185 = arith.constant 0 : i32
      %dma_start3A_186 = arith.constant 0 : i32
      %dma_start3A_187 = tpu.memref_slice %arg2[%dma_start3A_185, %dma_start3A_186] : memref<10240x128xf32, #tpu.memory_space<hbm>> -> memref<10240x128xf32, #tpu.memory_space<hbm>>
      tpu.enqueue_indirect_dma source(%dma_start3A_187 : memref<10240x128xf32, #tpu.memory_space<hbm>>) target(%arg13 : memref<72x128xf32, #tpu.memory_space<vmem>>) offsets(%dma_start3A_184 : memref<72xi32, #tpu.memory_space<vmem>>) semaphore(%arg22 : memref<!tpu.dma_semaphore, #tpu.memory_space<semaphore_mem>>)
      %dma_wait3A_188 = arith.constant 1 : i32
      %dma_wait3A_189 = arith.constant 0 : i32
      %dma_wait3A_190 = tpu.memref_slice %arg6[%dma_wait3A_188, %dma_wait3A_189] : memref<2x72xi32, #tpu.memory_space<vmem>> -> memref<1x72xi32, #tpu.memory_space<vmem>>
      %dma_wait3A_191 = tpu.memref_squeeze %dma_wait3A_190 : memref<1x72xi32, #tpu.memory_space<vmem>> -> memref<72xi32, #tpu.memory_space<vmem>>
      %dma_wait3A_192 = arith.constant 0 : i32
      %dma_wait3A_193 = arith.constant 0 : i32
      %dma_wait3A_194 = tpu.memref_slice %arg14[%dma_wait3A_192, %dma_wait3A_193] : memref<10240x128xf32, #tpu.memory_space<vmem_shared>> -> memref<10240x128xf32, #tpu.memory_space<vmem_shared>>
      tpu.wait_indirect_dma semaphore(%arg23 : memref<!tpu.dma_semaphore, #tpu.memory_space<semaphore_mem>>) src(%arg10 : memref<72x128xf32, #tpu.memory_space<vmem>>) dst(%dma_wait3A_194 : memref<10240x128xf32, #tpu.memory_space<vmem_shared>>)
      %add3A_195 = arith.constant 4 : i32
      %add3A_196 = arith.addi %mul3A_157, %add3A_195 : i32
      %dma_start3A_197 = arith.constant 0 : i32
      %dma_start3A_198 = arith.constant 0 : i32
      %dma_start3A_199 = tpu.memref_slice %arg3[%add3A, %add3A_196, %dma_start3A_197, %dma_start3A_198] : memref<32x184x2x72xi32, #tpu.memory_space<hbm>> -> memref<1x1x2x72xi32, #tpu.memory_space<hbm>>
      %dma_start3A_200 = tpu.memref_squeeze %dma_start3A_199 : memref<1x1x2x72xi32, #tpu.memory_space<hbm>> -> memref<2x72xi32, #tpu.memory_space<hbm>>
      %dma_start3A_201 = arith.constant 0 : i32
      %dma_start3A_202 = arith.constant 0 : i32
      %dma_start3A_203 = tpu.memref_slice %arg3[%add3A, %add3A_196, %dma_start3A_201, %dma_start3A_202] : memref<32x184x2x72xi32, #tpu.memory_space<hbm>> -> memref<1x1x2x72xi32, #tpu.memory_space<hbm>>
      %dma_start3A_204 = tpu.memref_squeeze %dma_start3A_203 : memref<1x1x2x72xi32, #tpu.memory_space<hbm>> -> memref<2x72xi32, #tpu.memory_space<hbm>>
      tpu.enqueue_dma source(%dma_start3A_204 : memref<2x72xi32, #tpu.memory_space<hbm>>) target(%arg6 : memref<2x72xi32, #tpu.memory_space<vmem>>) target_semaphore(%arg15 : memref<!tpu.dma_semaphore, #tpu.memory_space<semaphore_mem>>)
      %dma_wait3A_205 = arith.constant 0 : i32
      %dma_wait3A_206 = arith.constant 0 : i32
      %dma_wait3A_207 = tpu.memref_slice %arg7[%dma_wait3A_205, %dma_wait3A_206] : memref<2x72xi32, #tpu.memory_space<vmem>> -> memref<1x72xi32, #tpu.memory_space<vmem>>
      %dma_wait3A_208 = tpu.memref_squeeze %dma_wait3A_207 : memref<1x72xi32, #tpu.memory_space<vmem>> -> memref<72xi32, #tpu.memory_space<vmem>>
      %dma_wait3A_209 = arith.constant 0 : i32
      %dma_wait3A_210 = arith.constant 0 : i32
      %dma_wait3A_211 = tpu.memref_slice %arg2[%dma_wait3A_209, %dma_wait3A_210] : memref<10240x128xf32, #tpu.memory_space<hbm>> -> memref<10240x128xf32, #tpu.memory_space<hbm>>
      tpu.wait_indirect_dma semaphore(%arg20 : memref<!tpu.dma_semaphore, #tpu.memory_space<semaphore_mem>>) src(%dma_wait3A_211 : memref<10240x128xf32, #tpu.memory_space<hbm>>) dst(%arg11 : memref<72x128xf32, #tpu.memory_space<vmem>>)
      %dma_start3A_212 = arith.constant 1 : i32
      %dma_start3A_213 = arith.constant 0 : i32
      %dma_start3A_214 = tpu.memref_slice %arg7[%dma_start3A_212, %dma_start3A_213] : memref<2x72xi32, #tpu.memory_space<vmem>> -> memref<1x72xi32, #tpu.memory_space<vmem>>
      %dma_start3A_215 = tpu.memref_squeeze %dma_start3A_214 : memref<1x72xi32, #tpu.memory_space<vmem>> -> memref<72xi32, #tpu.memory_space<vmem>>
      %dma_start3A_216 = arith.constant 0 : i32
      %dma_start3A_217 = arith.constant 0 : i32
      %dma_start3A_218 = tpu.memref_slice %arg14[%dma_start3A_216, %dma_start3A_217] : memref<10240x128xf32, #tpu.memory_space<vmem_shared>> -> memref<10240x128xf32, #tpu.memory_space<vmem_shared>>
      tpu.enqueue_indirect_dma source(%arg11 : memref<72x128xf32, #tpu.memory_space<vmem>>) target(%dma_start3A_218 : memref<10240x128xf32, #tpu.memory_space<vmem_shared>>) offsets(%dma_start3A_215 : memref<72xi32, #tpu.memory_space<vmem>>) semaphore(%arg24 : memref<!tpu.dma_semaphore, #tpu.memory_space<semaphore_mem>>) {add = true}
      %dma_wait3A_219 = arith.constant 0 : i32
      %dma_wait3A_220 = arith.constant 0 : i32
      %dma_wait3A_221 = arith.constant 0 : i32
      %dma_wait3A_222 = tpu.memref_slice %arg3[%add3A, %dma_wait3A_219, %dma_wait3A_220, %dma_wait3A_221] : memref<32x184x2x72xi32, #tpu.memory_space<hbm>> -> memref<1x1x2x72xi32, #tpu.memory_space<hbm>>
      %dma_wait3A_223 = tpu.memref_squeeze %dma_wait3A_222 : memref<1x1x2x72xi32, #tpu.memory_space<hbm>> -> memref<2x72xi32, #tpu.memory_space<hbm>>
      %dma_wait3A_224 = arith.constant 0 : i32
      %dma_wait3A_225 = arith.constant 0 : i32
      %dma_wait3A_226 = tpu.memref_slice %arg3[%add3A, %dma_wait3A_219, %dma_wait3A_224, %dma_wait3A_225] : memref<32x184x2x72xi32, #tpu.memory_space<hbm>> -> memref<1x1x2x72xi32, #tpu.memory_space<hbm>>
      %dma_wait3A_227 = tpu.memref_squeeze %dma_wait3A_226 : memref<1x1x2x72xi32, #tpu.memory_space<hbm>> -> memref<2x72xi32, #tpu.memory_space<hbm>>
      tpu.wait_dma2 semaphore(%arg15 : memref<!tpu.dma_semaphore, #tpu.memory_space<semaphore_mem>>) src(%dma_wait3A_227 : memref<2x72xi32, #tpu.memory_space<hbm>>) dst(%arg6 : memref<2x72xi32, #tpu.memory_space<vmem>>)
      %dma_start3A_228 = arith.constant 0 : i32
      %dma_start3A_229 = arith.constant 0 : i32
      %dma_start3A_230 = tpu.memref_slice %arg6[%dma_start3A_228, %dma_start3A_229] : memref<2x72xi32, #tpu.memory_space<vmem>> -> memref<1x72xi32, #tpu.memory_space<vmem>>
      %dma_start3A_231 = tpu.memref_squeeze %dma_start3A_230 : memref<1x72xi32, #tpu.memory_space<vmem>> -> memref<72xi32, #tpu.memory_space<vmem>>
      %dma_start3A_232 = arith.constant 0 : i32
      %dma_start3A_233 = arith.constant 0 : i32
      %dma_start3A_234 = tpu.memref_slice %arg2[%dma_start3A_232, %dma_start3A_233] : memref<10240x128xf32, #tpu.memory_space<hbm>> -> memref<10240x128xf32, #tpu.memory_space<hbm>>
      tpu.enqueue_indirect_dma source(%dma_start3A_234 : memref<10240x128xf32, #tpu.memory_space<hbm>>) target(%arg10 : memref<72x128xf32, #tpu.memory_space<vmem>>) offsets(%dma_start3A_231 : memref<72xi32, #tpu.memory_space<vmem>>) semaphore(%arg19 : memref<!tpu.dma_semaphore, #tpu.memory_space<semaphore_mem>>)
      %dma_wait3A_235 = arith.constant 1 : i32
      %dma_wait3A_236 = arith.constant 0 : i32
      %dma_wait3A_237 = tpu.memref_slice %arg7[%dma_wait3A_235, %dma_wait3A_236] : memref<2x72xi32, #tpu.memory_space<vmem>> -> memref<1x72xi32, #tpu.memory_space<vmem>>
      %dma_wait3A_238 = tpu.memref_squeeze %dma_wait3A_237 : memref<1x72xi32, #tpu.memory_space<vmem>> -> memref<72xi32, #tpu.memory_space<vmem>>
      %dma_wait3A_239 = arith.constant 0 : i32
      %dma_wait3A_240 = arith.constant 0 : i32
      %dma_wait3A_241 = tpu.memref_slice %arg14[%dma_wait3A_239, %dma_wait3A_240] : memref<10240x128xf32, #tpu.memory_space<vmem_shared>> -> memref<10240x128xf32, #tpu.memory_space<vmem_shared>>
      tpu.wait_indirect_dma semaphore(%arg24 : memref<!tpu.dma_semaphore, #tpu.memory_space<semaphore_mem>>) src(%arg11 : memref<72x128xf32, #tpu.memory_space<vmem>>) dst(%dma_wait3A_241 : memref<10240x128xf32, #tpu.memory_space<vmem_shared>>)
      %add3A_242 = arith.constant 5 : i32
      %add3A_243 = arith.addi %mul3A_157, %add3A_242 : i32
      %dma_start3A_244 = arith.constant 0 : i32
      %dma_start3A_245 = arith.constant 0 : i32
      %dma_start3A_246 = tpu.memref_slice %arg3[%add3A, %add3A_243, %dma_start3A_244, %dma_start3A_245] : memref<32x184x2x72xi32, #tpu.memory_space<hbm>> -> memref<1x1x2x72xi32, #tpu.memory_space<hbm>>
      %dma_start3A_247 = tpu.memref_squeeze %dma_start3A_246 : memref<1x1x2x72xi32, #tpu.memory_space<hbm>> -> memref<2x72xi32, #tpu.memory_space<hbm>>
      %dma_start3A_248 = arith.constant 0 : i32
      %dma_start3A_249 = arith.constant 0 : i32
      %dma_start3A_250 = tpu.memref_slice %arg3[%add3A, %add3A_243, %dma_start3A_248, %dma_start3A_249] : memref<32x184x2x72xi32, #tpu.memory_space<hbm>> -> memref<1x1x2x72xi32, #tpu.memory_space<hbm>>
      %dma_start3A_251 = tpu.memref_squeeze %dma_start3A_250 : memref<1x1x2x72xi32, #tpu.memory_space<hbm>> -> memref<2x72xi32, #tpu.memory_space<hbm>>
      tpu.enqueue_dma source(%dma_start3A_251 : memref<2x72xi32, #tpu.memory_space<hbm>>) target(%arg7 : memref<2x72xi32, #tpu.memory_space<vmem>>) target_semaphore(%arg16 : memref<!tpu.dma_semaphore, #tpu.memory_space<semaphore_mem>>)
      %dma_wait3A_252 = arith.constant 0 : i32
      %dma_wait3A_253 = arith.constant 0 : i32
      %dma_wait3A_254 = tpu.memref_slice %arg8[%dma_wait3A_252, %dma_wait3A_253] : memref<2x72xi32, #tpu.memory_space<vmem>> -> memref<1x72xi32, #tpu.memory_space<vmem>>
      %dma_wait3A_255 = tpu.memref_squeeze %dma_wait3A_254 : memref<1x72xi32, #tpu.memory_space<vmem>> -> memref<72xi32, #tpu.memory_space<vmem>>
      %dma_wait3A_256 = arith.constant 0 : i32
      %dma_wait3A_257 = arith.constant 0 : i32
      %dma_wait3A_258 = tpu.memref_slice %arg2[%dma_wait3A_256, %dma_wait3A_257] : memref<10240x128xf32, #tpu.memory_space<hbm>> -> memref<10240x128xf32, #tpu.memory_space<hbm>>
      tpu.wait_indirect_dma semaphore(%arg21 : memref<!tpu.dma_semaphore, #tpu.memory_space<semaphore_mem>>) src(%dma_wait3A_258 : memref<10240x128xf32, #tpu.memory_space<hbm>>) dst(%arg12 : memref<72x128xf32, #tpu.memory_space<vmem>>)
      %dma_start3A_259 = arith.constant 1 : i32
      %dma_start3A_260 = arith.constant 0 : i32
      %dma_start3A_261 = tpu.memref_slice %arg8[%dma_start3A_259, %dma_start3A_260] : memref<2x72xi32, #tpu.memory_space<vmem>> -> memref<1x72xi32, #tpu.memory_space<vmem>>
      %dma_start3A_262 = tpu.memref_squeeze %dma_start3A_261 : memref<1x72xi32, #tpu.memory_space<vmem>> -> memref<72xi32, #tpu.memory_space<vmem>>
      %dma_start3A_263 = arith.constant 0 : i32
      %dma_start3A_264 = arith.constant 0 : i32
      %dma_start3A_265 = tpu.memref_slice %arg14[%dma_start3A_263, %dma_start3A_264] : memref<10240x128xf32, #tpu.memory_space<vmem_shared>> -> memref<10240x128xf32, #tpu.memory_space<vmem_shared>>
      tpu.enqueue_indirect_dma source(%arg12 : memref<72x128xf32, #tpu.memory_space<vmem>>) target(%dma_start3A_265 : memref<10240x128xf32, #tpu.memory_space<vmem_shared>>) offsets(%dma_start3A_262 : memref<72xi32, #tpu.memory_space<vmem>>) semaphore(%arg25 : memref<!tpu.dma_semaphore, #tpu.memory_space<semaphore_mem>>) {add = true}
      %dma_wait3A_266 = arith.constant 0 : i32
      %dma_wait3A_267 = arith.constant 0 : i32
      %dma_wait3A_268 = arith.constant 0 : i32
      %dma_wait3A_269 = tpu.memref_slice %arg3[%add3A, %dma_wait3A_266, %dma_wait3A_267, %dma_wait3A_268] : memref<32x184x2x72xi32, #tpu.memory_space<hbm>> -> memref<1x1x2x72xi32, #tpu.memory_space<hbm>>
      %dma_wait3A_270 = tpu.memref_squeeze %dma_wait3A_269 : memref<1x1x2x72xi32, #tpu.memory_space<hbm>> -> memref<2x72xi32, #tpu.memory_space<hbm>>
      %dma_wait3A_271 = arith.constant 0 : i32
      %dma_wait3A_272 = arith.constant 0 : i32
      %dma_wait3A_273 = tpu.memref_slice %arg3[%add3A, %dma_wait3A_266, %dma_wait3A_271, %dma_wait3A_272] : memref<32x184x2x72xi32, #tpu.memory_space<hbm>> -> memref<1x1x2x72xi32, #tpu.memory_space<hbm>>
      %dma_wait3A_274 = tpu.memref_squeeze %dma_wait3A_273 : memref<1x1x2x72xi32, #tpu.memory_space<hbm>> -> memref<2x72xi32, #tpu.memory_space<hbm>>
      tpu.wait_dma2 semaphore(%arg16 : memref<!tpu.dma_semaphore, #tpu.memory_space<semaphore_mem>>) src(%dma_wait3A_274 : memref<2x72xi32, #tpu.memory_space<hbm>>) dst(%arg7 : memref<2x72xi32, #tpu.memory_space<vmem>>)
      %dma_start3A_275 = arith.constant 0 : i32
      %dma_start3A_276 = arith.constant 0 : i32
      %dma_start3A_277 = tpu.memref_slice %arg7[%dma_start3A_275, %dma_start3A_276] : memref<2x72xi32, #tpu.memory_space<vmem>> -> memref<1x72xi32, #tpu.memory_space<vmem>>
      %dma_start3A_278 = tpu.memref_squeeze %dma_start3A_277 : memref<1x72xi32, #tpu.memory_space<vmem>> -> memref<72xi32, #tpu.memory_space<vmem>>
      %dma_start3A_279 = arith.constant 0 : i32
      %dma_start3A_280 = arith.constant 0 : i32
      %dma_start3A_281 = tpu.memref_slice %arg2[%dma_start3A_279, %dma_start3A_280] : memref<10240x128xf32, #tpu.memory_space<hbm>> -> memref<10240x128xf32, #tpu.memory_space<hbm>>
      tpu.enqueue_indirect_dma source(%dma_start3A_281 : memref<10240x128xf32, #tpu.memory_space<hbm>>) target(%arg11 : memref<72x128xf32, #tpu.memory_space<vmem>>) offsets(%dma_start3A_278 : memref<72xi32, #tpu.memory_space<vmem>>) semaphore(%arg20 : memref<!tpu.dma_semaphore, #tpu.memory_space<semaphore_mem>>)
      %dma_wait3A_282 = arith.constant 1 : i32
      %dma_wait3A_283 = arith.constant 0 : i32
      %dma_wait3A_284 = tpu.memref_slice %arg8[%dma_wait3A_282, %dma_wait3A_283] : memref<2x72xi32, #tpu.memory_space<vmem>> -> memref<1x72xi32, #tpu.memory_space<vmem>>
      %dma_wait3A_285 = tpu.memref_squeeze %dma_wait3A_284 : memref<1x72xi32, #tpu.memory_space<vmem>> -> memref<72xi32, #tpu.memory_space<vmem>>
      %dma_wait3A_286 = arith.constant 0 : i32
      %dma_wait3A_287 = arith.constant 0 : i32
      %dma_wait3A_288 = tpu.memref_slice %arg14[%dma_wait3A_286, %dma_wait3A_287] : memref<10240x128xf32, #tpu.memory_space<vmem_shared>> -> memref<10240x128xf32, #tpu.memory_space<vmem_shared>>
      tpu.wait_indirect_dma semaphore(%arg25 : memref<!tpu.dma_semaphore, #tpu.memory_space<semaphore_mem>>) src(%arg12 : memref<72x128xf32, #tpu.memory_space<vmem>>) dst(%dma_wait3A_288 : memref<10240x128xf32, #tpu.memory_space<vmem_shared>>)
      %add3A_289 = arith.constant 6 : i32
      %add3A_290 = arith.addi %mul3A_157, %add3A_289 : i32
      %dma_start3A_291 = arith.constant 0 : i32
      %dma_start3A_292 = arith.constant 0 : i32
      %dma_start3A_293 = tpu.memref_slice %arg3[%add3A, %add3A_290, %dma_start3A_291, %dma_start3A_292] : memref<32x184x2x72xi32, #tpu.memory_space<hbm>> -> memref<1x1x2x72xi32, #tpu.memory_space<hbm>>
      %dma_start3A_294 = tpu.memref_squeeze %dma_start3A_293 : memref<1x1x2x72xi32, #tpu.memory_space<hbm>> -> memref<2x72xi32, #tpu.memory_space<hbm>>
      %dma_start3A_295 = arith.constant 0 : i32
      %dma_start3A_296 = arith.constant 0 : i32
      %dma_start3A_297 = tpu.memref_slice %arg3[%add3A, %add3A_290, %dma_start3A_295, %dma_start3A_296] : memref<32x184x2x72xi32, #tpu.memory_space<hbm>> -> memref<1x1x2x72xi32, #tpu.memory_space<hbm>>
      %dma_start3A_298 = tpu.memref_squeeze %dma_start3A_297 : memref<1x1x2x72xi32, #tpu.memory_space<hbm>> -> memref<2x72xi32, #tpu.memory_space<hbm>>
      tpu.enqueue_dma source(%dma_start3A_298 : memref<2x72xi32, #tpu.memory_space<hbm>>) target(%arg8 : memref<2x72xi32, #tpu.memory_space<vmem>>) target_semaphore(%arg17 : memref<!tpu.dma_semaphore, #tpu.memory_space<semaphore_mem>>)
      %dma_wait3A_299 = arith.constant 0 : i32
      %dma_wait3A_300 = arith.constant 0 : i32
      %dma_wait3A_301 = tpu.memref_slice %arg9[%dma_wait3A_299, %dma_wait3A_300] : memref<2x72xi32, #tpu.memory_space<vmem>> -> memref<1x72xi32, #tpu.memory_space<vmem>>
      %dma_wait3A_302 = tpu.memref_squeeze %dma_wait3A_301 : memref<1x72xi32, #tpu.memory_space<vmem>> -> memref<72xi32, #tpu.memory_space<vmem>>
      %dma_wait3A_303 = arith.constant 0 : i32
      %dma_wait3A_304 = arith.constant 0 : i32
      %dma_wait3A_305 = tpu.memref_slice %arg2[%dma_wait3A_303, %dma_wait3A_304] : memref<10240x128xf32, #tpu.memory_space<hbm>> -> memref<10240x128xf32, #tpu.memory_space<hbm>>
      tpu.wait_indirect_dma semaphore(%arg22 : memref<!tpu.dma_semaphore, #tpu.memory_space<semaphore_mem>>) src(%dma_wait3A_305 : memref<10240x128xf32, #tpu.memory_space<hbm>>) dst(%arg13 : memref<72x128xf32, #tpu.memory_space<vmem>>)
      %dma_start3A_306 = arith.constant 1 : i32
      %dma_start3A_307 = arith.constant 0 : i32
      %dma_start3A_308 = tpu.memref_slice %arg9[%dma_start3A_306, %dma_start3A_307] : memref<2x72xi32, #tpu.memory_space<vmem>> -> memref<1x72xi32, #tpu.memory_space<vmem>>
      %dma_start3A_309 = tpu.memref_squeeze %dma_start3A_308 : memref<1x72xi32, #tpu.memory_space<vmem>> -> memref<72xi32, #tpu.memory_space<vmem>>
      %dma_start3A_310 = arith.constant 0 : i32
      %dma_start3A_311 = arith.constant 0 : i32
      %dma_start3A_312 = tpu.memref_slice %arg14[%dma_start3A_310, %dma_start3A_311] : memref<10240x128xf32, #tpu.memory_space<vmem_shared>> -> memref<10240x128xf32, #tpu.memory_space<vmem_shared>>
      tpu.enqueue_indirect_dma source(%arg13 : memref<72x128xf32, #tpu.memory_space<vmem>>) target(%dma_start3A_312 : memref<10240x128xf32, #tpu.memory_space<vmem_shared>>) offsets(%dma_start3A_309 : memref<72xi32, #tpu.memory_space<vmem>>) semaphore(%arg26 : memref<!tpu.dma_semaphore, #tpu.memory_space<semaphore_mem>>) {add = true}
      %dma_wait3A_313 = arith.constant 0 : i32
      %dma_wait3A_314 = arith.constant 0 : i32
      %dma_wait3A_315 = arith.constant 0 : i32
      %dma_wait3A_316 = tpu.memref_slice %arg3[%add3A, %dma_wait3A_313, %dma_wait3A_314, %dma_wait3A_315] : memref<32x184x2x72xi32, #tpu.memory_space<hbm>> -> memref<1x1x2x72xi32, #tpu.memory_space<hbm>>
      %dma_wait3A_317 = tpu.memref_squeeze %dma_wait3A_316 : memref<1x1x2x72xi32, #tpu.memory_space<hbm>> -> memref<2x72xi32, #tpu.memory_space<hbm>>
      %dma_wait3A_318 = arith.constant 0 : i32
      %dma_wait3A_319 = arith.constant 0 : i32
      %dma_wait3A_320 = tpu.memref_slice %arg3[%add3A, %dma_wait3A_313, %dma_wait3A_318, %dma_wait3A_319] : memref<32x184x2x72xi32, #tpu.memory_space<hbm>> -> memref<1x1x2x72xi32, #tpu.memory_space<hbm>>
      %dma_wait3A_321 = tpu.memref_squeeze %dma_wait3A_320 : memref<1x1x2x72xi32, #tpu.memory_space<hbm>> -> memref<2x72xi32, #tpu.memory_space<hbm>>
      tpu.wait_dma2 semaphore(%arg17 : memref<!tpu.dma_semaphore, #tpu.memory_space<semaphore_mem>>) src(%dma_wait3A_321 : memref<2x72xi32, #tpu.memory_space<hbm>>) dst(%arg8 : memref<2x72xi32, #tpu.memory_space<vmem>>)
      %dma_start3A_322 = arith.constant 0 : i32
      %dma_start3A_323 = arith.constant 0 : i32
      %dma_start3A_324 = tpu.memref_slice %arg8[%dma_start3A_322, %dma_start3A_323] : memref<2x72xi32, #tpu.memory_space<vmem>> -> memref<1x72xi32, #tpu.memory_space<vmem>>
      %dma_start3A_325 = tpu.memref_squeeze %dma_start3A_324 : memref<1x72xi32, #tpu.memory_space<vmem>> -> memref<72xi32, #tpu.memory_space<vmem>>
      %dma_start3A_326 = arith.constant 0 : i32
      %dma_start3A_327 = arith.constant 0 : i32
      %dma_start3A_328 = tpu.memref_slice %arg2[%dma_start3A_326, %dma_start3A_327] : memref<10240x128xf32, #tpu.memory_space<hbm>> -> memref<10240x128xf32, #tpu.memory_space<hbm>>
      tpu.enqueue_indirect_dma source(%dma_start3A_328 : memref<10240x128xf32, #tpu.memory_space<hbm>>) target(%arg12 : memref<72x128xf32, #tpu.memory_space<vmem>>) offsets(%dma_start3A_325 : memref<72xi32, #tpu.memory_space<vmem>>) semaphore(%arg21 : memref<!tpu.dma_semaphore, #tpu.memory_space<semaphore_mem>>)
      %dma_wait3A_329 = arith.constant 1 : i32
      %dma_wait3A_330 = arith.constant 0 : i32
      %dma_wait3A_331 = tpu.memref_slice %arg9[%dma_wait3A_329, %dma_wait3A_330] : memref<2x72xi32, #tpu.memory_space<vmem>> -> memref<1x72xi32, #tpu.memory_space<vmem>>
      %dma_wait3A_332 = tpu.memref_squeeze %dma_wait3A_331 : memref<1x72xi32, #tpu.memory_space<vmem>> -> memref<72xi32, #tpu.memory_space<vmem>>
      %dma_wait3A_333 = arith.constant 0 : i32
      %dma_wait3A_334 = arith.constant 0 : i32
      %dma_wait3A_335 = tpu.memref_slice %arg14[%dma_wait3A_333, %dma_wait3A_334] : memref<10240x128xf32, #tpu.memory_space<vmem_shared>> -> memref<10240x128xf32, #tpu.memory_space<vmem_shared>>
      tpu.wait_indirect_dma semaphore(%arg26 : memref<!tpu.dma_semaphore, #tpu.memory_space<semaphore_mem>>) src(%arg13 : memref<72x128xf32, #tpu.memory_space<vmem>>) dst(%dma_wait3A_335 : memref<10240x128xf32, #tpu.memory_space<vmem_shared>>)
      %add3A_336 = arith.constant 7 : i32
      %add3A_337 = arith.addi %mul3A_157, %add3A_336 : i32
      %dma_start3A_338 = arith.constant 0 : i32
      %dma_start3A_339 = arith.constant 0 : i32
      %dma_start3A_340 = tpu.memref_slice %arg3[%add3A, %add3A_337, %dma_start3A_338, %dma_start3A_339] : memref<32x184x2x72xi32, #tpu.memory_space<hbm>> -> memref<1x1x2x72xi32, #tpu.memory_space<hbm>>
      %dma_start3A_341 = tpu.memref_squeeze %dma_start3A_340 : memref<1x1x2x72xi32, #tpu.memory_space<hbm>> -> memref<2x72xi32, #tpu.memory_space<hbm>>
      %dma_start3A_342 = arith.constant 0 : i32
      %dma_start3A_343 = arith.constant 0 : i32
      %dma_start3A_344 = tpu.memref_slice %arg3[%add3A, %add3A_337, %dma_start3A_342, %dma_start3A_343] : memref<32x184x2x72xi32, #tpu.memory_space<hbm>> -> memref<1x1x2x72xi32, #tpu.memory_space<hbm>>
      %dma_start3A_345 = tpu.memref_squeeze %dma_start3A_344 : memref<1x1x2x72xi32, #tpu.memory_space<hbm>> -> memref<2x72xi32, #tpu.memory_space<hbm>>
      tpu.enqueue_dma source(%dma_start3A_345 : memref<2x72xi32, #tpu.memory_space<hbm>>) target(%arg9 : memref<2x72xi32, #tpu.memory_space<vmem>>) target_semaphore(%arg18 : memref<!tpu.dma_semaphore, #tpu.memory_space<semaphore_mem>>)
    }
    %dma_wait3A_116 = arith.constant 0 : i32
    %dma_wait3A_117 = arith.constant 0 : i32
    %dma_wait3A_118 = tpu.memref_slice %arg6[%dma_wait3A_116, %dma_wait3A_117] : memref<2x72xi32, #tpu.memory_space<vmem>> -> memref<1x72xi32, #tpu.memory_space<vmem>>
    %dma_wait3A_119 = tpu.memref_squeeze %dma_wait3A_118 : memref<1x72xi32, #tpu.memory_space<vmem>> -> memref<72xi32, #tpu.memory_space<vmem>>
    %dma_wait3A_120 = arith.constant 0 : i32
    %dma_wait3A_121 = arith.constant 0 : i32
    %dma_wait3A_122 = tpu.memref_slice %arg2[%dma_wait3A_120, %dma_wait3A_121] : memref<10240x128xf32, #tpu.memory_space<hbm>> -> memref<10240x128xf32, #tpu.memory_space<hbm>>
    tpu.wait_indirect_dma semaphore(%arg19 : memref<!tpu.dma_semaphore, #tpu.memory_space<semaphore_mem>>) src(%dma_wait3A_122 : memref<10240x128xf32, #tpu.memory_space<hbm>>) dst(%arg10 : memref<72x128xf32, #tpu.memory_space<vmem>>)
    %run_scoped3A = arith.constant 1 : i32
    "tpu.region"() ({
      %run_scoped3A_155 = tpu.sem_alloc : memref<!tpu.dma_semaphore, #tpu.memory_space<semaphore_mem>>
      %dma_start3A_156 = arith.constant 0 : i32
      %dma_start3A_157 = tpu.memref_slice %arg6[%run_scoped3A, %dma_start3A_156] : memref<2x72xi32, #tpu.memory_space<vmem>> -> memref<1x72xi32, #tpu.memory_space<vmem>>
      %dma_start3A_158 = tpu.memref_squeeze %dma_start3A_157 : memref<1x72xi32, #tpu.memory_space<vmem>> -> memref<72xi32, #tpu.memory_space<vmem>>
      %dma_start3A_159 = arith.constant 0 : i32
      %dma_start3A_160 = arith.constant 0 : i32
      %dma_start3A_161 = tpu.memref_slice %arg14[%dma_start3A_159, %dma_start3A_160] : memref<10240x128xf32, #tpu.memory_space<vmem_shared>> -> memref<10240x128xf32, #tpu.memory_space<vmem_shared>>
      tpu.enqueue_indirect_dma source(%arg10 : memref<72x128xf32, #tpu.memory_space<vmem>>) target(%dma_start3A_161 : memref<10240x128xf32, #tpu.memory_space<vmem_shared>>) offsets(%dma_start3A_158 : memref<72xi32, #tpu.memory_space<vmem>>) semaphore(%run_scoped3A_155 : memref<!tpu.dma_semaphore, #tpu.memory_space<semaphore_mem>>) {add = true}
      %dma_wait3A_162 = arith.constant 0 : i32
      %dma_wait3A_163 = tpu.memref_slice %arg6[%run_scoped3A, %dma_wait3A_162] : memref<2x72xi32, #tpu.memory_space<vmem>> -> memref<1x72xi32, #tpu.memory_space<vmem>>
      %dma_wait3A_164 = tpu.memref_squeeze %dma_wait3A_163 : memref<1x72xi32, #tpu.memory_space<vmem>> -> memref<72xi32, #tpu.memory_space<vmem>>
      %dma_wait3A_165 = arith.constant 0 : i32
      %dma_wait3A_166 = arith.constant 0 : i32
      %dma_wait3A_167 = tpu.memref_slice %arg14[%dma_wait3A_165, %dma_wait3A_166] : memref<10240x128xf32, #tpu.memory_space<vmem_shared>> -> memref<10240x128xf32, #tpu.memory_space<vmem_shared>>
      tpu.wait_indirect_dma semaphore(%run_scoped3A_155 : memref<!tpu.dma_semaphore, #tpu.memory_space<semaphore_mem>>) src(%arg10 : memref<72x128xf32, #tpu.memory_space<vmem>>) dst(%dma_wait3A_167 : memref<10240x128xf32, #tpu.memory_space<vmem_shared>>)
      tpu.yield
    }) : () -> ()
    %dma_wait3A_123 = arith.constant 0 : i32
    %dma_wait3A_124 = arith.constant 0 : i32
    %dma_wait3A_125 = tpu.memref_slice %arg7[%dma_wait3A_123, %dma_wait3A_124] : memref<2x72xi32, #tpu.memory_space<vmem>> -> memref<1x72xi32, #tpu.memory_space<vmem>>
    %dma_wait3A_126 = tpu.memref_squeeze %dma_wait3A_125 : memref<1x72xi32, #tpu.memory_space<vmem>> -> memref<72xi32, #tpu.memory_space<vmem>>
    %dma_wait3A_127 = arith.constant 0 : i32
    %dma_wait3A_128 = arith.constant 0 : i32
    %dma_wait3A_129 = tpu.memref_slice %arg2[%dma_wait3A_127, %dma_wait3A_128] : memref<10240x128xf32, #tpu.memory_space<hbm>> -> memref<10240x128xf32, #tpu.memory_space<hbm>>
    tpu.wait_indirect_dma semaphore(%arg20 : memref<!tpu.dma_semaphore, #tpu.memory_space<semaphore_mem>>) src(%dma_wait3A_129 : memref<10240x128xf32, #tpu.memory_space<hbm>>) dst(%arg11 : memref<72x128xf32, #tpu.memory_space<vmem>>)
    %run_scoped3A_130 = arith.constant 1 : i32
    "tpu.region"() ({
      %run_scoped3A_155 = tpu.sem_alloc : memref<!tpu.dma_semaphore, #tpu.memory_space<semaphore_mem>>
      %dma_start3A_156 = arith.constant 0 : i32
      %dma_start3A_157 = tpu.memref_slice %arg7[%run_scoped3A_130, %dma_start3A_156] : memref<2x72xi32, #tpu.memory_space<vmem>> -> memref<1x72xi32, #tpu.memory_space<vmem>>
      %dma_start3A_158 = tpu.memref_squeeze %dma_start3A_157 : memref<1x72xi32, #tpu.memory_space<vmem>> -> memref<72xi32, #tpu.memory_space<vmem>>
      %dma_start3A_159 = arith.constant 0 : i32
      %dma_start3A_160 = arith.constant 0 : i32
      %dma_start3A_161 = tpu.memref_slice %arg14[%dma_start3A_159, %dma_start3A_160] : memref<10240x128xf32, #tpu.memory_space<vmem_shared>> -> memref<10240x128xf32, #tpu.memory_space<vmem_shared>>
      tpu.enqueue_indirect_dma source(%arg11 : memref<72x128xf32, #tpu.memory_space<vmem>>) target(%dma_start3A_161 : memref<10240x128xf32, #tpu.memory_space<vmem_shared>>) offsets(%dma_start3A_158 : memref<72xi32, #tpu.memory_space<vmem>>) semaphore(%run_scoped3A_155 : memref<!tpu.dma_semaphore, #tpu.memory_space<semaphore_mem>>) {add = true}
      %dma_wait3A_162 = arith.constant 0 : i32
      %dma_wait3A_163 = tpu.memref_slice %arg7[%run_scoped3A_130, %dma_wait3A_162] : memref<2x72xi32, #tpu.memory_space<vmem>> -> memref<1x72xi32, #tpu.memory_space<vmem>>
      %dma_wait3A_164 = tpu.memref_squeeze %dma_wait3A_163 : memref<1x72xi32, #tpu.memory_space<vmem>> -> memref<72xi32, #tpu.memory_space<vmem>>
      %dma_wait3A_165 = arith.constant 0 : i32
      %dma_wait3A_166 = arith.constant 0 : i32
      %dma_wait3A_167 = tpu.memref_slice %arg14[%dma_wait3A_165, %dma_wait3A_166] : memref<10240x128xf32, #tpu.memory_space<vmem_shared>> -> memref<10240x128xf32, #tpu.memory_space<vmem_shared>>
      tpu.wait_indirect_dma semaphore(%run_scoped3A_155 : memref<!tpu.dma_semaphore, #tpu.memory_space<semaphore_mem>>) src(%arg11 : memref<72x128xf32, #tpu.memory_space<vmem>>) dst(%dma_wait3A_167 : memref<10240x128xf32, #tpu.memory_space<vmem_shared>>)
      tpu.yield
    }) : () -> ()
    %dma_wait3A_131 = arith.constant 0 : i32
    %dma_wait3A_132 = arith.constant 0 : i32
    %dma_wait3A_133 = tpu.memref_slice %arg8[%dma_wait3A_131, %dma_wait3A_132] : memref<2x72xi32, #tpu.memory_space<vmem>> -> memref<1x72xi32, #tpu.memory_space<vmem>>
    %dma_wait3A_134 = tpu.memref_squeeze %dma_wait3A_133 : memref<1x72xi32, #tpu.memory_space<vmem>> -> memref<72xi32, #tpu.memory_space<vmem>>
    %dma_wait3A_135 = arith.constant 0 : i32
    %dma_wait3A_136 = arith.constant 0 : i32
    %dma_wait3A_137 = tpu.memref_slice %arg2[%dma_wait3A_135, %dma_wait3A_136] : memref<10240x128xf32, #tpu.memory_space<hbm>> -> memref<10240x128xf32, #tpu.memory_space<hbm>>
    tpu.wait_indirect_dma semaphore(%arg21 : memref<!tpu.dma_semaphore, #tpu.memory_space<semaphore_mem>>) src(%dma_wait3A_137 : memref<10240x128xf32, #tpu.memory_space<hbm>>) dst(%arg12 : memref<72x128xf32, #tpu.memory_space<vmem>>)
    %run_scoped3A_138 = arith.constant 1 : i32
    "tpu.region"() ({
      %run_scoped3A_155 = tpu.sem_alloc : memref<!tpu.dma_semaphore, #tpu.memory_space<semaphore_mem>>
      %dma_start3A_156 = arith.constant 0 : i32
      %dma_start3A_157 = tpu.memref_slice %arg8[%run_scoped3A_138, %dma_start3A_156] : memref<2x72xi32, #tpu.memory_space<vmem>> -> memref<1x72xi32, #tpu.memory_space<vmem>>
      %dma_start3A_158 = tpu.memref_squeeze %dma_start3A_157 : memref<1x72xi32, #tpu.memory_space<vmem>> -> memref<72xi32, #tpu.memory_space<vmem>>
      %dma_start3A_159 = arith.constant 0 : i32
      %dma_start3A_160 = arith.constant 0 : i32
      %dma_start3A_161 = tpu.memref_slice %arg14[%dma_start3A_159, %dma_start3A_160] : memref<10240x128xf32, #tpu.memory_space<vmem_shared>> -> memref<10240x128xf32, #tpu.memory_space<vmem_shared>>
      tpu.enqueue_indirect_dma source(%arg12 : memref<72x128xf32, #tpu.memory_space<vmem>>) target(%dma_start3A_161 : memref<10240x128xf32, #tpu.memory_space<vmem_shared>>) offsets(%dma_start3A_158 : memref<72xi32, #tpu.memory_space<vmem>>) semaphore(%run_scoped3A_155 : memref<!tpu.dma_semaphore, #tpu.memory_space<semaphore_mem>>) {add = true}
      %dma_wait3A_162 = arith.constant 0 : i32
      %dma_wait3A_163 = tpu.memref_slice %arg8[%run_scoped3A_138, %dma_wait3A_162] : memref<2x72xi32, #tpu.memory_space<vmem>> -> memref<1x72xi32, #tpu.memory_space<vmem>>
      %dma_wait3A_164 = tpu.memref_squeeze %dma_wait3A_163 : memref<1x72xi32, #tpu.memory_space<vmem>> -> memref<72xi32, #tpu.memory_space<vmem>>
      %dma_wait3A_165 = arith.constant 0 : i32
      %dma_wait3A_166 = arith.constant 0 : i32
      %dma_wait3A_167 = tpu.memref_slice %arg14[%dma_wait3A_165, %dma_wait3A_166] : memref<10240x128xf32, #tpu.memory_space<vmem_shared>> -> memref<10240x128xf32, #tpu.memory_space<vmem_shared>>
      tpu.wait_indirect_dma semaphore(%run_scoped3A_155 : memref<!tpu.dma_semaphore, #tpu.memory_space<semaphore_mem>>) src(%arg12 : memref<72x128xf32, #tpu.memory_space<vmem>>) dst(%dma_wait3A_167 : memref<10240x128xf32, #tpu.memory_space<vmem_shared>>)
      tpu.yield
    }) : () -> ()
    %dma_wait3A_139 = arith.constant 0 : i32
    %dma_wait3A_140 = arith.constant 0 : i32
    %dma_wait3A_141 = arith.constant 0 : i32
    %dma_wait3A_142 = tpu.memref_slice %arg3[%add3A, %dma_wait3A_139, %dma_wait3A_140, %dma_wait3A_141] : memref<32x184x2x72xi32, #tpu.memory_space<hbm>> -> memref<1x1x2x72xi32, #tpu.memory_space<hbm>>
    %dma_wait3A_143 = tpu.memref_squeeze %dma_wait3A_142 : memref<1x1x2x72xi32, #tpu.memory_space<hbm>> -> memref<2x72xi32, #tpu.memory_space<hbm>>
    %dma_wait3A_144 = arith.constant 0 : i32
    %dma_wait3A_145 = arith.constant 0 : i32
    %dma_wait3A_146 = tpu.memref_slice %arg3[%add3A, %dma_wait3A_139, %dma_wait3A_144, %dma_wait3A_145] : memref<32x184x2x72xi32, #tpu.memory_space<hbm>> -> memref<1x1x2x72xi32, #tpu.memory_space<hbm>>
    %dma_wait3A_147 = tpu.memref_squeeze %dma_wait3A_146 : memref<1x1x2x72xi32, #tpu.memory_space<hbm>> -> memref<2x72xi32, #tpu.memory_space<hbm>>
    tpu.wait_dma2 semaphore(%arg18 : memref<!tpu.dma_semaphore, #tpu.memory_space<semaphore_mem>>) src(%dma_wait3A_147 : memref<2x72xi32, #tpu.memory_space<hbm>>) dst(%arg9 : memref<2x72xi32, #tpu.memory_space<vmem>>)
    %run_scoped3A_148 = arith.constant 0 : i32
    "tpu.region"() ({
      %run_scoped3A_155 = tpu.sem_alloc : memref<!tpu.dma_semaphore, #tpu.memory_space<semaphore_mem>>
      %dma_start3A_156 = arith.constant 0 : i32
      %dma_start3A_157 = tpu.memref_slice %arg9[%run_scoped3A_148, %dma_start3A_156] : memref<2x72xi32, #tpu.memory_space<vmem>> -> memref<1x72xi32, #tpu.memory_space<vmem>>
      %dma_start3A_158 = tpu.memref_squeeze %dma_start3A_157 : memref<1x72xi32, #tpu.memory_space<vmem>> -> memref<72xi32, #tpu.memory_space<vmem>>
      %dma_start3A_159 = arith.constant 0 : i32
      %dma_start3A_160 = arith.constant 0 : i32
      %dma_start3A_161 = tpu.memref_slice %arg2[%dma_start3A_159, %dma_start3A_160] : memref<10240x128xf32, #tpu.memory_space<hbm>> -> memref<10240x128xf32, #tpu.memory_space<hbm>>
      tpu.enqueue_indirect_dma source(%dma_start3A_161 : memref<10240x128xf32, #tpu.memory_space<hbm>>) target(%arg13 : memref<72x128xf32, #tpu.memory_space<vmem>>) offsets(%dma_start3A_158 : memref<72xi32, #tpu.memory_space<vmem>>) semaphore(%run_scoped3A_155 : memref<!tpu.dma_semaphore, #tpu.memory_space<semaphore_mem>>)
      %dma_wait3A_162 = arith.constant 0 : i32
      %dma_wait3A_163 = tpu.memref_slice %arg9[%run_scoped3A_148, %dma_wait3A_162] : memref<2x72xi32, #tpu.memory_space<vmem>> -> memref<1x72xi32, #tpu.memory_space<vmem>>
      %dma_wait3A_164 = tpu.memref_squeeze %dma_wait3A_163 : memref<1x72xi32, #tpu.memory_space<vmem>> -> memref<72xi32, #tpu.memory_space<vmem>>
      %dma_wait3A_165 = arith.constant 0 : i32
      %dma_wait3A_166 = arith.constant 0 : i32
      %dma_wait3A_167 = tpu.memref_slice %arg2[%dma_wait3A_165, %dma_wait3A_166] : memref<10240x128xf32, #tpu.memory_space<hbm>> -> memref<10240x128xf32, #tpu.memory_space<hbm>>
      tpu.wait_indirect_dma semaphore(%run_scoped3A_155 : memref<!tpu.dma_semaphore, #tpu.memory_space<semaphore_mem>>) src(%dma_wait3A_167 : memref<10240x128xf32, #tpu.memory_space<hbm>>) dst(%arg13 : memref<72x128xf32, #tpu.memory_space<vmem>>)
      tpu.yield
    }) : () -> ()
    %run_scoped3A_149 = arith.constant 1 : i32
    "tpu.region"() ({
      %run_scoped3A_155 = tpu.sem_alloc : memref<!tpu.dma_semaphore, #tpu.memory_space<semaphore_mem>>
      %dma_start3A_156 = arith.constant 0 : i32
      %dma_start3A_157 = tpu.memref_slice %arg9[%run_scoped3A_149, %dma_start3A_156] : memref<2x72xi32, #tpu.memory_space<vmem>> -> memref<1x72xi32, #tpu.memory_space<vmem>>
      %dma_start3A_158 = tpu.memref_squeeze %dma_start3A_157 : memref<1x72xi32, #tpu.memory_space<vmem>> -> memref<72xi32, #tpu.memory_space<vmem>>
      %dma_start3A_159 = arith.constant 0 : i32
      %dma_start3A_160 = arith.constant 0 : i32
      %dma_start3A_161 = tpu.memref_slice %arg14[%dma_start3A_159, %dma_start3A_160] : memref<10240x128xf32, #tpu.memory_space<vmem_shared>> -> memref<10240x128xf32, #tpu.memory_space<vmem_shared>>
      tpu.enqueue_indirect_dma source(%arg13 : memref<72x128xf32, #tpu.memory_space<vmem>>) target(%dma_start3A_161 : memref<10240x128xf32, #tpu.memory_space<vmem_shared>>) offsets(%dma_start3A_158 : memref<72xi32, #tpu.memory_space<vmem>>) semaphore(%run_scoped3A_155 : memref<!tpu.dma_semaphore, #tpu.memory_space<semaphore_mem>>) {add = true}
      %dma_wait3A_162 = arith.constant 0 : i32
      %dma_wait3A_163 = tpu.memref_slice %arg9[%run_scoped3A_149, %dma_wait3A_162] : memref<2x72xi32, #tpu.memory_space<vmem>> -> memref<1x72xi32, #tpu.memory_space<vmem>>
      %dma_wait3A_164 = tpu.memref_squeeze %dma_wait3A_163 : memref<1x72xi32, #tpu.memory_space<vmem>> -> memref<72xi32, #tpu.memory_space<vmem>>
      %dma_wait3A_165 = arith.constant 0 : i32
      %dma_wait3A_166 = arith.constant 0 : i32
      %dma_wait3A_167 = tpu.memref_slice %arg14[%dma_wait3A_165, %dma_wait3A_166] : memref<10240x128xf32, #tpu.memory_space<vmem_shared>> -> memref<10240x128xf32, #tpu.memory_space<vmem_shared>>
      tpu.wait_indirect_dma semaphore(%run_scoped3A_155 : memref<!tpu.dma_semaphore, #tpu.memory_space<semaphore_mem>>) src(%arg13 : memref<72x128xf32, #tpu.memory_space<vmem>>) dst(%dma_wait3A_167 : memref<10240x128xf32, #tpu.memory_space<vmem_shared>>)
      tpu.yield
    }) : () -> ()
    %barrier3A_150 = arith.constant 0 : index
    tpu.barrier barrier_id(%barrier3A_150)
    %mul3A_151 = arith.constant 640 : i32
    %mul3A_152 = arith.muli %arg1, %mul3A_151 : i32
    %mul3A_153 = arith.constant 640 : i32
    %mul3A_154 = arith.muli %arg1, %mul3A_153 : i32
    "tpu.region"() ({
      %run_scoped3A_155 = tpu.sem_alloc : memref<!tpu.dma_semaphore, #tpu.memory_space<semaphore_mem>>
      %dma_start3A_156 = arith.constant 0 : i32
      %dma_start3A_157 = arith.constant 0 : i32
      %dma_start3A_158 = tpu.memref_slice %arg5[%arg0, %dma_start3A_156, %dma_start3A_157] : memref<2x10240x128xf32, #tpu.memory_space<hbm>> -> memref<1x10240x128xf32, #tpu.memory_space<hbm>>
      %dma_start3A_159 = tpu.memref_squeeze %dma_start3A_158 : memref<1x10240x128xf32, #tpu.memory_space<hbm>> -> memref<10240x128xf32, #tpu.memory_space<hbm>>
      %dma_start3A_160 = arith.constant 0 : i32
      %dma_start3A_161 = tpu.memref_slice %dma_start3A_159[%mul3A_154, %dma_start3A_160] : memref<10240x128xf32, #tpu.memory_space<hbm>> -> memref<640x128xf32, #tpu.memory_space<hbm>>
      %dma_start3A_162 = arith.constant 0 : i32
      %dma_start3A_163 = tpu.memref_slice %arg14[%mul3A_152, %dma_start3A_162] : memref<10240x128xf32, #tpu.memory_space<vmem_shared>> -> memref<640x128xf32, #tpu.memory_space<vmem_shared>>
      tpu.enqueue_dma source(%dma_start3A_163 : memref<640x128xf32, #tpu.memory_space<vmem_shared>>) target(%dma_start3A_161 : memref<640x128xf32, #tpu.memory_space<hbm>>) target_semaphore(%run_scoped3A_155 : memref<!tpu.dma_semaphore, #tpu.memory_space<semaphore_mem>>)
      %dma_wait3A_164 = arith.constant 0 : i32
      %dma_wait3A_165 = arith.constant 0 : i32
      %dma_wait3A_166 = tpu.memref_slice %arg5[%arg0, %dma_wait3A_164, %dma_wait3A_165] : memref<2x10240x128xf32, #tpu.memory_space<hbm>> -> memref<1x10240x128xf32, #tpu.memory_space<hbm>>
      %dma_wait3A_167 = tpu.memref_squeeze %dma_wait3A_166 : memref<1x10240x128xf32, #tpu.memory_space<hbm>> -> memref<10240x128xf32, #tpu.memory_space<hbm>>
      %dma_wait3A_168 = arith.constant 0 : i32
      %dma_wait3A_169 = tpu.memref_slice %dma_wait3A_167[%mul3A_154, %dma_wait3A_168] : memref<10240x128xf32, #tpu.memory_space<hbm>> -> memref<640x128xf32, #tpu.memory_space<hbm>>
      %dma_wait3A_170 = arith.constant 0 : i32
      %dma_wait3A_171 = tpu.memref_slice %arg14[%mul3A_152, %dma_wait3A_170] : memref<10240x128xf32, #tpu.memory_space<vmem_shared>> -> memref<640x128xf32, #tpu.memory_space<vmem_shared>>
      tpu.wait_dma2 semaphore(%run_scoped3A_155 : memref<!tpu.dma_semaphore, #tpu.memory_space<semaphore_mem>>) src(%dma_wait3A_171 : memref<640x128xf32, #tpu.memory_space<vmem_shared>>) dst(%dma_wait3A_169 : memref<640x128xf32, #tpu.memory_space<hbm>>)
      tpu.yield
    }) : () -> ()
    return
  }
}

#map = affine_map<(d0, d1) -> (0, 0)>
#map1 = affine_map<(d0, d1) -> (0, 0, 0, 0)>
#map2 = affine_map<(d0, d1) -> (0, 0, 0)>
module attributes {stable_mosaic.version = 14 : i64} {
  func.func @sc_aggregate(%arg0: i32, %arg1: i32, %arg2: memref<10240x128xf32, #tpu.memory_space<hbm>>, %arg3: memref<32x184x2x72xi32, #tpu.memory_space<hbm>>, %arg4: memref<640x128xf32, #tpu.memory_space<hbm>>, %arg5: memref<2x10240x128xf32, #tpu.memory_space<hbm>>, %arg6: memref<2x72xi32, #tpu.memory_space<vmem>>, %arg7: memref<2x72xi32, #tpu.memory_space<vmem>>, %arg8: memref<2x72xi32, #tpu.memory_space<vmem>>, %arg9: memref<2x72xi32, #tpu.memory_space<vmem>>, %arg10: memref<72x128xf32, #tpu.memory_space<vmem>>, %arg11: memref<72x128xf32, #tpu.memory_space<vmem>>, %arg12: memref<72x128xf32, #tpu.memory_space<vmem>>, %arg13: memref<72x128xf32, #tpu.memory_space<vmem>>, %arg14: memref<10240x128xf32, #tpu.memory_space<vmem_shared>>, %arg15: memref<!tpu.dma_semaphore, #tpu.memory_space<semaphore_mem>>, %arg16: memref<!tpu.dma_semaphore, #tpu.memory_space<semaphore_mem>>, %arg17: memref<!tpu.dma_semaphore, #tpu.memory_space<semaphore_mem>>, %arg18: memref<!tpu.dma_semaphore, #tpu.memory_space<semaphore_mem>>, %arg19: memref<!tpu.dma_semaphore, #tpu.memory_space<semaphore_mem>>, %arg20: memref<!tpu.dma_semaphore, #tpu.memory_space<semaphore_mem>>, %arg21: memref<!tpu.dma_semaphore, #tpu.memory_space<semaphore_mem>>, %arg22: memref<!tpu.dma_semaphore, #tpu.memory_space<semaphore_mem>>, %arg23: memref<!tpu.dma_semaphore, #tpu.memory_space<semaphore_mem>>, %arg24: memref<!tpu.dma_semaphore, #tpu.memory_space<semaphore_mem>>, %arg25: memref<!tpu.dma_semaphore, #tpu.memory_space<semaphore_mem>>, %arg26: memref<!tpu.dma_semaphore, #tpu.memory_space<semaphore_mem>>) attributes {dimension_semantics = [#tpu.dimension_semantics<core_parallel>, #tpu.dimension_semantics<subcore_parallel>], iteration_bounds = array<i64: 2, 16>, scalar_prefetch = 0 : i64, scratch_operands = 21 : i64, tpu.core_type = #tpu.core_type<sc_vector_subcore>, window_params = [{transform_indices = #map}, {transform_indices = #map1}, {transform_indices = #map}, {transform_indices = #map2}]} {
    %mul3A = arith.constant 2 : i32
    %mul3A_0 = arith.muli %arg1, %mul3A : i32
    %add3A = arith.addi %mul3A_0, %arg0 : i32
    %mul3A_1 = arith.constant 640 : i32
    %mul3A_2 = arith.muli %arg1, %mul3A_1 : i32
    "tpu.region"() ({
      %run_scoped3A_155 = tpu.sem_alloc : memref<!tpu.dma_semaphore, #tpu.memory_space<semaphore_mem>>
      %dma_start3A_156 = arith.constant 0 : i32
      %dma_start3A_157 = tpu.memref_slice %arg14[%mul3A_2, %dma_start3A_156] : memref<10240x128xf32, #tpu.memory_space<vmem_shared>> -> memref<640x128xf32, #tpu.memory_space<vmem_shared>>
      tpu.enqueue_dma source(%arg4 : memref<640x128xf32, #tpu.memory_space<hbm>>) target(%dma_start3A_157 : memref<640x128xf32, #tpu.memory_space<vmem_shared>>) target_semaphore(%run_scoped3A_155 : memref<!tpu.dma_semaphore, #tpu.memory_space<semaphore_mem>>)
      %dma_wait3A_158 = arith.constant 0 : i32
      %dma_wait3A_159 = tpu.memref_slice %arg14[%mul3A_2, %dma_wait3A_158] : memref<10240x128xf32, #tpu.memory_space<vmem_shared>> -> memref<640x128xf32, #tpu.memory_space<vmem_shared>>
      tpu.wait_dma2 semaphore(%run_scoped3A_155 : memref<!tpu.dma_semaphore, #tpu.memory_space<semaphore_mem>>) src(%arg4 : memref<640x128xf32, #tpu.memory_space<hbm>>) dst(%dma_wait3A_159 : memref<640x128xf32, #tpu.memory_space<vmem_shared>>)
      tpu.yield
    }) : () -> ()
    %barrier3A = arith.constant 0 : index
    tpu.barrier barrier_id(%barrier3A)
    %eq3A = arith.constant 0 : i32
    %eq3A_3 = arith.cmpi eq, %arg0, %eq3A : i32
    %select_n3A = arith.constant 96 : i32
    %select_n3A_4 = arith.constant 184 : i32
    %select_n3A_5 = arith.select %eq3A_3, %select_n3A_4, %select_n3A : i32
    %dma_start3A = arith.constant 0 : i32
    %dma_start3A_6 = arith.constant 0 : i32
    %dma_start3A_7 = arith.constant 0 : i32
    %dma_start3A_8 = tpu.memref_slice %arg3[%add3A, %dma_start3A, %dma_start3A_6, %dma_start3A_7] : memref<32x184x2x72xi32, #tpu.memory_space<hbm>> -> memref<1x1x2x72xi32, #tpu.memory_space<hbm>>
    %dma_start3A_9 = tpu.memref_squeeze %dma_start3A_8 : memref<1x1x2x72xi32, #tpu.memory_space<hbm>> -> memref<2x72xi32, #tpu.memory_space<hbm>>
    %dma_start3A_10 = arith.constant 0 : i32
    %dma_start3A_11 = arith.constant 0 : i32
    %dma_start3A_12 = tpu.memref_slice %arg3[%add3A, %dma_start3A, %dma_start3A_10, %dma_start3A_11] : memref<32x184x2x72xi32, #tpu.memory_space<hbm>> -> memref<1x1x2x72xi32, #tpu.memory_space<hbm>>
    %dma_start3A_13 = tpu.memref_squeeze %dma_start3A_12 : memref<1x1x2x72xi32, #tpu.memory_space<hbm>> -> memref<2x72xi32, #tpu.memory_space<hbm>>
    tpu.enqueue_dma source(%dma_start3A_13 : memref<2x72xi32, #tpu.memory_space<hbm>>) target(%arg6 : memref<2x72xi32, #tpu.memory_space<vmem>>) target_semaphore(%arg15 : memref<!tpu.dma_semaphore, #tpu.memory_space<semaphore_mem>>)
    %dma_start3A_14 = arith.constant 1 : i32
    %dma_start3A_15 = arith.constant 0 : i32
    %dma_start3A_16 = arith.constant 0 : i32
    %dma_start3A_17 = tpu.memref_slice %arg3[%add3A, %dma_start3A_14, %dma_start3A_15, %dma_start3A_16] : memref<32x184x2x72xi32, #tpu.memory_space<hbm>> -> memref<1x1x2x72xi32, #tpu.memory_space<hbm>>
    %dma_start3A_18 = tpu.memref_squeeze %dma_start3A_17 : memref<1x1x2x72xi32, #tpu.memory_space<hbm>> -> memref<2x72xi32, #tpu.memory_space<hbm>>
    %dma_start3A_19 = arith.constant 0 : i32
    %dma_start3A_20 = arith.constant 0 : i32
    %dma_start3A_21 = tpu.memref_slice %arg3[%add3A, %dma_start3A_14, %dma_start3A_19, %dma_start3A_20] : memref<32x184x2x72xi32, #tpu.memory_space<hbm>> -> memref<1x1x2x72xi32, #tpu.memory_space<hbm>>
    %dma_start3A_22 = tpu.memref_squeeze %dma_start3A_21 : memref<1x1x2x72xi32, #tpu.memory_space<hbm>> -> memref<2x72xi32, #tpu.memory_space<hbm>>
    tpu.enqueue_dma source(%dma_start3A_22 : memref<2x72xi32, #tpu.memory_space<hbm>>) target(%arg7 : memref<2x72xi32, #tpu.memory_space<vmem>>) target_semaphore(%arg16 : memref<!tpu.dma_semaphore, #tpu.memory_space<semaphore_mem>>)
    %dma_start3A_23 = arith.constant 2 : i32
    %dma_start3A_24 = arith.constant 0 : i32
    %dma_start3A_25 = arith.constant 0 : i32
    %dma_start3A_26 = tpu.memref_slice %arg3[%add3A, %dma_start3A_23, %dma_start3A_24, %dma_start3A_25] : memref<32x184x2x72xi32, #tpu.memory_space<hbm>> -> memref<1x1x2x72xi32, #tpu.memory_space<hbm>>
    %dma_start3A_27 = tpu.memref_squeeze %dma_start3A_26 : memref<1x1x2x72xi32, #tpu.memory_space<hbm>> -> memref<2x72xi32, #tpu.memory_space<hbm>>
    %dma_start3A_28 = arith.constant 0 : i32
    %dma_start3A_29 = arith.constant 0 : i32
    %dma_start3A_30 = tpu.memref_slice %arg3[%add3A, %dma_start3A_23, %dma_start3A_28, %dma_start3A_29] : memref<32x184x2x72xi32, #tpu.memory_space<hbm>> -> memref<1x1x2x72xi32, #tpu.memory_space<hbm>>
    %dma_start3A_31 = tpu.memref_squeeze %dma_start3A_30 : memref<1x1x2x72xi32, #tpu.memory_space<hbm>> -> memref<2x72xi32, #tpu.memory_space<hbm>>
    tpu.enqueue_dma source(%dma_start3A_31 : memref<2x72xi32, #tpu.memory_space<hbm>>) target(%arg8 : memref<2x72xi32, #tpu.memory_space<vmem>>) target_semaphore(%arg17 : memref<!tpu.dma_semaphore, #tpu.memory_space<semaphore_mem>>)
    %dma_start3A_32 = arith.constant 3 : i32
    %dma_start3A_33 = arith.constant 0 : i32
    %dma_start3A_34 = arith.constant 0 : i32
    %dma_start3A_35 = tpu.memref_slice %arg3[%add3A, %dma_start3A_32, %dma_start3A_33, %dma_start3A_34] : memref<32x184x2x72xi32, #tpu.memory_space<hbm>> -> memref<1x1x2x72xi32, #tpu.memory_space<hbm>>
    %dma_start3A_36 = tpu.memref_squeeze %dma_start3A_35 : memref<1x1x2x72xi32, #tpu.memory_space<hbm>> -> memref<2x72xi32, #tpu.memory_space<hbm>>
    %dma_start3A_37 = arith.constant 0 : i32
    %dma_start3A_38 = arith.constant 0 : i32
    %dma_start3A_39 = tpu.memref_slice %arg3[%add3A, %dma_start3A_32, %dma_start3A_37, %dma_start3A_38] : memref<32x184x2x72xi32, #tpu.memory_space<hbm>> -> memref<1x1x2x72xi32, #tpu.memory_space<hbm>>
    %dma_start3A_40 = tpu.memref_squeeze %dma_start3A_39 : memref<1x1x2x72xi32, #tpu.memory_space<hbm>> -> memref<2x72xi32, #tpu.memory_space<hbm>>
    tpu.enqueue_dma source(%dma_start3A_40 : memref<2x72xi32, #tpu.memory_space<hbm>>) target(%arg9 : memref<2x72xi32, #tpu.memory_space<vmem>>) target_semaphore(%arg18 : memref<!tpu.dma_semaphore, #tpu.memory_space<semaphore_mem>>)
    %dma_wait3A = arith.constant 0 : i32
    %dma_wait3A_41 = arith.constant 0 : i32
    %dma_wait3A_42 = arith.constant 0 : i32
    %dma_wait3A_43 = tpu.memref_slice %arg3[%add3A, %dma_wait3A, %dma_wait3A_41, %dma_wait3A_42] : memref<32x184x2x72xi32, #tpu.memory_space<hbm>> -> memref<1x1x2x72xi32, #tpu.memory_space<hbm>>
    %dma_wait3A_44 = tpu.memref_squeeze %dma_wait3A_43 : memref<1x1x2x72xi32, #tpu.memory_space<hbm>> -> memref<2x72xi32, #tpu.memory_space<hbm>>
    %dma_wait3A_45 = arith.constant 0 : i32
    %dma_wait3A_46 = arith.constant 0 : i32
    %dma_wait3A_47 = tpu.memref_slice %arg3[%add3A, %dma_wait3A, %dma_wait3A_45, %dma_wait3A_46] : memref<32x184x2x72xi32, #tpu.memory_space<hbm>> -> memref<1x1x2x72xi32, #tpu.memory_space<hbm>>
    %dma_wait3A_48 = tpu.memref_squeeze %dma_wait3A_47 : memref<1x1x2x72xi32, #tpu.memory_space<hbm>> -> memref<2x72xi32, #tpu.memory_space<hbm>>
    tpu.wait_dma2 semaphore(%arg15 : memref<!tpu.dma_semaphore, #tpu.memory_space<semaphore_mem>>) src(%dma_wait3A_48 : memref<2x72xi32, #tpu.memory_space<hbm>>) dst(%arg6 : memref<2x72xi32, #tpu.memory_space<vmem>>)
    %dma_start3A_49 = arith.constant 0 : i32
    %dma_start3A_50 = arith.constant 0 : i32
    %dma_start3A_51 = tpu.memref_slice %arg6[%dma_start3A_49, %dma_start3A_50] : memref<2x72xi32, #tpu.memory_space<vmem>> -> memref<1x72xi32, #tpu.memory_space<vmem>>
    %dma_start3A_52 = tpu.memref_squeeze %dma_start3A_51 : memref<1x72xi32, #tpu.memory_space<vmem>> -> memref<72xi32, #tpu.memory_space<vmem>>
    %dma_start3A_53 = arith.constant 0 : i32
    %dma_start3A_54 = arith.constant 0 : i32
    %dma_start3A_55 = tpu.memref_slice %arg2[%dma_start3A_53, %dma_start3A_54] : memref<10240x128xf32, #tpu.memory_space<hbm>> -> memref<10240x128xf32, #tpu.memory_space<hbm>>
    tpu.enqueue_indirect_dma source(%dma_start3A_55 : memref<10240x128xf32, #tpu.memory_space<hbm>>) target(%arg10 : memref<72x128xf32, #tpu.memory_space<vmem>>) offsets(%dma_start3A_52 : memref<72xi32, #tpu.memory_space<vmem>>) semaphore(%arg19 : memref<!tpu.dma_semaphore, #tpu.memory_space<semaphore_mem>>)
    %dma_wait3A_56 = arith.constant 0 : i32
    %dma_wait3A_57 = arith.constant 0 : i32
    %dma_wait3A_58 = arith.constant 0 : i32
    %dma_wait3A_59 = tpu.memref_slice %arg3[%add3A, %dma_wait3A_56, %dma_wait3A_57, %dma_wait3A_58] : memref<32x184x2x72xi32, #tpu.memory_space<hbm>> -> memref<1x1x2x72xi32, #tpu.memory_space<hbm>>
    %dma_wait3A_60 = tpu.memref_squeeze %dma_wait3A_59 : memref<1x1x2x72xi32, #tpu.memory_space<hbm>> -> memref<2x72xi32, #tpu.memory_space<hbm>>
    %dma_wait3A_61 = arith.constant 0 : i32
    %dma_wait3A_62 = arith.constant 0 : i32
    %dma_wait3A_63 = tpu.memref_slice %arg3[%add3A, %dma_wait3A_56, %dma_wait3A_61, %dma_wait3A_62] : memref<32x184x2x72xi32, #tpu.memory_space<hbm>> -> memref<1x1x2x72xi32, #tpu.memory_space<hbm>>
    %dma_wait3A_64 = tpu.memref_squeeze %dma_wait3A_63 : memref<1x1x2x72xi32, #tpu.memory_space<hbm>> -> memref<2x72xi32, #tpu.memory_space<hbm>>
    tpu.wait_dma2 semaphore(%arg16 : memref<!tpu.dma_semaphore, #tpu.memory_space<semaphore_mem>>) src(%dma_wait3A_64 : memref<2x72xi32, #tpu.memory_space<hbm>>) dst(%arg7 : memref<2x72xi32, #tpu.memory_space<vmem>>)
    %dma_start3A_65 = arith.constant 0 : i32
    %dma_start3A_66 = arith.constant 0 : i32
    %dma_start3A_67 = tpu.memref_slice %arg7[%dma_start3A_65, %dma_start3A_66] : memref<2x72xi32, #tpu.memory_space<vmem>> -> memref<1x72xi32, #tpu.memory_space<vmem>>
    %dma_start3A_68 = tpu.memref_squeeze %dma_start3A_67 : memref<1x72xi32, #tpu.memory_space<vmem>> -> memref<72xi32, #tpu.memory_space<vmem>>
    %dma_start3A_69 = arith.constant 0 : i32
    %dma_start3A_70 = arith.constant 0 : i32
    %dma_start3A_71 = tpu.memref_slice %arg2[%dma_start3A_69, %dma_start3A_70] : memref<10240x128xf32, #tpu.memory_space<hbm>> -> memref<10240x128xf32, #tpu.memory_space<hbm>>
    tpu.enqueue_indirect_dma source(%dma_start3A_71 : memref<10240x128xf32, #tpu.memory_space<hbm>>) target(%arg11 : memref<72x128xf32, #tpu.memory_space<vmem>>) offsets(%dma_start3A_68 : memref<72xi32, #tpu.memory_space<vmem>>) semaphore(%arg20 : memref<!tpu.dma_semaphore, #tpu.memory_space<semaphore_mem>>)
    %dma_wait3A_72 = arith.constant 0 : i32
    %dma_wait3A_73 = arith.constant 0 : i32
    %dma_wait3A_74 = arith.constant 0 : i32
    %dma_wait3A_75 = tpu.memref_slice %arg3[%add3A, %dma_wait3A_72, %dma_wait3A_73, %dma_wait3A_74] : memref<32x184x2x72xi32, #tpu.memory_space<hbm>> -> memref<1x1x2x72xi32, #tpu.memory_space<hbm>>
    %dma_wait3A_76 = tpu.memref_squeeze %dma_wait3A_75 : memref<1x1x2x72xi32, #tpu.memory_space<hbm>> -> memref<2x72xi32, #tpu.memory_space<hbm>>
    %dma_wait3A_77 = arith.constant 0 : i32
    %dma_wait3A_78 = arith.constant 0 : i32
    %dma_wait3A_79 = tpu.memref_slice %arg3[%add3A, %dma_wait3A_72, %dma_wait3A_77, %dma_wait3A_78] : memref<32x184x2x72xi32, #tpu.memory_space<hbm>> -> memref<1x1x2x72xi32, #tpu.memory_space<hbm>>
    %dma_wait3A_80 = tpu.memref_squeeze %dma_wait3A_79 : memref<1x1x2x72xi32, #tpu.memory_space<hbm>> -> memref<2x72xi32, #tpu.memory_space<hbm>>
    tpu.wait_dma2 semaphore(%arg17 : memref<!tpu.dma_semaphore, #tpu.memory_space<semaphore_mem>>) src(%dma_wait3A_80 : memref<2x72xi32, #tpu.memory_space<hbm>>) dst(%arg8 : memref<2x72xi32, #tpu.memory_space<vmem>>)
    %dma_start3A_81 = arith.constant 0 : i32
    %dma_start3A_82 = arith.constant 0 : i32
    %dma_start3A_83 = tpu.memref_slice %arg8[%dma_start3A_81, %dma_start3A_82] : memref<2x72xi32, #tpu.memory_space<vmem>> -> memref<1x72xi32, #tpu.memory_space<vmem>>
    %dma_start3A_84 = tpu.memref_squeeze %dma_start3A_83 : memref<1x72xi32, #tpu.memory_space<vmem>> -> memref<72xi32, #tpu.memory_space<vmem>>
    %dma_start3A_85 = arith.constant 0 : i32
    %dma_start3A_86 = arith.constant 0 : i32
    %dma_start3A_87 = tpu.memref_slice %arg2[%dma_start3A_85, %dma_start3A_86] : memref<10240x128xf32, #tpu.memory_space<hbm>> -> memref<10240x128xf32, #tpu.memory_space<hbm>>
    tpu.enqueue_indirect_dma source(%dma_start3A_87 : memref<10240x128xf32, #tpu.memory_space<hbm>>) target(%arg12 : memref<72x128xf32, #tpu.memory_space<vmem>>) offsets(%dma_start3A_84 : memref<72xi32, #tpu.memory_space<vmem>>) semaphore(%arg21 : memref<!tpu.dma_semaphore, #tpu.memory_space<semaphore_mem>>)
    %jit3A = arith.constant 4 : i32
    %div3A = arith.divsi %select_n3A_5, %jit3A : i32
    %sign3A = arith.constant 0 : i32
    %sign3A_88 = arith.cmpi sgt, %select_n3A_5, %sign3A : i32
    %sign3A_89 = arith.extui %sign3A_88 : i1 to i32
    %sign3A_90 = arith.constant 0 : i32
    %sign3A_91 = arith.cmpi slt, %select_n3A_5, %sign3A_90 : i32
    %sign3A_92 = arith.extui %sign3A_91 : i1 to i32
    %sign3A_93 = arith.subi %sign3A_89, %sign3A_92 : i32
    %sign3A_94 = arith.constant 0 : i32
    %sign3A_95 = arith.cmpi sgt, %jit3A, %sign3A_94 : i32
    %sign3A_96 = arith.extui %sign3A_95 : i1 to i32
    %sign3A_97 = arith.constant 0 : i32
    %sign3A_98 = arith.cmpi slt, %jit3A, %sign3A_97 : i32
    %sign3A_99 = arith.extui %sign3A_98 : i1 to i32
    %sign3A_100 = arith.subi %sign3A_96, %sign3A_99 : i32
    %ne3A = arith.cmpi ne, %sign3A_93, %sign3A_100 : i32
    %rem3A = arith.remsi %select_n3A_5, %jit3A : i32
    %ne3A_101 = arith.constant 0 : i32
    %ne3A_102 = arith.cmpi ne, %rem3A, %ne3A_101 : i32
    %and3A = arith.andi %ne3A, %ne3A_102 : i1
    %sub3A = arith.constant 1 : i32
    %sub3A_103 = arith.subi %div3A, %sub3A : i32
    %select_n3A_104 = arith.select %and3A, %sub3A_103, %div3A : i32
    %sub3A_105 = arith.constant 1 : i32
    %sub3A_106 = arith.subi %select_n3A_104, %sub3A_105 : i32
    %while3A = arith.constant 0 : i32
    %while3A_107 = arith.constant 0 : i32
    %while3A_108 = arith.subi %sub3A_106, %while3A_107 : i32
    %while3A_109 = arith.addi %while3A_107, %while3A_108 : i32
    %while3A_110 = arith.constant 1 : i32
    %while3A_111 = arith.divsi %while3A_108, %while3A_110 : i32
    %while3A_112 = arith.muli %while3A_111, %while3A_110 : i32
    %while3A_113 = arith.addi %while3A_107, %while3A_112 : i32
    %while3A_114 = arith.constant 1 : i32
    scf.for %while3A_155 = %while3A_107 to %while3A_113 step %while3A_114  : i32 {
      %mul3A_156 = arith.constant 4 : i32
      %mul3A_157 = arith.muli %mul3A_156, %while3A_155 : i32
      %dma_wait3A_158 = arith.constant 0 : i32
      %dma_wait3A_159 = arith.constant 0 : i32
      %dma_wait3A_160 = tpu.memref_slice %arg6[%dma_wait3A_158, %dma_wait3A_159] : memref<2x72xi32, #tpu.memory_space<vmem>> -> memref<1x72xi32, #tpu.memory_space<vmem>>
      %dma_wait3A_161 = tpu.memref_squeeze %dma_wait3A_160 : memref<1x72xi32, #tpu.memory_space<vmem>> -> memref<72xi32, #tpu.memory_space<vmem>>
      %dma_wait3A_162 = arith.constant 0 : i32
      %dma_wait3A_163 = arith.constant 0 : i32
      %dma_wait3A_164 = tpu.memref_slice %arg2[%dma_wait3A_162, %dma_wait3A_163] : memref<10240x128xf32, #tpu.memory_space<hbm>> -> memref<10240x128xf32, #tpu.memory_space<hbm>>
      tpu.wait_indirect_dma semaphore(%arg19 : memref<!tpu.dma_semaphore, #tpu.memory_space<semaphore_mem>>) src(%dma_wait3A_164 : memref<10240x128xf32, #tpu.memory_space<hbm>>) dst(%arg10 : memref<72x128xf32, #tpu.memory_space<vmem>>)
      %dma_start3A_165 = arith.constant 1 : i32
      %dma_start3A_166 = arith.constant 0 : i32
      %dma_start3A_167 = tpu.memref_slice %arg6[%dma_start3A_165, %dma_start3A_166] : memref<2x72xi32, #tpu.memory_space<vmem>> -> memref<1x72xi32, #tpu.memory_space<vmem>>
      %dma_start3A_168 = tpu.memref_squeeze %dma_start3A_167 : memref<1x72xi32, #tpu.memory_space<vmem>> -> memref<72xi32, #tpu.memory_space<vmem>>
      %dma_start3A_169 = arith.constant 0 : i32
      %dma_start3A_170 = arith.constant 0 : i32
      %dma_start3A_171 = tpu.memref_slice %arg14[%dma_start3A_169, %dma_start3A_170] : memref<10240x128xf32, #tpu.memory_space<vmem_shared>> -> memref<10240x128xf32, #tpu.memory_space<vmem_shared>>
      tpu.enqueue_indirect_dma source(%arg10 : memref<72x128xf32, #tpu.memory_space<vmem>>) target(%dma_start3A_171 : memref<10240x128xf32, #tpu.memory_space<vmem_shared>>) offsets(%dma_start3A_168 : memref<72xi32, #tpu.memory_space<vmem>>) semaphore(%arg23 : memref<!tpu.dma_semaphore, #tpu.memory_space<semaphore_mem>>) {add = true}
      %dma_wait3A_172 = arith.constant 0 : i32
      %dma_wait3A_173 = arith.constant 0 : i32
      %dma_wait3A_174 = arith.constant 0 : i32
      %dma_wait3A_175 = tpu.memref_slice %arg3[%add3A, %dma_wait3A_172, %dma_wait3A_173, %dma_wait3A_174] : memref<32x184x2x72xi32, #tpu.memory_space<hbm>> -> memref<1x1x2x72xi32, #tpu.memory_space<hbm>>
      %dma_wait3A_176 = tpu.memref_squeeze %dma_wait3A_175 : memref<1x1x2x72xi32, #tpu.memory_space<hbm>> -> memref<2x72xi32, #tpu.memory_space<hbm>>
      %dma_wait3A_177 = arith.constant 0 : i32
      %dma_wait3A_178 = arith.constant 0 : i32
      %dma_wait3A_179 = tpu.memref_slice %arg3[%add3A, %dma_wait3A_172, %dma_wait3A_177, %dma_wait3A_178] : memref<32x184x2x72xi32, #tpu.memory_space<hbm>> -> memref<1x1x2x72xi32, #tpu.memory_space<hbm>>
      %dma_wait3A_180 = tpu.memref_squeeze %dma_wait3A_179 : memref<1x1x2x72xi32, #tpu.memory_space<hbm>> -> memref<2x72xi32, #tpu.memory_space<hbm>>
      tpu.wait_dma2 semaphore(%arg18 : memref<!tpu.dma_semaphore, #tpu.memory_space<semaphore_mem>>) src(%dma_wait3A_180 : memref<2x72xi32, #tpu.memory_space<hbm>>) dst(%arg9 : memref<2x72xi32, #tpu.memory_space<vmem>>)
      %dma_start3A_181 = arith.constant 0 : i32
      %dma_start3A_182 = arith.constant 0 : i32
      %dma_start3A_183 = tpu.memref_slice %arg9[%dma_start3A_181, %dma_start3A_182] : memref<2x72xi32, #tpu.memory_space<vmem>> -> memref<1x72xi32, #tpu.memory_space<vmem>>
      %dma_start3A_184 = tpu.memref_squeeze %dma_start3A_183 : memref<1x72xi32, #tpu.memory_space<vmem>> -> memref<72xi32, #tpu.memory_space<vmem>>
      %dma_start3A_185 = arith.constant 0 : i32
      %dma_start3A_186 = arith.constant 0 : i32
      %dma_start3A_187 = tpu.memref_slice %arg2[%dma_start3A_185, %dma_start3A_186] : memref<10240x128xf32, #tpu.memory_space<hbm>> -> memref<10240x128xf32, #tpu.memory_space<hbm>>
      tpu.enqueue_indirect_dma source(%dma_start3A_187 : memref<10240x128xf32, #tpu.memory_space<hbm>>) target(%arg13 : memref<72x128xf32, #tpu.memory_space<vmem>>) offsets(%dma_start3A_184 : memref<72xi32, #tpu.memory_space<vmem>>) semaphore(%arg22 : memref<!tpu.dma_semaphore, #tpu.memory_space<semaphore_mem>>)
      %dma_wait3A_188 = arith.constant 1 : i32
      %dma_wait3A_189 = arith.constant 0 : i32
      %dma_wait3A_190 = tpu.memref_slice %arg6[%dma_wait3A_188, %dma_wait3A_189] : memref<2x72xi32, #tpu.memory_space<vmem>> -> memref<1x72xi32, #tpu.memory_space<vmem>>
      %dma_wait3A_191 = tpu.memref_squeeze %dma_wait3A_190 : memref<1x72xi32, #tpu.memory_space<vmem>> -> memref<72xi32, #tpu.memory_space<vmem>>
      %dma_wait3A_192 = arith.constant 0 : i32
      %dma_wait3A_193 = arith.constant 0 : i32
      %dma_wait3A_194 = tpu.memref_slice %arg14[%dma_wait3A_192, %dma_wait3A_193] : memref<10240x128xf32, #tpu.memory_space<vmem_shared>> -> memref<10240x128xf32, #tpu.memory_space<vmem_shared>>
      tpu.wait_indirect_dma semaphore(%arg23 : memref<!tpu.dma_semaphore, #tpu.memory_space<semaphore_mem>>) src(%arg10 : memref<72x128xf32, #tpu.memory_space<vmem>>) dst(%dma_wait3A_194 : memref<10240x128xf32, #tpu.memory_space<vmem_shared>>)
      %add3A_195 = arith.constant 4 : i32
      %add3A_196 = arith.addi %mul3A_157, %add3A_195 : i32
      %dma_start3A_197 = arith.constant 0 : i32
      %dma_start3A_198 = arith.constant 0 : i32
      %dma_start3A_199 = tpu.memref_slice %arg3[%add3A, %add3A_196, %dma_start3A_197, %dma_start3A_198] : memref<32x184x2x72xi32, #tpu.memory_space<hbm>> -> memref<1x1x2x72xi32, #tpu.memory_space<hbm>>
      %dma_start3A_200 = tpu.memref_squeeze %dma_start3A_199 : memref<1x1x2x72xi32, #tpu.memory_space<hbm>> -> memref<2x72xi32, #tpu.memory_space<hbm>>
      %dma_start3A_201 = arith.constant 0 : i32
      %dma_start3A_202 = arith.constant 0 : i32
      %dma_start3A_203 = tpu.memref_slice %arg3[%add3A, %add3A_196, %dma_start3A_201, %dma_start3A_202] : memref<32x184x2x72xi32, #tpu.memory_space<hbm>> -> memref<1x1x2x72xi32, #tpu.memory_space<hbm>>
      %dma_start3A_204 = tpu.memref_squeeze %dma_start3A_203 : memref<1x1x2x72xi32, #tpu.memory_space<hbm>> -> memref<2x72xi32, #tpu.memory_space<hbm>>
      tpu.enqueue_dma source(%dma_start3A_204 : memref<2x72xi32, #tpu.memory_space<hbm>>) target(%arg6 : memref<2x72xi32, #tpu.memory_space<vmem>>) target_semaphore(%arg15 : memref<!tpu.dma_semaphore, #tpu.memory_space<semaphore_mem>>)
      %dma_wait3A_205 = arith.constant 0 : i32
      %dma_wait3A_206 = arith.constant 0 : i32
      %dma_wait3A_207 = tpu.memref_slice %arg7[%dma_wait3A_205, %dma_wait3A_206] : memref<2x72xi32, #tpu.memory_space<vmem>> -> memref<1x72xi32, #tpu.memory_space<vmem>>
      %dma_wait3A_208 = tpu.memref_squeeze %dma_wait3A_207 : memref<1x72xi32, #tpu.memory_space<vmem>> -> memref<72xi32, #tpu.memory_space<vmem>>
      %dma_wait3A_209 = arith.constant 0 : i32
      %dma_wait3A_210 = arith.constant 0 : i32
      %dma_wait3A_211 = tpu.memref_slice %arg2[%dma_wait3A_209, %dma_wait3A_210] : memref<10240x128xf32, #tpu.memory_space<hbm>> -> memref<10240x128xf32, #tpu.memory_space<hbm>>
      tpu.wait_indirect_dma semaphore(%arg20 : memref<!tpu.dma_semaphore, #tpu.memory_space<semaphore_mem>>) src(%dma_wait3A_211 : memref<10240x128xf32, #tpu.memory_space<hbm>>) dst(%arg11 : memref<72x128xf32, #tpu.memory_space<vmem>>)
      %dma_start3A_212 = arith.constant 1 : i32
      %dma_start3A_213 = arith.constant 0 : i32
      %dma_start3A_214 = tpu.memref_slice %arg7[%dma_start3A_212, %dma_start3A_213] : memref<2x72xi32, #tpu.memory_space<vmem>> -> memref<1x72xi32, #tpu.memory_space<vmem>>
      %dma_start3A_215 = tpu.memref_squeeze %dma_start3A_214 : memref<1x72xi32, #tpu.memory_space<vmem>> -> memref<72xi32, #tpu.memory_space<vmem>>
      %dma_start3A_216 = arith.constant 0 : i32
      %dma_start3A_217 = arith.constant 0 : i32
      %dma_start3A_218 = tpu.memref_slice %arg14[%dma_start3A_216, %dma_start3A_217] : memref<10240x128xf32, #tpu.memory_space<vmem_shared>> -> memref<10240x128xf32, #tpu.memory_space<vmem_shared>>
      tpu.enqueue_indirect_dma source(%arg11 : memref<72x128xf32, #tpu.memory_space<vmem>>) target(%dma_start3A_218 : memref<10240x128xf32, #tpu.memory_space<vmem_shared>>) offsets(%dma_start3A_215 : memref<72xi32, #tpu.memory_space<vmem>>) semaphore(%arg24 : memref<!tpu.dma_semaphore, #tpu.memory_space<semaphore_mem>>) {add = true}
      %dma_wait3A_219 = arith.constant 0 : i32
      %dma_wait3A_220 = arith.constant 0 : i32
      %dma_wait3A_221 = arith.constant 0 : i32
      %dma_wait3A_222 = tpu.memref_slice %arg3[%add3A, %dma_wait3A_219, %dma_wait3A_220, %dma_wait3A_221] : memref<32x184x2x72xi32, #tpu.memory_space<hbm>> -> memref<1x1x2x72xi32, #tpu.memory_space<hbm>>
      %dma_wait3A_223 = tpu.memref_squeeze %dma_wait3A_222 : memref<1x1x2x72xi32, #tpu.memory_space<hbm>> -> memref<2x72xi32, #tpu.memory_space<hbm>>
      %dma_wait3A_224 = arith.constant 0 : i32
      %dma_wait3A_225 = arith.constant 0 : i32
      %dma_wait3A_226 = tpu.memref_slice %arg3[%add3A, %dma_wait3A_219, %dma_wait3A_224, %dma_wait3A_225] : memref<32x184x2x72xi32, #tpu.memory_space<hbm>> -> memref<1x1x2x72xi32, #tpu.memory_space<hbm>>
      %dma_wait3A_227 = tpu.memref_squeeze %dma_wait3A_226 : memref<1x1x2x72xi32, #tpu.memory_space<hbm>> -> memref<2x72xi32, #tpu.memory_space<hbm>>
      tpu.wait_dma2 semaphore(%arg15 : memref<!tpu.dma_semaphore, #tpu.memory_space<semaphore_mem>>) src(%dma_wait3A_227 : memref<2x72xi32, #tpu.memory_space<hbm>>) dst(%arg6 : memref<2x72xi32, #tpu.memory_space<vmem>>)
      %dma_start3A_228 = arith.constant 0 : i32
      %dma_start3A_229 = arith.constant 0 : i32
      %dma_start3A_230 = tpu.memref_slice %arg6[%dma_start3A_228, %dma_start3A_229] : memref<2x72xi32, #tpu.memory_space<vmem>> -> memref<1x72xi32, #tpu.memory_space<vmem>>
      %dma_start3A_231 = tpu.memref_squeeze %dma_start3A_230 : memref<1x72xi32, #tpu.memory_space<vmem>> -> memref<72xi32, #tpu.memory_space<vmem>>
      %dma_start3A_232 = arith.constant 0 : i32
      %dma_start3A_233 = arith.constant 0 : i32
      %dma_start3A_234 = tpu.memref_slice %arg2[%dma_start3A_232, %dma_start3A_233] : memref<10240x128xf32, #tpu.memory_space<hbm>> -> memref<10240x128xf32, #tpu.memory_space<hbm>>
      tpu.enqueue_indirect_dma source(%dma_start3A_234 : memref<10240x128xf32, #tpu.memory_space<hbm>>) target(%arg10 : memref<72x128xf32, #tpu.memory_space<vmem>>) offsets(%dma_start3A_231 : memref<72xi32, #tpu.memory_space<vmem>>) semaphore(%arg19 : memref<!tpu.dma_semaphore, #tpu.memory_space<semaphore_mem>>)
      %dma_wait3A_235 = arith.constant 1 : i32
      %dma_wait3A_236 = arith.constant 0 : i32
      %dma_wait3A_237 = tpu.memref_slice %arg7[%dma_wait3A_235, %dma_wait3A_236] : memref<2x72xi32, #tpu.memory_space<vmem>> -> memref<1x72xi32, #tpu.memory_space<vmem>>
      %dma_wait3A_238 = tpu.memref_squeeze %dma_wait3A_237 : memref<1x72xi32, #tpu.memory_space<vmem>> -> memref<72xi32, #tpu.memory_space<vmem>>
      %dma_wait3A_239 = arith.constant 0 : i32
      %dma_wait3A_240 = arith.constant 0 : i32
      %dma_wait3A_241 = tpu.memref_slice %arg14[%dma_wait3A_239, %dma_wait3A_240] : memref<10240x128xf32, #tpu.memory_space<vmem_shared>> -> memref<10240x128xf32, #tpu.memory_space<vmem_shared>>
      tpu.wait_indirect_dma semaphore(%arg24 : memref<!tpu.dma_semaphore, #tpu.memory_space<semaphore_mem>>) src(%arg11 : memref<72x128xf32, #tpu.memory_space<vmem>>) dst(%dma_wait3A_241 : memref<10240x128xf32, #tpu.memory_space<vmem_shared>>)
      %add3A_242 = arith.constant 5 : i32
      %add3A_243 = arith.addi %mul3A_157, %add3A_242 : i32
      %dma_start3A_244 = arith.constant 0 : i32
      %dma_start3A_245 = arith.constant 0 : i32
      %dma_start3A_246 = tpu.memref_slice %arg3[%add3A, %add3A_243, %dma_start3A_244, %dma_start3A_245] : memref<32x184x2x72xi32, #tpu.memory_space<hbm>> -> memref<1x1x2x72xi32, #tpu.memory_space<hbm>>
      %dma_start3A_247 = tpu.memref_squeeze %dma_start3A_246 : memref<1x1x2x72xi32, #tpu.memory_space<hbm>> -> memref<2x72xi32, #tpu.memory_space<hbm>>
      %dma_start3A_248 = arith.constant 0 : i32
      %dma_start3A_249 = arith.constant 0 : i32
      %dma_start3A_250 = tpu.memref_slice %arg3[%add3A, %add3A_243, %dma_start3A_248, %dma_start3A_249] : memref<32x184x2x72xi32, #tpu.memory_space<hbm>> -> memref<1x1x2x72xi32, #tpu.memory_space<hbm>>
      %dma_start3A_251 = tpu.memref_squeeze %dma_start3A_250 : memref<1x1x2x72xi32, #tpu.memory_space<hbm>> -> memref<2x72xi32, #tpu.memory_space<hbm>>
      tpu.enqueue_dma source(%dma_start3A_251 : memref<2x72xi32, #tpu.memory_space<hbm>>) target(%arg7 : memref<2x72xi32, #tpu.memory_space<vmem>>) target_semaphore(%arg16 : memref<!tpu.dma_semaphore, #tpu.memory_space<semaphore_mem>>)
      %dma_wait3A_252 = arith.constant 0 : i32
      %dma_wait3A_253 = arith.constant 0 : i32
      %dma_wait3A_254 = tpu.memref_slice %arg8[%dma_wait3A_252, %dma_wait3A_253] : memref<2x72xi32, #tpu.memory_space<vmem>> -> memref<1x72xi32, #tpu.memory_space<vmem>>
      %dma_wait3A_255 = tpu.memref_squeeze %dma_wait3A_254 : memref<1x72xi32, #tpu.memory_space<vmem>> -> memref<72xi32, #tpu.memory_space<vmem>>
      %dma_wait3A_256 = arith.constant 0 : i32
      %dma_wait3A_257 = arith.constant 0 : i32
      %dma_wait3A_258 = tpu.memref_slice %arg2[%dma_wait3A_256, %dma_wait3A_257] : memref<10240x128xf32, #tpu.memory_space<hbm>> -> memref<10240x128xf32, #tpu.memory_space<hbm>>
      tpu.wait_indirect_dma semaphore(%arg21 : memref<!tpu.dma_semaphore, #tpu.memory_space<semaphore_mem>>) src(%dma_wait3A_258 : memref<10240x128xf32, #tpu.memory_space<hbm>>) dst(%arg12 : memref<72x128xf32, #tpu.memory_space<vmem>>)
      %dma_start3A_259 = arith.constant 1 : i32
      %dma_start3A_260 = arith.constant 0 : i32
      %dma_start3A_261 = tpu.memref_slice %arg8[%dma_start3A_259, %dma_start3A_260] : memref<2x72xi32, #tpu.memory_space<vmem>> -> memref<1x72xi32, #tpu.memory_space<vmem>>
      %dma_start3A_262 = tpu.memref_squeeze %dma_start3A_261 : memref<1x72xi32, #tpu.memory_space<vmem>> -> memref<72xi32, #tpu.memory_space<vmem>>
      %dma_start3A_263 = arith.constant 0 : i32
      %dma_start3A_264 = arith.constant 0 : i32
      %dma_start3A_265 = tpu.memref_slice %arg14[%dma_start3A_263, %dma_start3A_264] : memref<10240x128xf32, #tpu.memory_space<vmem_shared>> -> memref<10240x128xf32, #tpu.memory_space<vmem_shared>>
      tpu.enqueue_indirect_dma source(%arg12 : memref<72x128xf32, #tpu.memory_space<vmem>>) target(%dma_start3A_265 : memref<10240x128xf32, #tpu.memory_space<vmem_shared>>) offsets(%dma_start3A_262 : memref<72xi32, #tpu.memory_space<vmem>>) semaphore(%arg25 : memref<!tpu.dma_semaphore, #tpu.memory_space<semaphore_mem>>) {add = true}
      %dma_wait3A_266 = arith.constant 0 : i32
      %dma_wait3A_267 = arith.constant 0 : i32
      %dma_wait3A_268 = arith.constant 0 : i32
      %dma_wait3A_269 = tpu.memref_slice %arg3[%add3A, %dma_wait3A_266, %dma_wait3A_267, %dma_wait3A_268] : memref<32x184x2x72xi32, #tpu.memory_space<hbm>> -> memref<1x1x2x72xi32, #tpu.memory_space<hbm>>
      %dma_wait3A_270 = tpu.memref_squeeze %dma_wait3A_269 : memref<1x1x2x72xi32, #tpu.memory_space<hbm>> -> memref<2x72xi32, #tpu.memory_space<hbm>>
      %dma_wait3A_271 = arith.constant 0 : i32
      %dma_wait3A_272 = arith.constant 0 : i32
      %dma_wait3A_273 = tpu.memref_slice %arg3[%add3A, %dma_wait3A_266, %dma_wait3A_271, %dma_wait3A_272] : memref<32x184x2x72xi32, #tpu.memory_space<hbm>> -> memref<1x1x2x72xi32, #tpu.memory_space<hbm>>
      %dma_wait3A_274 = tpu.memref_squeeze %dma_wait3A_273 : memref<1x1x2x72xi32, #tpu.memory_space<hbm>> -> memref<2x72xi32, #tpu.memory_space<hbm>>
      tpu.wait_dma2 semaphore(%arg16 : memref<!tpu.dma_semaphore, #tpu.memory_space<semaphore_mem>>) src(%dma_wait3A_274 : memref<2x72xi32, #tpu.memory_space<hbm>>) dst(%arg7 : memref<2x72xi32, #tpu.memory_space<vmem>>)
      %dma_start3A_275 = arith.constant 0 : i32
      %dma_start3A_276 = arith.constant 0 : i32
      %dma_start3A_277 = tpu.memref_slice %arg7[%dma_start3A_275, %dma_start3A_276] : memref<2x72xi32, #tpu.memory_space<vmem>> -> memref<1x72xi32, #tpu.memory_space<vmem>>
      %dma_start3A_278 = tpu.memref_squeeze %dma_start3A_277 : memref<1x72xi32, #tpu.memory_space<vmem>> -> memref<72xi32, #tpu.memory_space<vmem>>
      %dma_start3A_279 = arith.constant 0 : i32
      %dma_start3A_280 = arith.constant 0 : i32
      %dma_start3A_281 = tpu.memref_slice %arg2[%dma_start3A_279, %dma_start3A_280] : memref<10240x128xf32, #tpu.memory_space<hbm>> -> memref<10240x128xf32, #tpu.memory_space<hbm>>
      tpu.enqueue_indirect_dma source(%dma_start3A_281 : memref<10240x128xf32, #tpu.memory_space<hbm>>) target(%arg11 : memref<72x128xf32, #tpu.memory_space<vmem>>) offsets(%dma_start3A_278 : memref<72xi32, #tpu.memory_space<vmem>>) semaphore(%arg20 : memref<!tpu.dma_semaphore, #tpu.memory_space<semaphore_mem>>)
      %dma_wait3A_282 = arith.constant 1 : i32
      %dma_wait3A_283 = arith.constant 0 : i32
      %dma_wait3A_284 = tpu.memref_slice %arg8[%dma_wait3A_282, %dma_wait3A_283] : memref<2x72xi32, #tpu.memory_space<vmem>> -> memref<1x72xi32, #tpu.memory_space<vmem>>
      %dma_wait3A_285 = tpu.memref_squeeze %dma_wait3A_284 : memref<1x72xi32, #tpu.memory_space<vmem>> -> memref<72xi32, #tpu.memory_space<vmem>>
      %dma_wait3A_286 = arith.constant 0 : i32
      %dma_wait3A_287 = arith.constant 0 : i32
      %dma_wait3A_288 = tpu.memref_slice %arg14[%dma_wait3A_286, %dma_wait3A_287] : memref<10240x128xf32, #tpu.memory_space<vmem_shared>> -> memref<10240x128xf32, #tpu.memory_space<vmem_shared>>
      tpu.wait_indirect_dma semaphore(%arg25 : memref<!tpu.dma_semaphore, #tpu.memory_space<semaphore_mem>>) src(%arg12 : memref<72x128xf32, #tpu.memory_space<vmem>>) dst(%dma_wait3A_288 : memref<10240x128xf32, #tpu.memory_space<vmem_shared>>)
      %add3A_289 = arith.constant 6 : i32
      %add3A_290 = arith.addi %mul3A_157, %add3A_289 : i32
      %dma_start3A_291 = arith.constant 0 : i32
      %dma_start3A_292 = arith.constant 0 : i32
      %dma_start3A_293 = tpu.memref_slice %arg3[%add3A, %add3A_290, %dma_start3A_291, %dma_start3A_292] : memref<32x184x2x72xi32, #tpu.memory_space<hbm>> -> memref<1x1x2x72xi32, #tpu.memory_space<hbm>>
      %dma_start3A_294 = tpu.memref_squeeze %dma_start3A_293 : memref<1x1x2x72xi32, #tpu.memory_space<hbm>> -> memref<2x72xi32, #tpu.memory_space<hbm>>
      %dma_start3A_295 = arith.constant 0 : i32
      %dma_start3A_296 = arith.constant 0 : i32
      %dma_start3A_297 = tpu.memref_slice %arg3[%add3A, %add3A_290, %dma_start3A_295, %dma_start3A_296] : memref<32x184x2x72xi32, #tpu.memory_space<hbm>> -> memref<1x1x2x72xi32, #tpu.memory_space<hbm>>
      %dma_start3A_298 = tpu.memref_squeeze %dma_start3A_297 : memref<1x1x2x72xi32, #tpu.memory_space<hbm>> -> memref<2x72xi32, #tpu.memory_space<hbm>>
      tpu.enqueue_dma source(%dma_start3A_298 : memref<2x72xi32, #tpu.memory_space<hbm>>) target(%arg8 : memref<2x72xi32, #tpu.memory_space<vmem>>) target_semaphore(%arg17 : memref<!tpu.dma_semaphore, #tpu.memory_space<semaphore_mem>>)
      %dma_wait3A_299 = arith.constant 0 : i32
      %dma_wait3A_300 = arith.constant 0 : i32
      %dma_wait3A_301 = tpu.memref_slice %arg9[%dma_wait3A_299, %dma_wait3A_300] : memref<2x72xi32, #tpu.memory_space<vmem>> -> memref<1x72xi32, #tpu.memory_space<vmem>>
      %dma_wait3A_302 = tpu.memref_squeeze %dma_wait3A_301 : memref<1x72xi32, #tpu.memory_space<vmem>> -> memref<72xi32, #tpu.memory_space<vmem>>
      %dma_wait3A_303 = arith.constant 0 : i32
      %dma_wait3A_304 = arith.constant 0 : i32
      %dma_wait3A_305 = tpu.memref_slice %arg2[%dma_wait3A_303, %dma_wait3A_304] : memref<10240x128xf32, #tpu.memory_space<hbm>> -> memref<10240x128xf32, #tpu.memory_space<hbm>>
      tpu.wait_indirect_dma semaphore(%arg22 : memref<!tpu.dma_semaphore, #tpu.memory_space<semaphore_mem>>) src(%dma_wait3A_305 : memref<10240x128xf32, #tpu.memory_space<hbm>>) dst(%arg13 : memref<72x128xf32, #tpu.memory_space<vmem>>)
      %dma_start3A_306 = arith.constant 1 : i32
      %dma_start3A_307 = arith.constant 0 : i32
      %dma_start3A_308 = tpu.memref_slice %arg9[%dma_start3A_306, %dma_start3A_307] : memref<2x72xi32, #tpu.memory_space<vmem>> -> memref<1x72xi32, #tpu.memory_space<vmem>>
      %dma_start3A_309 = tpu.memref_squeeze %dma_start3A_308 : memref<1x72xi32, #tpu.memory_space<vmem>> -> memref<72xi32, #tpu.memory_space<vmem>>
      %dma_start3A_310 = arith.constant 0 : i32
      %dma_start3A_311 = arith.constant 0 : i32
      %dma_start3A_312 = tpu.memref_slice %arg14[%dma_start3A_310, %dma_start3A_311] : memref<10240x128xf32, #tpu.memory_space<vmem_shared>> -> memref<10240x128xf32, #tpu.memory_space<vmem_shared>>
      tpu.enqueue_indirect_dma source(%arg13 : memref<72x128xf32, #tpu.memory_space<vmem>>) target(%dma_start3A_312 : memref<10240x128xf32, #tpu.memory_space<vmem_shared>>) offsets(%dma_start3A_309 : memref<72xi32, #tpu.memory_space<vmem>>) semaphore(%arg26 : memref<!tpu.dma_semaphore, #tpu.memory_space<semaphore_mem>>) {add = true}
      %dma_wait3A_313 = arith.constant 0 : i32
      %dma_wait3A_314 = arith.constant 0 : i32
      %dma_wait3A_315 = arith.constant 0 : i32
      %dma_wait3A_316 = tpu.memref_slice %arg3[%add3A, %dma_wait3A_313, %dma_wait3A_314, %dma_wait3A_315] : memref<32x184x2x72xi32, #tpu.memory_space<hbm>> -> memref<1x1x2x72xi32, #tpu.memory_space<hbm>>
      %dma_wait3A_317 = tpu.memref_squeeze %dma_wait3A_316 : memref<1x1x2x72xi32, #tpu.memory_space<hbm>> -> memref<2x72xi32, #tpu.memory_space<hbm>>
      %dma_wait3A_318 = arith.constant 0 : i32
      %dma_wait3A_319 = arith.constant 0 : i32
      %dma_wait3A_320 = tpu.memref_slice %arg3[%add3A, %dma_wait3A_313, %dma_wait3A_318, %dma_wait3A_319] : memref<32x184x2x72xi32, #tpu.memory_space<hbm>> -> memref<1x1x2x72xi32, #tpu.memory_space<hbm>>
      %dma_wait3A_321 = tpu.memref_squeeze %dma_wait3A_320 : memref<1x1x2x72xi32, #tpu.memory_space<hbm>> -> memref<2x72xi32, #tpu.memory_space<hbm>>
      tpu.wait_dma2 semaphore(%arg17 : memref<!tpu.dma_semaphore, #tpu.memory_space<semaphore_mem>>) src(%dma_wait3A_321 : memref<2x72xi32, #tpu.memory_space<hbm>>) dst(%arg8 : memref<2x72xi32, #tpu.memory_space<vmem>>)
      %dma_start3A_322 = arith.constant 0 : i32
      %dma_start3A_323 = arith.constant 0 : i32
      %dma_start3A_324 = tpu.memref_slice %arg8[%dma_start3A_322, %dma_start3A_323] : memref<2x72xi32, #tpu.memory_space<vmem>> -> memref<1x72xi32, #tpu.memory_space<vmem>>
      %dma_start3A_325 = tpu.memref_squeeze %dma_start3A_324 : memref<1x72xi32, #tpu.memory_space<vmem>> -> memref<72xi32, #tpu.memory_space<vmem>>
      %dma_start3A_326 = arith.constant 0 : i32
      %dma_start3A_327 = arith.constant 0 : i32
      %dma_start3A_328 = tpu.memref_slice %arg2[%dma_start3A_326, %dma_start3A_327] : memref<10240x128xf32, #tpu.memory_space<hbm>> -> memref<10240x128xf32, #tpu.memory_space<hbm>>
      tpu.enqueue_indirect_dma source(%dma_start3A_328 : memref<10240x128xf32, #tpu.memory_space<hbm>>) target(%arg12 : memref<72x128xf32, #tpu.memory_space<vmem>>) offsets(%dma_start3A_325 : memref<72xi32, #tpu.memory_space<vmem>>) semaphore(%arg21 : memref<!tpu.dma_semaphore, #tpu.memory_space<semaphore_mem>>)
      %dma_wait3A_329 = arith.constant 1 : i32
      %dma_wait3A_330 = arith.constant 0 : i32
      %dma_wait3A_331 = tpu.memref_slice %arg9[%dma_wait3A_329, %dma_wait3A_330] : memref<2x72xi32, #tpu.memory_space<vmem>> -> memref<1x72xi32, #tpu.memory_space<vmem>>
      %dma_wait3A_332 = tpu.memref_squeeze %dma_wait3A_331 : memref<1x72xi32, #tpu.memory_space<vmem>> -> memref<72xi32, #tpu.memory_space<vmem>>
      %dma_wait3A_333 = arith.constant 0 : i32
      %dma_wait3A_334 = arith.constant 0 : i32
      %dma_wait3A_335 = tpu.memref_slice %arg14[%dma_wait3A_333, %dma_wait3A_334] : memref<10240x128xf32, #tpu.memory_space<vmem_shared>> -> memref<10240x128xf32, #tpu.memory_space<vmem_shared>>
      tpu.wait_indirect_dma semaphore(%arg26 : memref<!tpu.dma_semaphore, #tpu.memory_space<semaphore_mem>>) src(%arg13 : memref<72x128xf32, #tpu.memory_space<vmem>>) dst(%dma_wait3A_335 : memref<10240x128xf32, #tpu.memory_space<vmem_shared>>)
      %add3A_336 = arith.constant 7 : i32
      %add3A_337 = arith.addi %mul3A_157, %add3A_336 : i32
      %dma_start3A_338 = arith.constant 0 : i32
      %dma_start3A_339 = arith.constant 0 : i32
      %dma_start3A_340 = tpu.memref_slice %arg3[%add3A, %add3A_337, %dma_start3A_338, %dma_start3A_339] : memref<32x184x2x72xi32, #tpu.memory_space<hbm>> -> memref<1x1x2x72xi32, #tpu.memory_space<hbm>>
      %dma_start3A_341 = tpu.memref_squeeze %dma_start3A_340 : memref<1x1x2x72xi32, #tpu.memory_space<hbm>> -> memref<2x72xi32, #tpu.memory_space<hbm>>
      %dma_start3A_342 = arith.constant 0 : i32
      %dma_start3A_343 = arith.constant 0 : i32
      %dma_start3A_344 = tpu.memref_slice %arg3[%add3A, %add3A_337, %dma_start3A_342, %dma_start3A_343] : memref<32x184x2x72xi32, #tpu.memory_space<hbm>> -> memref<1x1x2x72xi32, #tpu.memory_space<hbm>>
      %dma_start3A_345 = tpu.memref_squeeze %dma_start3A_344 : memref<1x1x2x72xi32, #tpu.memory_space<hbm>> -> memref<2x72xi32, #tpu.memory_space<hbm>>
      tpu.enqueue_dma source(%dma_start3A_345 : memref<2x72xi32, #tpu.memory_space<hbm>>) target(%arg9 : memref<2x72xi32, #tpu.memory_space<vmem>>) target_semaphore(%arg18 : memref<!tpu.dma_semaphore, #tpu.memory_space<semaphore_mem>>)
    }
    %while3A_115 = arith.constant 1 : i32
    scf.for %while3A_155 = %while3A_113 to %while3A_109 step %while3A_115  : i32 {
      %mul3A_156 = arith.constant 4 : i32
      %mul3A_157 = arith.muli %mul3A_156, %while3A_155 : i32
      %dma_wait3A_158 = arith.constant 0 : i32
      %dma_wait3A_159 = arith.constant 0 : i32
      %dma_wait3A_160 = tpu.memref_slice %arg6[%dma_wait3A_158, %dma_wait3A_159] : memref<2x72xi32, #tpu.memory_space<vmem>> -> memref<1x72xi32, #tpu.memory_space<vmem>>
      %dma_wait3A_161 = tpu.memref_squeeze %dma_wait3A_160 : memref<1x72xi32, #tpu.memory_space<vmem>> -> memref<72xi32, #tpu.memory_space<vmem>>
      %dma_wait3A_162 = arith.constant 0 : i32
      %dma_wait3A_163 = arith.constant 0 : i32
      %dma_wait3A_164 = tpu.memref_slice %arg2[%dma_wait3A_162, %dma_wait3A_163] : memref<10240x128xf32, #tpu.memory_space<hbm>> -> memref<10240x128xf32, #tpu.memory_space<hbm>>
      tpu.wait_indirect_dma semaphore(%arg19 : memref<!tpu.dma_semaphore, #tpu.memory_space<semaphore_mem>>) src(%dma_wait3A_164 : memref<10240x128xf32, #tpu.memory_space<hbm>>) dst(%arg10 : memref<72x128xf32, #tpu.memory_space<vmem>>)
      %dma_start3A_165 = arith.constant 1 : i32
      %dma_start3A_166 = arith.constant 0 : i32
      %dma_start3A_167 = tpu.memref_slice %arg6[%dma_start3A_165, %dma_start3A_166] : memref<2x72xi32, #tpu.memory_space<vmem>> -> memref<1x72xi32, #tpu.memory_space<vmem>>
      %dma_start3A_168 = tpu.memref_squeeze %dma_start3A_167 : memref<1x72xi32, #tpu.memory_space<vmem>> -> memref<72xi32, #tpu.memory_space<vmem>>
      %dma_start3A_169 = arith.constant 0 : i32
      %dma_start3A_170 = arith.constant 0 : i32
      %dma_start3A_171 = tpu.memref_slice %arg14[%dma_start3A_169, %dma_start3A_170] : memref<10240x128xf32, #tpu.memory_space<vmem_shared>> -> memref<10240x128xf32, #tpu.memory_space<vmem_shared>>
      tpu.enqueue_indirect_dma source(%arg10 : memref<72x128xf32, #tpu.memory_space<vmem>>) target(%dma_start3A_171 : memref<10240x128xf32, #tpu.memory_space<vmem_shared>>) offsets(%dma_start3A_168 : memref<72xi32, #tpu.memory_space<vmem>>) semaphore(%arg23 : memref<!tpu.dma_semaphore, #tpu.memory_space<semaphore_mem>>) {add = true}
      %dma_wait3A_172 = arith.constant 0 : i32
      %dma_wait3A_173 = arith.constant 0 : i32
      %dma_wait3A_174 = arith.constant 0 : i32
      %dma_wait3A_175 = tpu.memref_slice %arg3[%add3A, %dma_wait3A_172, %dma_wait3A_173, %dma_wait3A_174] : memref<32x184x2x72xi32, #tpu.memory_space<hbm>> -> memref<1x1x2x72xi32, #tpu.memory_space<hbm>>
      %dma_wait3A_176 = tpu.memref_squeeze %dma_wait3A_175 : memref<1x1x2x72xi32, #tpu.memory_space<hbm>> -> memref<2x72xi32, #tpu.memory_space<hbm>>
      %dma_wait3A_177 = arith.constant 0 : i32
      %dma_wait3A_178 = arith.constant 0 : i32
      %dma_wait3A_179 = tpu.memref_slice %arg3[%add3A, %dma_wait3A_172, %dma_wait3A_177, %dma_wait3A_178] : memref<32x184x2x72xi32, #tpu.memory_space<hbm>> -> memref<1x1x2x72xi32, #tpu.memory_space<hbm>>
      %dma_wait3A_180 = tpu.memref_squeeze %dma_wait3A_179 : memref<1x1x2x72xi32, #tpu.memory_space<hbm>> -> memref<2x72xi32, #tpu.memory_space<hbm>>
      tpu.wait_dma2 semaphore(%arg18 : memref<!tpu.dma_semaphore, #tpu.memory_space<semaphore_mem>>) src(%dma_wait3A_180 : memref<2x72xi32, #tpu.memory_space<hbm>>) dst(%arg9 : memref<2x72xi32, #tpu.memory_space<vmem>>)
      %dma_start3A_181 = arith.constant 0 : i32
      %dma_start3A_182 = arith.constant 0 : i32
      %dma_start3A_183 = tpu.memref_slice %arg9[%dma_start3A_181, %dma_start3A_182] : memref<2x72xi32, #tpu.memory_space<vmem>> -> memref<1x72xi32, #tpu.memory_space<vmem>>
      %dma_start3A_184 = tpu.memref_squeeze %dma_start3A_183 : memref<1x72xi32, #tpu.memory_space<vmem>> -> memref<72xi32, #tpu.memory_space<vmem>>
      %dma_start3A_185 = arith.constant 0 : i32
      %dma_start3A_186 = arith.constant 0 : i32
      %dma_start3A_187 = tpu.memref_slice %arg2[%dma_start3A_185, %dma_start3A_186] : memref<10240x128xf32, #tpu.memory_space<hbm>> -> memref<10240x128xf32, #tpu.memory_space<hbm>>
      tpu.enqueue_indirect_dma source(%dma_start3A_187 : memref<10240x128xf32, #tpu.memory_space<hbm>>) target(%arg13 : memref<72x128xf32, #tpu.memory_space<vmem>>) offsets(%dma_start3A_184 : memref<72xi32, #tpu.memory_space<vmem>>) semaphore(%arg22 : memref<!tpu.dma_semaphore, #tpu.memory_space<semaphore_mem>>)
      %dma_wait3A_188 = arith.constant 1 : i32
      %dma_wait3A_189 = arith.constant 0 : i32
      %dma_wait3A_190 = tpu.memref_slice %arg6[%dma_wait3A_188, %dma_wait3A_189] : memref<2x72xi32, #tpu.memory_space<vmem>> -> memref<1x72xi32, #tpu.memory_space<vmem>>
      %dma_wait3A_191 = tpu.memref_squeeze %dma_wait3A_190 : memref<1x72xi32, #tpu.memory_space<vmem>> -> memref<72xi32, #tpu.memory_space<vmem>>
      %dma_wait3A_192 = arith.constant 0 : i32
      %dma_wait3A_193 = arith.constant 0 : i32
      %dma_wait3A_194 = tpu.memref_slice %arg14[%dma_wait3A_192, %dma_wait3A_193] : memref<10240x128xf32, #tpu.memory_space<vmem_shared>> -> memref<10240x128xf32, #tpu.memory_space<vmem_shared>>
      tpu.wait_indirect_dma semaphore(%arg23 : memref<!tpu.dma_semaphore, #tpu.memory_space<semaphore_mem>>) src(%arg10 : memref<72x128xf32, #tpu.memory_space<vmem>>) dst(%dma_wait3A_194 : memref<10240x128xf32, #tpu.memory_space<vmem_shared>>)
      %add3A_195 = arith.constant 4 : i32
      %add3A_196 = arith.addi %mul3A_157, %add3A_195 : i32
      %dma_start3A_197 = arith.constant 0 : i32
      %dma_start3A_198 = arith.constant 0 : i32
      %dma_start3A_199 = tpu.memref_slice %arg3[%add3A, %add3A_196, %dma_start3A_197, %dma_start3A_198] : memref<32x184x2x72xi32, #tpu.memory_space<hbm>> -> memref<1x1x2x72xi32, #tpu.memory_space<hbm>>
      %dma_start3A_200 = tpu.memref_squeeze %dma_start3A_199 : memref<1x1x2x72xi32, #tpu.memory_space<hbm>> -> memref<2x72xi32, #tpu.memory_space<hbm>>
      %dma_start3A_201 = arith.constant 0 : i32
      %dma_start3A_202 = arith.constant 0 : i32
      %dma_start3A_203 = tpu.memref_slice %arg3[%add3A, %add3A_196, %dma_start3A_201, %dma_start3A_202] : memref<32x184x2x72xi32, #tpu.memory_space<hbm>> -> memref<1x1x2x72xi32, #tpu.memory_space<hbm>>
      %dma_start3A_204 = tpu.memref_squeeze %dma_start3A_203 : memref<1x1x2x72xi32, #tpu.memory_space<hbm>> -> memref<2x72xi32, #tpu.memory_space<hbm>>
      tpu.enqueue_dma source(%dma_start3A_204 : memref<2x72xi32, #tpu.memory_space<hbm>>) target(%arg6 : memref<2x72xi32, #tpu.memory_space<vmem>>) target_semaphore(%arg15 : memref<!tpu.dma_semaphore, #tpu.memory_space<semaphore_mem>>)
      %dma_wait3A_205 = arith.constant 0 : i32
      %dma_wait3A_206 = arith.constant 0 : i32
      %dma_wait3A_207 = tpu.memref_slice %arg7[%dma_wait3A_205, %dma_wait3A_206] : memref<2x72xi32, #tpu.memory_space<vmem>> -> memref<1x72xi32, #tpu.memory_space<vmem>>
      %dma_wait3A_208 = tpu.memref_squeeze %dma_wait3A_207 : memref<1x72xi32, #tpu.memory_space<vmem>> -> memref<72xi32, #tpu.memory_space<vmem>>
      %dma_wait3A_209 = arith.constant 0 : i32
      %dma_wait3A_210 = arith.constant 0 : i32
      %dma_wait3A_211 = tpu.memref_slice %arg2[%dma_wait3A_209, %dma_wait3A_210] : memref<10240x128xf32, #tpu.memory_space<hbm>> -> memref<10240x128xf32, #tpu.memory_space<hbm>>
      tpu.wait_indirect_dma semaphore(%arg20 : memref<!tpu.dma_semaphore, #tpu.memory_space<semaphore_mem>>) src(%dma_wait3A_211 : memref<10240x128xf32, #tpu.memory_space<hbm>>) dst(%arg11 : memref<72x128xf32, #tpu.memory_space<vmem>>)
      %dma_start3A_212 = arith.constant 1 : i32
      %dma_start3A_213 = arith.constant 0 : i32
      %dma_start3A_214 = tpu.memref_slice %arg7[%dma_start3A_212, %dma_start3A_213] : memref<2x72xi32, #tpu.memory_space<vmem>> -> memref<1x72xi32, #tpu.memory_space<vmem>>
      %dma_start3A_215 = tpu.memref_squeeze %dma_start3A_214 : memref<1x72xi32, #tpu.memory_space<vmem>> -> memref<72xi32, #tpu.memory_space<vmem>>
      %dma_start3A_216 = arith.constant 0 : i32
      %dma_start3A_217 = arith.constant 0 : i32
      %dma_start3A_218 = tpu.memref_slice %arg14[%dma_start3A_216, %dma_start3A_217] : memref<10240x128xf32, #tpu.memory_space<vmem_shared>> -> memref<10240x128xf32, #tpu.memory_space<vmem_shared>>
      tpu.enqueue_indirect_dma source(%arg11 : memref<72x128xf32, #tpu.memory_space<vmem>>) target(%dma_start3A_218 : memref<10240x128xf32, #tpu.memory_space<vmem_shared>>) offsets(%dma_start3A_215 : memref<72xi32, #tpu.memory_space<vmem>>) semaphore(%arg24 : memref<!tpu.dma_semaphore, #tpu.memory_space<semaphore_mem>>) {add = true}
      %dma_wait3A_219 = arith.constant 0 : i32
      %dma_wait3A_220 = arith.constant 0 : i32
      %dma_wait3A_221 = arith.constant 0 : i32
      %dma_wait3A_222 = tpu.memref_slice %arg3[%add3A, %dma_wait3A_219, %dma_wait3A_220, %dma_wait3A_221] : memref<32x184x2x72xi32, #tpu.memory_space<hbm>> -> memref<1x1x2x72xi32, #tpu.memory_space<hbm>>
      %dma_wait3A_223 = tpu.memref_squeeze %dma_wait3A_222 : memref<1x1x2x72xi32, #tpu.memory_space<hbm>> -> memref<2x72xi32, #tpu.memory_space<hbm>>
      %dma_wait3A_224 = arith.constant 0 : i32
      %dma_wait3A_225 = arith.constant 0 : i32
      %dma_wait3A_226 = tpu.memref_slice %arg3[%add3A, %dma_wait3A_219, %dma_wait3A_224, %dma_wait3A_225] : memref<32x184x2x72xi32, #tpu.memory_space<hbm>> -> memref<1x1x2x72xi32, #tpu.memory_space<hbm>>
      %dma_wait3A_227 = tpu.memref_squeeze %dma_wait3A_226 : memref<1x1x2x72xi32, #tpu.memory_space<hbm>> -> memref<2x72xi32, #tpu.memory_space<hbm>>
      tpu.wait_dma2 semaphore(%arg15 : memref<!tpu.dma_semaphore, #tpu.memory_space<semaphore_mem>>) src(%dma_wait3A_227 : memref<2x72xi32, #tpu.memory_space<hbm>>) dst(%arg6 : memref<2x72xi32, #tpu.memory_space<vmem>>)
      %dma_start3A_228 = arith.constant 0 : i32
      %dma_start3A_229 = arith.constant 0 : i32
      %dma_start3A_230 = tpu.memref_slice %arg6[%dma_start3A_228, %dma_start3A_229] : memref<2x72xi32, #tpu.memory_space<vmem>> -> memref<1x72xi32, #tpu.memory_space<vmem>>
      %dma_start3A_231 = tpu.memref_squeeze %dma_start3A_230 : memref<1x72xi32, #tpu.memory_space<vmem>> -> memref<72xi32, #tpu.memory_space<vmem>>
      %dma_start3A_232 = arith.constant 0 : i32
      %dma_start3A_233 = arith.constant 0 : i32
      %dma_start3A_234 = tpu.memref_slice %arg2[%dma_start3A_232, %dma_start3A_233] : memref<10240x128xf32, #tpu.memory_space<hbm>> -> memref<10240x128xf32, #tpu.memory_space<hbm>>
      tpu.enqueue_indirect_dma source(%dma_start3A_234 : memref<10240x128xf32, #tpu.memory_space<hbm>>) target(%arg10 : memref<72x128xf32, #tpu.memory_space<vmem>>) offsets(%dma_start3A_231 : memref<72xi32, #tpu.memory_space<vmem>>) semaphore(%arg19 : memref<!tpu.dma_semaphore, #tpu.memory_space<semaphore_mem>>)
      %dma_wait3A_235 = arith.constant 1 : i32
      %dma_wait3A_236 = arith.constant 0 : i32
      %dma_wait3A_237 = tpu.memref_slice %arg7[%dma_wait3A_235, %dma_wait3A_236] : memref<2x72xi32, #tpu.memory_space<vmem>> -> memref<1x72xi32, #tpu.memory_space<vmem>>
      %dma_wait3A_238 = tpu.memref_squeeze %dma_wait3A_237 : memref<1x72xi32, #tpu.memory_space<vmem>> -> memref<72xi32, #tpu.memory_space<vmem>>
      %dma_wait3A_239 = arith.constant 0 : i32
      %dma_wait3A_240 = arith.constant 0 : i32
      %dma_wait3A_241 = tpu.memref_slice %arg14[%dma_wait3A_239, %dma_wait3A_240] : memref<10240x128xf32, #tpu.memory_space<vmem_shared>> -> memref<10240x128xf32, #tpu.memory_space<vmem_shared>>
      tpu.wait_indirect_dma semaphore(%arg24 : memref<!tpu.dma_semaphore, #tpu.memory_space<semaphore_mem>>) src(%arg11 : memref<72x128xf32, #tpu.memory_space<vmem>>) dst(%dma_wait3A_241 : memref<10240x128xf32, #tpu.memory_space<vmem_shared>>)
      %add3A_242 = arith.constant 5 : i32
      %add3A_243 = arith.addi %mul3A_157, %add3A_242 : i32
      %dma_start3A_244 = arith.constant 0 : i32
      %dma_start3A_245 = arith.constant 0 : i32
      %dma_start3A_246 = tpu.memref_slice %arg3[%add3A, %add3A_243, %dma_start3A_244, %dma_start3A_245] : memref<32x184x2x72xi32, #tpu.memory_space<hbm>> -> memref<1x1x2x72xi32, #tpu.memory_space<hbm>>
      %dma_start3A_247 = tpu.memref_squeeze %dma_start3A_246 : memref<1x1x2x72xi32, #tpu.memory_space<hbm>> -> memref<2x72xi32, #tpu.memory_space<hbm>>
      %dma_start3A_248 = arith.constant 0 : i32
      %dma_start3A_249 = arith.constant 0 : i32
      %dma_start3A_250 = tpu.memref_slice %arg3[%add3A, %add3A_243, %dma_start3A_248, %dma_start3A_249] : memref<32x184x2x72xi32, #tpu.memory_space<hbm>> -> memref<1x1x2x72xi32, #tpu.memory_space<hbm>>
      %dma_start3A_251 = tpu.memref_squeeze %dma_start3A_250 : memref<1x1x2x72xi32, #tpu.memory_space<hbm>> -> memref<2x72xi32, #tpu.memory_space<hbm>>
      tpu.enqueue_dma source(%dma_start3A_251 : memref<2x72xi32, #tpu.memory_space<hbm>>) target(%arg7 : memref<2x72xi32, #tpu.memory_space<vmem>>) target_semaphore(%arg16 : memref<!tpu.dma_semaphore, #tpu.memory_space<semaphore_mem>>)
      %dma_wait3A_252 = arith.constant 0 : i32
      %dma_wait3A_253 = arith.constant 0 : i32
      %dma_wait3A_254 = tpu.memref_slice %arg8[%dma_wait3A_252, %dma_wait3A_253] : memref<2x72xi32, #tpu.memory_space<vmem>> -> memref<1x72xi32, #tpu.memory_space<vmem>>
      %dma_wait3A_255 = tpu.memref_squeeze %dma_wait3A_254 : memref<1x72xi32, #tpu.memory_space<vmem>> -> memref<72xi32, #tpu.memory_space<vmem>>
      %dma_wait3A_256 = arith.constant 0 : i32
      %dma_wait3A_257 = arith.constant 0 : i32
      %dma_wait3A_258 = tpu.memref_slice %arg2[%dma_wait3A_256, %dma_wait3A_257] : memref<10240x128xf32, #tpu.memory_space<hbm>> -> memref<10240x128xf32, #tpu.memory_space<hbm>>
      tpu.wait_indirect_dma semaphore(%arg21 : memref<!tpu.dma_semaphore, #tpu.memory_space<semaphore_mem>>) src(%dma_wait3A_258 : memref<10240x128xf32, #tpu.memory_space<hbm>>) dst(%arg12 : memref<72x128xf32, #tpu.memory_space<vmem>>)
      %dma_start3A_259 = arith.constant 1 : i32
      %dma_start3A_260 = arith.constant 0 : i32
      %dma_start3A_261 = tpu.memref_slice %arg8[%dma_start3A_259, %dma_start3A_260] : memref<2x72xi32, #tpu.memory_space<vmem>> -> memref<1x72xi32, #tpu.memory_space<vmem>>
      %dma_start3A_262 = tpu.memref_squeeze %dma_start3A_261 : memref<1x72xi32, #tpu.memory_space<vmem>> -> memref<72xi32, #tpu.memory_space<vmem>>
      %dma_start3A_263 = arith.constant 0 : i32
      %dma_start3A_264 = arith.constant 0 : i32
      %dma_start3A_265 = tpu.memref_slice %arg14[%dma_start3A_263, %dma_start3A_264] : memref<10240x128xf32, #tpu.memory_space<vmem_shared>> -> memref<10240x128xf32, #tpu.memory_space<vmem_shared>>
      tpu.enqueue_indirect_dma source(%arg12 : memref<72x128xf32, #tpu.memory_space<vmem>>) target(%dma_start3A_265 : memref<10240x128xf32, #tpu.memory_space<vmem_shared>>) offsets(%dma_start3A_262 : memref<72xi32, #tpu.memory_space<vmem>>) semaphore(%arg25 : memref<!tpu.dma_semaphore, #tpu.memory_space<semaphore_mem>>) {add = true}
      %dma_wait3A_266 = arith.constant 0 : i32
      %dma_wait3A_267 = arith.constant 0 : i32
      %dma_wait3A_268 = arith.constant 0 : i32
      %dma_wait3A_269 = tpu.memref_slice %arg3[%add3A, %dma_wait3A_266, %dma_wait3A_267, %dma_wait3A_268] : memref<32x184x2x72xi32, #tpu.memory_space<hbm>> -> memref<1x1x2x72xi32, #tpu.memory_space<hbm>>
      %dma_wait3A_270 = tpu.memref_squeeze %dma_wait3A_269 : memref<1x1x2x72xi32, #tpu.memory_space<hbm>> -> memref<2x72xi32, #tpu.memory_space<hbm>>
      %dma_wait3A_271 = arith.constant 0 : i32
      %dma_wait3A_272 = arith.constant 0 : i32
      %dma_wait3A_273 = tpu.memref_slice %arg3[%add3A, %dma_wait3A_266, %dma_wait3A_271, %dma_wait3A_272] : memref<32x184x2x72xi32, #tpu.memory_space<hbm>> -> memref<1x1x2x72xi32, #tpu.memory_space<hbm>>
      %dma_wait3A_274 = tpu.memref_squeeze %dma_wait3A_273 : memref<1x1x2x72xi32, #tpu.memory_space<hbm>> -> memref<2x72xi32, #tpu.memory_space<hbm>>
      tpu.wait_dma2 semaphore(%arg16 : memref<!tpu.dma_semaphore, #tpu.memory_space<semaphore_mem>>) src(%dma_wait3A_274 : memref<2x72xi32, #tpu.memory_space<hbm>>) dst(%arg7 : memref<2x72xi32, #tpu.memory_space<vmem>>)
      %dma_start3A_275 = arith.constant 0 : i32
      %dma_start3A_276 = arith.constant 0 : i32
      %dma_start3A_277 = tpu.memref_slice %arg7[%dma_start3A_275, %dma_start3A_276] : memref<2x72xi32, #tpu.memory_space<vmem>> -> memref<1x72xi32, #tpu.memory_space<vmem>>
      %dma_start3A_278 = tpu.memref_squeeze %dma_start3A_277 : memref<1x72xi32, #tpu.memory_space<vmem>> -> memref<72xi32, #tpu.memory_space<vmem>>
      %dma_start3A_279 = arith.constant 0 : i32
      %dma_start3A_280 = arith.constant 0 : i32
      %dma_start3A_281 = tpu.memref_slice %arg2[%dma_start3A_279, %dma_start3A_280] : memref<10240x128xf32, #tpu.memory_space<hbm>> -> memref<10240x128xf32, #tpu.memory_space<hbm>>
      tpu.enqueue_indirect_dma source(%dma_start3A_281 : memref<10240x128xf32, #tpu.memory_space<hbm>>) target(%arg11 : memref<72x128xf32, #tpu.memory_space<vmem>>) offsets(%dma_start3A_278 : memref<72xi32, #tpu.memory_space<vmem>>) semaphore(%arg20 : memref<!tpu.dma_semaphore, #tpu.memory_space<semaphore_mem>>)
      %dma_wait3A_282 = arith.constant 1 : i32
      %dma_wait3A_283 = arith.constant 0 : i32
      %dma_wait3A_284 = tpu.memref_slice %arg8[%dma_wait3A_282, %dma_wait3A_283] : memref<2x72xi32, #tpu.memory_space<vmem>> -> memref<1x72xi32, #tpu.memory_space<vmem>>
      %dma_wait3A_285 = tpu.memref_squeeze %dma_wait3A_284 : memref<1x72xi32, #tpu.memory_space<vmem>> -> memref<72xi32, #tpu.memory_space<vmem>>
      %dma_wait3A_286 = arith.constant 0 : i32
      %dma_wait3A_287 = arith.constant 0 : i32
      %dma_wait3A_288 = tpu.memref_slice %arg14[%dma_wait3A_286, %dma_wait3A_287] : memref<10240x128xf32, #tpu.memory_space<vmem_shared>> -> memref<10240x128xf32, #tpu.memory_space<vmem_shared>>
      tpu.wait_indirect_dma semaphore(%arg25 : memref<!tpu.dma_semaphore, #tpu.memory_space<semaphore_mem>>) src(%arg12 : memref<72x128xf32, #tpu.memory_space<vmem>>) dst(%dma_wait3A_288 : memref<10240x128xf32, #tpu.memory_space<vmem_shared>>)
      %add3A_289 = arith.constant 6 : i32
      %add3A_290 = arith.addi %mul3A_157, %add3A_289 : i32
      %dma_start3A_291 = arith.constant 0 : i32
      %dma_start3A_292 = arith.constant 0 : i32
      %dma_start3A_293 = tpu.memref_slice %arg3[%add3A, %add3A_290, %dma_start3A_291, %dma_start3A_292] : memref<32x184x2x72xi32, #tpu.memory_space<hbm>> -> memref<1x1x2x72xi32, #tpu.memory_space<hbm>>
      %dma_start3A_294 = tpu.memref_squeeze %dma_start3A_293 : memref<1x1x2x72xi32, #tpu.memory_space<hbm>> -> memref<2x72xi32, #tpu.memory_space<hbm>>
      %dma_start3A_295 = arith.constant 0 : i32
      %dma_start3A_296 = arith.constant 0 : i32
      %dma_start3A_297 = tpu.memref_slice %arg3[%add3A, %add3A_290, %dma_start3A_295, %dma_start3A_296] : memref<32x184x2x72xi32, #tpu.memory_space<hbm>> -> memref<1x1x2x72xi32, #tpu.memory_space<hbm>>
      %dma_start3A_298 = tpu.memref_squeeze %dma_start3A_297 : memref<1x1x2x72xi32, #tpu.memory_space<hbm>> -> memref<2x72xi32, #tpu.memory_space<hbm>>
      tpu.enqueue_dma source(%dma_start3A_298 : memref<2x72xi32, #tpu.memory_space<hbm>>) target(%arg8 : memref<2x72xi32, #tpu.memory_space<vmem>>) target_semaphore(%arg17 : memref<!tpu.dma_semaphore, #tpu.memory_space<semaphore_mem>>)
      %dma_wait3A_299 = arith.constant 0 : i32
      %dma_wait3A_300 = arith.constant 0 : i32
      %dma_wait3A_301 = tpu.memref_slice %arg9[%dma_wait3A_299, %dma_wait3A_300] : memref<2x72xi32, #tpu.memory_space<vmem>> -> memref<1x72xi32, #tpu.memory_space<vmem>>
      %dma_wait3A_302 = tpu.memref_squeeze %dma_wait3A_301 : memref<1x72xi32, #tpu.memory_space<vmem>> -> memref<72xi32, #tpu.memory_space<vmem>>
      %dma_wait3A_303 = arith.constant 0 : i32
      %dma_wait3A_304 = arith.constant 0 : i32
      %dma_wait3A_305 = tpu.memref_slice %arg2[%dma_wait3A_303, %dma_wait3A_304] : memref<10240x128xf32, #tpu.memory_space<hbm>> -> memref<10240x128xf32, #tpu.memory_space<hbm>>
      tpu.wait_indirect_dma semaphore(%arg22 : memref<!tpu.dma_semaphore, #tpu.memory_space<semaphore_mem>>) src(%dma_wait3A_305 : memref<10240x128xf32, #tpu.memory_space<hbm>>) dst(%arg13 : memref<72x128xf32, #tpu.memory_space<vmem>>)
      %dma_start3A_306 = arith.constant 1 : i32
      %dma_start3A_307 = arith.constant 0 : i32
      %dma_start3A_308 = tpu.memref_slice %arg9[%dma_start3A_306, %dma_start3A_307] : memref<2x72xi32, #tpu.memory_space<vmem>> -> memref<1x72xi32, #tpu.memory_space<vmem>>
      %dma_start3A_309 = tpu.memref_squeeze %dma_start3A_308 : memref<1x72xi32, #tpu.memory_space<vmem>> -> memref<72xi32, #tpu.memory_space<vmem>>
      %dma_start3A_310 = arith.constant 0 : i32
      %dma_start3A_311 = arith.constant 0 : i32
      %dma_start3A_312 = tpu.memref_slice %arg14[%dma_start3A_310, %dma_start3A_311] : memref<10240x128xf32, #tpu.memory_space<vmem_shared>> -> memref<10240x128xf32, #tpu.memory_space<vmem_shared>>
      tpu.enqueue_indirect_dma source(%arg13 : memref<72x128xf32, #tpu.memory_space<vmem>>) target(%dma_start3A_312 : memref<10240x128xf32, #tpu.memory_space<vmem_shared>>) offsets(%dma_start3A_309 : memref<72xi32, #tpu.memory_space<vmem>>) semaphore(%arg26 : memref<!tpu.dma_semaphore, #tpu.memory_space<semaphore_mem>>) {add = true}
      %dma_wait3A_313 = arith.constant 0 : i32
      %dma_wait3A_314 = arith.constant 0 : i32
      %dma_wait3A_315 = arith.constant 0 : i32
      %dma_wait3A_316 = tpu.memref_slice %arg3[%add3A, %dma_wait3A_313, %dma_wait3A_314, %dma_wait3A_315] : memref<32x184x2x72xi32, #tpu.memory_space<hbm>> -> memref<1x1x2x72xi32, #tpu.memory_space<hbm>>
      %dma_wait3A_317 = tpu.memref_squeeze %dma_wait3A_316 : memref<1x1x2x72xi32, #tpu.memory_space<hbm>> -> memref<2x72xi32, #tpu.memory_space<hbm>>
      %dma_wait3A_318 = arith.constant 0 : i32
      %dma_wait3A_319 = arith.constant 0 : i32
      %dma_wait3A_320 = tpu.memref_slice %arg3[%add3A, %dma_wait3A_313, %dma_wait3A_318, %dma_wait3A_319] : memref<32x184x2x72xi32, #tpu.memory_space<hbm>> -> memref<1x1x2x72xi32, #tpu.memory_space<hbm>>
      %dma_wait3A_321 = tpu.memref_squeeze %dma_wait3A_320 : memref<1x1x2x72xi32, #tpu.memory_space<hbm>> -> memref<2x72xi32, #tpu.memory_space<hbm>>
      tpu.wait_dma2 semaphore(%arg17 : memref<!tpu.dma_semaphore, #tpu.memory_space<semaphore_mem>>) src(%dma_wait3A_321 : memref<2x72xi32, #tpu.memory_space<hbm>>) dst(%arg8 : memref<2x72xi32, #tpu.memory_space<vmem>>)
      %dma_start3A_322 = arith.constant 0 : i32
      %dma_start3A_323 = arith.constant 0 : i32
      %dma_start3A_324 = tpu.memref_slice %arg8[%dma_start3A_322, %dma_start3A_323] : memref<2x72xi32, #tpu.memory_space<vmem>> -> memref<1x72xi32, #tpu.memory_space<vmem>>
      %dma_start3A_325 = tpu.memref_squeeze %dma_start3A_324 : memref<1x72xi32, #tpu.memory_space<vmem>> -> memref<72xi32, #tpu.memory_space<vmem>>
      %dma_start3A_326 = arith.constant 0 : i32
      %dma_start3A_327 = arith.constant 0 : i32
      %dma_start3A_328 = tpu.memref_slice %arg2[%dma_start3A_326, %dma_start3A_327] : memref<10240x128xf32, #tpu.memory_space<hbm>> -> memref<10240x128xf32, #tpu.memory_space<hbm>>
      tpu.enqueue_indirect_dma source(%dma_start3A_328 : memref<10240x128xf32, #tpu.memory_space<hbm>>) target(%arg12 : memref<72x128xf32, #tpu.memory_space<vmem>>) offsets(%dma_start3A_325 : memref<72xi32, #tpu.memory_space<vmem>>) semaphore(%arg21 : memref<!tpu.dma_semaphore, #tpu.memory_space<semaphore_mem>>)
      %dma_wait3A_329 = arith.constant 1 : i32
      %dma_wait3A_330 = arith.constant 0 : i32
      %dma_wait3A_331 = tpu.memref_slice %arg9[%dma_wait3A_329, %dma_wait3A_330] : memref<2x72xi32, #tpu.memory_space<vmem>> -> memref<1x72xi32, #tpu.memory_space<vmem>>
      %dma_wait3A_332 = tpu.memref_squeeze %dma_wait3A_331 : memref<1x72xi32, #tpu.memory_space<vmem>> -> memref<72xi32, #tpu.memory_space<vmem>>
      %dma_wait3A_333 = arith.constant 0 : i32
      %dma_wait3A_334 = arith.constant 0 : i32
      %dma_wait3A_335 = tpu.memref_slice %arg14[%dma_wait3A_333, %dma_wait3A_334] : memref<10240x128xf32, #tpu.memory_space<vmem_shared>> -> memref<10240x128xf32, #tpu.memory_space<vmem_shared>>
      tpu.wait_indirect_dma semaphore(%arg26 : memref<!tpu.dma_semaphore, #tpu.memory_space<semaphore_mem>>) src(%arg13 : memref<72x128xf32, #tpu.memory_space<vmem>>) dst(%dma_wait3A_335 : memref<10240x128xf32, #tpu.memory_space<vmem_shared>>)
      %add3A_336 = arith.constant 7 : i32
      %add3A_337 = arith.addi %mul3A_157, %add3A_336 : i32
      %dma_start3A_338 = arith.constant 0 : i32
      %dma_start3A_339 = arith.constant 0 : i32
      %dma_start3A_340 = tpu.memref_slice %arg3[%add3A, %add3A_337, %dma_start3A_338, %dma_start3A_339] : memref<32x184x2x72xi32, #tpu.memory_space<hbm>> -> memref<1x1x2x72xi32, #tpu.memory_space<hbm>>
      %dma_start3A_341 = tpu.memref_squeeze %dma_start3A_340 : memref<1x1x2x72xi32, #tpu.memory_space<hbm>> -> memref<2x72xi32, #tpu.memory_space<hbm>>
      %dma_start3A_342 = arith.constant 0 : i32
      %dma_start3A_343 = arith.constant 0 : i32
      %dma_start3A_344 = tpu.memref_slice %arg3[%add3A, %add3A_337, %dma_start3A_342, %dma_start3A_343] : memref<32x184x2x72xi32, #tpu.memory_space<hbm>> -> memref<1x1x2x72xi32, #tpu.memory_space<hbm>>
      %dma_start3A_345 = tpu.memref_squeeze %dma_start3A_344 : memref<1x1x2x72xi32, #tpu.memory_space<hbm>> -> memref<2x72xi32, #tpu.memory_space<hbm>>
      tpu.enqueue_dma source(%dma_start3A_345 : memref<2x72xi32, #tpu.memory_space<hbm>>) target(%arg9 : memref<2x72xi32, #tpu.memory_space<vmem>>) target_semaphore(%arg18 : memref<!tpu.dma_semaphore, #tpu.memory_space<semaphore_mem>>)
    }
    %dma_wait3A_116 = arith.constant 0 : i32
    %dma_wait3A_117 = arith.constant 0 : i32
    %dma_wait3A_118 = tpu.memref_slice %arg6[%dma_wait3A_116, %dma_wait3A_117] : memref<2x72xi32, #tpu.memory_space<vmem>> -> memref<1x72xi32, #tpu.memory_space<vmem>>
    %dma_wait3A_119 = tpu.memref_squeeze %dma_wait3A_118 : memref<1x72xi32, #tpu.memory_space<vmem>> -> memref<72xi32, #tpu.memory_space<vmem>>
    %dma_wait3A_120 = arith.constant 0 : i32
    %dma_wait3A_121 = arith.constant 0 : i32
    %dma_wait3A_122 = tpu.memref_slice %arg2[%dma_wait3A_120, %dma_wait3A_121] : memref<10240x128xf32, #tpu.memory_space<hbm>> -> memref<10240x128xf32, #tpu.memory_space<hbm>>
    tpu.wait_indirect_dma semaphore(%arg19 : memref<!tpu.dma_semaphore, #tpu.memory_space<semaphore_mem>>) src(%dma_wait3A_122 : memref<10240x128xf32, #tpu.memory_space<hbm>>) dst(%arg10 : memref<72x128xf32, #tpu.memory_space<vmem>>)
    %run_scoped3A = arith.constant 1 : i32
    "tpu.region"() ({
      %run_scoped3A_155 = tpu.sem_alloc : memref<!tpu.dma_semaphore, #tpu.memory_space<semaphore_mem>>
      %dma_start3A_156 = arith.constant 0 : i32
      %dma_start3A_157 = tpu.memref_slice %arg6[%run_scoped3A, %dma_start3A_156] : memref<2x72xi32, #tpu.memory_space<vmem>> -> memref<1x72xi32, #tpu.memory_space<vmem>>
      %dma_start3A_158 = tpu.memref_squeeze %dma_start3A_157 : memref<1x72xi32, #tpu.memory_space<vmem>> -> memref<72xi32, #tpu.memory_space<vmem>>
      %dma_start3A_159 = arith.constant 0 : i32
      %dma_start3A_160 = arith.constant 0 : i32
      %dma_start3A_161 = tpu.memref_slice %arg14[%dma_start3A_159, %dma_start3A_160] : memref<10240x128xf32, #tpu.memory_space<vmem_shared>> -> memref<10240x128xf32, #tpu.memory_space<vmem_shared>>
      tpu.enqueue_indirect_dma source(%arg10 : memref<72x128xf32, #tpu.memory_space<vmem>>) target(%dma_start3A_161 : memref<10240x128xf32, #tpu.memory_space<vmem_shared>>) offsets(%dma_start3A_158 : memref<72xi32, #tpu.memory_space<vmem>>) semaphore(%run_scoped3A_155 : memref<!tpu.dma_semaphore, #tpu.memory_space<semaphore_mem>>) {add = true}
      %dma_wait3A_162 = arith.constant 0 : i32
      %dma_wait3A_163 = tpu.memref_slice %arg6[%run_scoped3A, %dma_wait3A_162] : memref<2x72xi32, #tpu.memory_space<vmem>> -> memref<1x72xi32, #tpu.memory_space<vmem>>
      %dma_wait3A_164 = tpu.memref_squeeze %dma_wait3A_163 : memref<1x72xi32, #tpu.memory_space<vmem>> -> memref<72xi32, #tpu.memory_space<vmem>>
      %dma_wait3A_165 = arith.constant 0 : i32
      %dma_wait3A_166 = arith.constant 0 : i32
      %dma_wait3A_167 = tpu.memref_slice %arg14[%dma_wait3A_165, %dma_wait3A_166] : memref<10240x128xf32, #tpu.memory_space<vmem_shared>> -> memref<10240x128xf32, #tpu.memory_space<vmem_shared>>
      tpu.wait_indirect_dma semaphore(%run_scoped3A_155 : memref<!tpu.dma_semaphore, #tpu.memory_space<semaphore_mem>>) src(%arg10 : memref<72x128xf32, #tpu.memory_space<vmem>>) dst(%dma_wait3A_167 : memref<10240x128xf32, #tpu.memory_space<vmem_shared>>)
      tpu.yield
    }) : () -> ()
    %dma_wait3A_123 = arith.constant 0 : i32
    %dma_wait3A_124 = arith.constant 0 : i32
    %dma_wait3A_125 = tpu.memref_slice %arg7[%dma_wait3A_123, %dma_wait3A_124] : memref<2x72xi32, #tpu.memory_space<vmem>> -> memref<1x72xi32, #tpu.memory_space<vmem>>
    %dma_wait3A_126 = tpu.memref_squeeze %dma_wait3A_125 : memref<1x72xi32, #tpu.memory_space<vmem>> -> memref<72xi32, #tpu.memory_space<vmem>>
    %dma_wait3A_127 = arith.constant 0 : i32
    %dma_wait3A_128 = arith.constant 0 : i32
    %dma_wait3A_129 = tpu.memref_slice %arg2[%dma_wait3A_127, %dma_wait3A_128] : memref<10240x128xf32, #tpu.memory_space<hbm>> -> memref<10240x128xf32, #tpu.memory_space<hbm>>
    tpu.wait_indirect_dma semaphore(%arg20 : memref<!tpu.dma_semaphore, #tpu.memory_space<semaphore_mem>>) src(%dma_wait3A_129 : memref<10240x128xf32, #tpu.memory_space<hbm>>) dst(%arg11 : memref<72x128xf32, #tpu.memory_space<vmem>>)
    %run_scoped3A_130 = arith.constant 1 : i32
    "tpu.region"() ({
      %run_scoped3A_155 = tpu.sem_alloc : memref<!tpu.dma_semaphore, #tpu.memory_space<semaphore_mem>>
      %dma_start3A_156 = arith.constant 0 : i32
      %dma_start3A_157 = tpu.memref_slice %arg7[%run_scoped3A_130, %dma_start3A_156] : memref<2x72xi32, #tpu.memory_space<vmem>> -> memref<1x72xi32, #tpu.memory_space<vmem>>
      %dma_start3A_158 = tpu.memref_squeeze %dma_start3A_157 : memref<1x72xi32, #tpu.memory_space<vmem>> -> memref<72xi32, #tpu.memory_space<vmem>>
      %dma_start3A_159 = arith.constant 0 : i32
      %dma_start3A_160 = arith.constant 0 : i32
      %dma_start3A_161 = tpu.memref_slice %arg14[%dma_start3A_159, %dma_start3A_160] : memref<10240x128xf32, #tpu.memory_space<vmem_shared>> -> memref<10240x128xf32, #tpu.memory_space<vmem_shared>>
      tpu.enqueue_indirect_dma source(%arg11 : memref<72x128xf32, #tpu.memory_space<vmem>>) target(%dma_start3A_161 : memref<10240x128xf32, #tpu.memory_space<vmem_shared>>) offsets(%dma_start3A_158 : memref<72xi32, #tpu.memory_space<vmem>>) semaphore(%run_scoped3A_155 : memref<!tpu.dma_semaphore, #tpu.memory_space<semaphore_mem>>) {add = true}
      %dma_wait3A_162 = arith.constant 0 : i32
      %dma_wait3A_163 = tpu.memref_slice %arg7[%run_scoped3A_130, %dma_wait3A_162] : memref<2x72xi32, #tpu.memory_space<vmem>> -> memref<1x72xi32, #tpu.memory_space<vmem>>
      %dma_wait3A_164 = tpu.memref_squeeze %dma_wait3A_163 : memref<1x72xi32, #tpu.memory_space<vmem>> -> memref<72xi32, #tpu.memory_space<vmem>>
      %dma_wait3A_165 = arith.constant 0 : i32
      %dma_wait3A_166 = arith.constant 0 : i32
      %dma_wait3A_167 = tpu.memref_slice %arg14[%dma_wait3A_165, %dma_wait3A_166] : memref<10240x128xf32, #tpu.memory_space<vmem_shared>> -> memref<10240x128xf32, #tpu.memory_space<vmem_shared>>
      tpu.wait_indirect_dma semaphore(%run_scoped3A_155 : memref<!tpu.dma_semaphore, #tpu.memory_space<semaphore_mem>>) src(%arg11 : memref<72x128xf32, #tpu.memory_space<vmem>>) dst(%dma_wait3A_167 : memref<10240x128xf32, #tpu.memory_space<vmem_shared>>)
      tpu.yield
    }) : () -> ()
    %dma_wait3A_131 = arith.constant 0 : i32
    %dma_wait3A_132 = arith.constant 0 : i32
    %dma_wait3A_133 = tpu.memref_slice %arg8[%dma_wait3A_131, %dma_wait3A_132] : memref<2x72xi32, #tpu.memory_space<vmem>> -> memref<1x72xi32, #tpu.memory_space<vmem>>
    %dma_wait3A_134 = tpu.memref_squeeze %dma_wait3A_133 : memref<1x72xi32, #tpu.memory_space<vmem>> -> memref<72xi32, #tpu.memory_space<vmem>>
    %dma_wait3A_135 = arith.constant 0 : i32
    %dma_wait3A_136 = arith.constant 0 : i32
    %dma_wait3A_137 = tpu.memref_slice %arg2[%dma_wait3A_135, %dma_wait3A_136] : memref<10240x128xf32, #tpu.memory_space<hbm>> -> memref<10240x128xf32, #tpu.memory_space<hbm>>
    tpu.wait_indirect_dma semaphore(%arg21 : memref<!tpu.dma_semaphore, #tpu.memory_space<semaphore_mem>>) src(%dma_wait3A_137 : memref<10240x128xf32, #tpu.memory_space<hbm>>) dst(%arg12 : memref<72x128xf32, #tpu.memory_space<vmem>>)
    %run_scoped3A_138 = arith.constant 1 : i32
    "tpu.region"() ({
      %run_scoped3A_155 = tpu.sem_alloc : memref<!tpu.dma_semaphore, #tpu.memory_space<semaphore_mem>>
      %dma_start3A_156 = arith.constant 0 : i32
      %dma_start3A_157 = tpu.memref_slice %arg8[%run_scoped3A_138, %dma_start3A_156] : memref<2x72xi32, #tpu.memory_space<vmem>> -> memref<1x72xi32, #tpu.memory_space<vmem>>
      %dma_start3A_158 = tpu.memref_squeeze %dma_start3A_157 : memref<1x72xi32, #tpu.memory_space<vmem>> -> memref<72xi32, #tpu.memory_space<vmem>>
      %dma_start3A_159 = arith.constant 0 : i32
      %dma_start3A_160 = arith.constant 0 : i32
      %dma_start3A_161 = tpu.memref_slice %arg14[%dma_start3A_159, %dma_start3A_160] : memref<10240x128xf32, #tpu.memory_space<vmem_shared>> -> memref<10240x128xf32, #tpu.memory_space<vmem_shared>>
      tpu.enqueue_indirect_dma source(%arg12 : memref<72x128xf32, #tpu.memory_space<vmem>>) target(%dma_start3A_161 : memref<10240x128xf32, #tpu.memory_space<vmem_shared>>) offsets(%dma_start3A_158 : memref<72xi32, #tpu.memory_space<vmem>>) semaphore(%run_scoped3A_155 : memref<!tpu.dma_semaphore, #tpu.memory_space<semaphore_mem>>) {add = true}
      %dma_wait3A_162 = arith.constant 0 : i32
      %dma_wait3A_163 = tpu.memref_slice %arg8[%run_scoped3A_138, %dma_wait3A_162] : memref<2x72xi32, #tpu.memory_space<vmem>> -> memref<1x72xi32, #tpu.memory_space<vmem>>
      %dma_wait3A_164 = tpu.memref_squeeze %dma_wait3A_163 : memref<1x72xi32, #tpu.memory_space<vmem>> -> memref<72xi32, #tpu.memory_space<vmem>>
      %dma_wait3A_165 = arith.constant 0 : i32
      %dma_wait3A_166 = arith.constant 0 : i32
      %dma_wait3A_167 = tpu.memref_slice %arg14[%dma_wait3A_165, %dma_wait3A_166] : memref<10240x128xf32, #tpu.memory_space<vmem_shared>> -> memref<10240x128xf32, #tpu.memory_space<vmem_shared>>
      tpu.wait_indirect_dma semaphore(%run_scoped3A_155 : memref<!tpu.dma_semaphore, #tpu.memory_space<semaphore_mem>>) src(%arg12 : memref<72x128xf32, #tpu.memory_space<vmem>>) dst(%dma_wait3A_167 : memref<10240x128xf32, #tpu.memory_space<vmem_shared>>)
      tpu.yield
    }) : () -> ()
    %dma_wait3A_139 = arith.constant 0 : i32
    %dma_wait3A_140 = arith.constant 0 : i32
    %dma_wait3A_141 = arith.constant 0 : i32
    %dma_wait3A_142 = tpu.memref_slice %arg3[%add3A, %dma_wait3A_139, %dma_wait3A_140, %dma_wait3A_141] : memref<32x184x2x72xi32, #tpu.memory_space<hbm>> -> memref<1x1x2x72xi32, #tpu.memory_space<hbm>>
    %dma_wait3A_143 = tpu.memref_squeeze %dma_wait3A_142 : memref<1x1x2x72xi32, #tpu.memory_space<hbm>> -> memref<2x72xi32, #tpu.memory_space<hbm>>
    %dma_wait3A_144 = arith.constant 0 : i32
    %dma_wait3A_145 = arith.constant 0 : i32
    %dma_wait3A_146 = tpu.memref_slice %arg3[%add3A, %dma_wait3A_139, %dma_wait3A_144, %dma_wait3A_145] : memref<32x184x2x72xi32, #tpu.memory_space<hbm>> -> memref<1x1x2x72xi32, #tpu.memory_space<hbm>>
    %dma_wait3A_147 = tpu.memref_squeeze %dma_wait3A_146 : memref<1x1x2x72xi32, #tpu.memory_space<hbm>> -> memref<2x72xi32, #tpu.memory_space<hbm>>
    tpu.wait_dma2 semaphore(%arg18 : memref<!tpu.dma_semaphore, #tpu.memory_space<semaphore_mem>>) src(%dma_wait3A_147 : memref<2x72xi32, #tpu.memory_space<hbm>>) dst(%arg9 : memref<2x72xi32, #tpu.memory_space<vmem>>)
    %run_scoped3A_148 = arith.constant 0 : i32
    "tpu.region"() ({
      %run_scoped3A_155 = tpu.sem_alloc : memref<!tpu.dma_semaphore, #tpu.memory_space<semaphore_mem>>
      %dma_start3A_156 = arith.constant 0 : i32
      %dma_start3A_157 = tpu.memref_slice %arg9[%run_scoped3A_148, %dma_start3A_156] : memref<2x72xi32, #tpu.memory_space<vmem>> -> memref<1x72xi32, #tpu.memory_space<vmem>>
      %dma_start3A_158 = tpu.memref_squeeze %dma_start3A_157 : memref<1x72xi32, #tpu.memory_space<vmem>> -> memref<72xi32, #tpu.memory_space<vmem>>
      %dma_start3A_159 = arith.constant 0 : i32
      %dma_start3A_160 = arith.constant 0 : i32
      %dma_start3A_161 = tpu.memref_slice %arg2[%dma_start3A_159, %dma_start3A_160] : memref<10240x128xf32, #tpu.memory_space<hbm>> -> memref<10240x128xf32, #tpu.memory_space<hbm>>
      tpu.enqueue_indirect_dma source(%dma_start3A_161 : memref<10240x128xf32, #tpu.memory_space<hbm>>) target(%arg13 : memref<72x128xf32, #tpu.memory_space<vmem>>) offsets(%dma_start3A_158 : memref<72xi32, #tpu.memory_space<vmem>>) semaphore(%run_scoped3A_155 : memref<!tpu.dma_semaphore, #tpu.memory_space<semaphore_mem>>)
      %dma_wait3A_162 = arith.constant 0 : i32
      %dma_wait3A_163 = tpu.memref_slice %arg9[%run_scoped3A_148, %dma_wait3A_162] : memref<2x72xi32, #tpu.memory_space<vmem>> -> memref<1x72xi32, #tpu.memory_space<vmem>>
      %dma_wait3A_164 = tpu.memref_squeeze %dma_wait3A_163 : memref<1x72xi32, #tpu.memory_space<vmem>> -> memref<72xi32, #tpu.memory_space<vmem>>
      %dma_wait3A_165 = arith.constant 0 : i32
      %dma_wait3A_166 = arith.constant 0 : i32
      %dma_wait3A_167 = tpu.memref_slice %arg2[%dma_wait3A_165, %dma_wait3A_166] : memref<10240x128xf32, #tpu.memory_space<hbm>> -> memref<10240x128xf32, #tpu.memory_space<hbm>>
      tpu.wait_indirect_dma semaphore(%run_scoped3A_155 : memref<!tpu.dma_semaphore, #tpu.memory_space<semaphore_mem>>) src(%dma_wait3A_167 : memref<10240x128xf32, #tpu.memory_space<hbm>>) dst(%arg13 : memref<72x128xf32, #tpu.memory_space<vmem>>)
      tpu.yield
    }) : () -> ()
    %run_scoped3A_149 = arith.constant 1 : i32
    "tpu.region"() ({
      %run_scoped3A_155 = tpu.sem_alloc : memref<!tpu.dma_semaphore, #tpu.memory_space<semaphore_mem>>
      %dma_start3A_156 = arith.constant 0 : i32
      %dma_start3A_157 = tpu.memref_slice %arg9[%run_scoped3A_149, %dma_start3A_156] : memref<2x72xi32, #tpu.memory_space<vmem>> -> memref<1x72xi32, #tpu.memory_space<vmem>>
      %dma_start3A_158 = tpu.memref_squeeze %dma_start3A_157 : memref<1x72xi32, #tpu.memory_space<vmem>> -> memref<72xi32, #tpu.memory_space<vmem>>
      %dma_start3A_159 = arith.constant 0 : i32
      %dma_start3A_160 = arith.constant 0 : i32
      %dma_start3A_161 = tpu.memref_slice %arg14[%dma_start3A_159, %dma_start3A_160] : memref<10240x128xf32, #tpu.memory_space<vmem_shared>> -> memref<10240x128xf32, #tpu.memory_space<vmem_shared>>
      tpu.enqueue_indirect_dma source(%arg13 : memref<72x128xf32, #tpu.memory_space<vmem>>) target(%dma_start3A_161 : memref<10240x128xf32, #tpu.memory_space<vmem_shared>>) offsets(%dma_start3A_158 : memref<72xi32, #tpu.memory_space<vmem>>) semaphore(%run_scoped3A_155 : memref<!tpu.dma_semaphore, #tpu.memory_space<semaphore_mem>>) {add = true}
      %dma_wait3A_162 = arith.constant 0 : i32
      %dma_wait3A_163 = tpu.memref_slice %arg9[%run_scoped3A_149, %dma_wait3A_162] : memref<2x72xi32, #tpu.memory_space<vmem>> -> memref<1x72xi32, #tpu.memory_space<vmem>>
      %dma_wait3A_164 = tpu.memref_squeeze %dma_wait3A_163 : memref<1x72xi32, #tpu.memory_space<vmem>> -> memref<72xi32, #tpu.memory_space<vmem>>
      %dma_wait3A_165 = arith.constant 0 : i32
      %dma_wait3A_166 = arith.constant 0 : i32
      %dma_wait3A_167 = tpu.memref_slice %arg14[%dma_wait3A_165, %dma_wait3A_166] : memref<10240x128xf32, #tpu.memory_space<vmem_shared>> -> memref<10240x128xf32, #tpu.memory_space<vmem_shared>>
      tpu.wait_indirect_dma semaphore(%run_scoped3A_155 : memref<!tpu.dma_semaphore, #tpu.memory_space<semaphore_mem>>) src(%arg13 : memref<72x128xf32, #tpu.memory_space<vmem>>) dst(%dma_wait3A_167 : memref<10240x128xf32, #tpu.memory_space<vmem_shared>>)
      tpu.yield
    }) : () -> ()
    %barrier3A_150 = arith.constant 0 : index
    tpu.barrier barrier_id(%barrier3A_150)
    %mul3A_151 = arith.constant 640 : i32
    %mul3A_152 = arith.muli %arg1, %mul3A_151 : i32
    %mul3A_153 = arith.constant 640 : i32
    %mul3A_154 = arith.muli %arg1, %mul3A_153 : i32
    "tpu.region"() ({
      %run_scoped3A_155 = tpu.sem_alloc : memref<!tpu.dma_semaphore, #tpu.memory_space<semaphore_mem>>
      %dma_start3A_156 = arith.constant 0 : i32
      %dma_start3A_157 = arith.constant 0 : i32
      %dma_start3A_158 = tpu.memref_slice %arg5[%arg0, %dma_start3A_156, %dma_start3A_157] : memref<2x10240x128xf32, #tpu.memory_space<hbm>> -> memref<1x10240x128xf32, #tpu.memory_space<hbm>>
      %dma_start3A_159 = tpu.memref_squeeze %dma_start3A_158 : memref<1x10240x128xf32, #tpu.memory_space<hbm>> -> memref<10240x128xf32, #tpu.memory_space<hbm>>
      %dma_start3A_160 = arith.constant 0 : i32
      %dma_start3A_161 = tpu.memref_slice %dma_start3A_159[%mul3A_154, %dma_start3A_160] : memref<10240x128xf32, #tpu.memory_space<hbm>> -> memref<640x128xf32, #tpu.memory_space<hbm>>
      %dma_start3A_162 = arith.constant 0 : i32
      %dma_start3A_163 = tpu.memref_slice %arg14[%mul3A_152, %dma_start3A_162] : memref<10240x128xf32, #tpu.memory_space<vmem_shared>> -> memref<640x128xf32, #tpu.memory_space<vmem_shared>>
      tpu.enqueue_dma source(%dma_start3A_163 : memref<640x128xf32, #tpu.memory_space<vmem_shared>>) target(%dma_start3A_161 : memref<640x128xf32, #tpu.memory_space<hbm>>) target_semaphore(%run_scoped3A_155 : memref<!tpu.dma_semaphore, #tpu.memory_space<semaphore_mem>>)
      %dma_wait3A_164 = arith.constant 0 : i32
      %dma_wait3A_165 = arith.constant 0 : i32
      %dma_wait3A_166 = tpu.memref_slice %arg5[%arg0, %dma_wait3A_164, %dma_wait3A_165] : memref<2x10240x128xf32, #tpu.memory_space<hbm>> -> memref<1x10240x128xf32, #tpu.memory_space<hbm>>
      %dma_wait3A_167 = tpu.memref_squeeze %dma_wait3A_166 : memref<1x10240x128xf32, #tpu.memory_space<hbm>> -> memref<10240x128xf32, #tpu.memory_space<hbm>>
      %dma_wait3A_168 = arith.constant 0 : i32
      %dma_wait3A_169 = tpu.memref_slice %dma_wait3A_167[%mul3A_154, %dma_wait3A_168] : memref<10240x128xf32, #tpu.memory_space<hbm>> -> memref<640x128xf32, #tpu.memory_space<hbm>>
      %dma_wait3A_170 = arith.constant 0 : i32
      %dma_wait3A_171 = tpu.memref_slice %arg14[%mul3A_152, %dma_wait3A_170] : memref<10240x128xf32, #tpu.memory_space<vmem_shared>> -> memref<640x128xf32, #tpu.memory_space<vmem_shared>>
      tpu.wait_dma2 semaphore(%run_scoped3A_155 : memref<!tpu.dma_semaphore, #tpu.memory_space<semaphore_mem>>) src(%dma_wait3A_171 : memref<640x128xf32, #tpu.memory_space<vmem_shared>>) dst(%dma_wait3A_169 : memref<640x128xf32, #tpu.memory_space<hbm>>)
      tpu.yield
    }) : () -> ()
    return
  }
}

module attributes {stable_mosaic.version = 14 : i64} {
  func.func @body(%arg0: i32, %arg1: memref<1024x128xf32, #tpu.memory_space<vmem>>, %arg2: memref<128x128xf32, #tpu.memory_space<vmem>>, %arg3: memref<1024x128xf32, #tpu.memory_space<vmem>>) attributes {dimension_semantics = [#tpu.dimension_semantics<arbitrary>], iteration_bounds = array<i64: 10>, scalar_prefetch = 0 : i64, scratch_operands = 0 : i64, tpu.core_type = #tpu.core_type<tc>, window_params = [{transform_indices = @transform_0, window_bounds = array<i64: 1024, 128>}, {pipeline_mode = #tpu.pipeline_mode<synchronous>, transform_indices = @transform_1, window_bounds = array<i64: 128, 128>}, {transform_indices = @transform_2, window_bounds = array<i64: 1024, 128>}]} {
    %get3A = arith.constant 0 : index
    %get3A_0 = arith.constant 0 : index
    %get3A_1 = vector.load %arg1[%get3A, %get3A_0] : memref<1024x128xf32, #tpu.memory_space<vmem>>, vector<1024x128xf32>
    %get3A_2 = arith.constant 0 : index
    %get3A_3 = arith.constant 0 : index
    %get3A_4 = vector.load %arg2[%get3A_2, %get3A_3] : memref<128x128xf32, #tpu.memory_space<vmem>>, vector<128x128xf32>
    %dot_general3A = arith.constant dense<0.000000e+00> : vector<1024x128xf32>
    %dot_general3A_5 = tpu.matmul %get3A_1, %get3A_4, %dot_general3A {dimension_numbers = #tpu.dot_dimension_numbers<[1], [0], [0], [1], [0, 0, 1, 1], [], []>, transpose_lhs_hint = false} : vector<1024x128xf32>, vector<128x128xf32>, vector<1024x128xf32> -> vector<1024x128xf32>
    %swap3A = arith.constant 0 : index
    %swap3A_6 = arith.constant 0 : index
    %swap3A_7 = vector.load %arg3[%swap3A, %swap3A_6] : memref<1024x128xf32, #tpu.memory_space<vmem>>, vector<1024x128xf32>
    tpu.vector_store %arg3[%swap3A, %swap3A_6], %dot_general3A_5 {strides = array<i32>} : memref<1024x128xf32, #tpu.memory_space<vmem>>, vector<1024x128xf32>,
    return
  }
  func.func @transform_0(%arg0: i32) -> (i32, i32) {
    %c0_i32 = arith.constant 0 : i32
    %c0_i32_0 = arith.constant 0 : i32
    return %arg0, %c0_i32 : i32, i32
  }
  func.func @transform_1(%arg0: i32) -> (i32, i32) {
    %c0_i32 = arith.constant 0 : i32
    %c0_i32_0 = arith.constant 0 : i32
    %c0_i32_1 = arith.constant 0 : i32
    return %c0_i32, %c0_i32_0 : i32, i32
  }
  func.func @transform_2(%arg0: i32) -> (i32, i32) {
    %c0_i32 = arith.constant 0 : i32
    %c0_i32_0 = arith.constant 0 : i32
    return %arg0, %c0_i32 : i32, i32
  }
}

module attributes {stable_mosaic.version = 14 : i64} {
  func.func @body(%arg0: i32, %arg1: memref<2x1024x128xf32, #tpu.memory_space<vmem>>, %arg2: memref<1024x128xf32, #tpu.memory_space<vmem>>, %arg3: memref<1024x128xf32, #tpu.memory_space<vmem>>, %arg4: memref<1024x128xf32, #tpu.memory_space<vmem>>) attributes {dimension_semantics = [#tpu.dimension_semantics<arbitrary>], iteration_bounds = array<i64: 10>, scalar_prefetch = 0 : i64, scratch_operands = 0 : i64, tpu.core_type = #tpu.core_type<tc>, window_params = [{transform_indices = @transform_0, window_bounds = array<i64: 2, 1024, 128>}, {transform_indices = @transform_1, window_bounds = array<i64: 1024, 128>}, {transform_indices = @transform_2, window_bounds = array<i64: 1024, 128>}, {transform_indices = @transform_3, window_bounds = array<i64: 1024, 128>}]} {
    %get3A = arith.constant 0 : index
    %get3A_0 = arith.constant 0 : index
    %get3A_1 = arith.constant 0 : index
    %get3A_2 = vector.load %arg1[%get3A, %get3A_0, %get3A_1] : memref<2x1024x128xf32, #tpu.memory_space<vmem>>, vector<1x1024x128xf32>
    %get3A_3 = vector.shape_cast %get3A_2 : vector<1x1024x128xf32> to vector<1024x128xf32>
    %get3A_4 = arith.constant 1 : index
    %get3A_5 = arith.constant 0 : index
    %get3A_6 = arith.constant 0 : index
    %get3A_7 = vector.load %arg1[%get3A_4, %get3A_5, %get3A_6] : memref<2x1024x128xf32, #tpu.memory_space<vmem>>, vector<1x1024x128xf32>
    %get3A_8 = vector.shape_cast %get3A_7 : vector<1x1024x128xf32> to vector<1024x128xf32>
    %add3A = arith.addf %get3A_3, %get3A_8 : vector<1024x128xf32>
    %add3A_9 = arith.constant 1.000000e+00 : f32
    %add3A_10 = vector.broadcast %add3A_9 : f32 to vector<1024x128xf32>
    %add3A_11 = arith.addf %add3A, %add3A_10 : vector<1024x128xf32>
    %rsqrt3A = math.rsqrt %add3A_11 : vector<1024x128xf32>
    %get3A_12 = arith.constant 0 : index
    %get3A_13 = arith.constant 0 : index
    %get3A_14 = vector.load %arg2[%get3A_12, %get3A_13] : memref<1024x128xf32, #tpu.memory_space<vmem>>, vector<1024x128xf32>
    %mul3A = arith.mulf %rsqrt3A, %get3A_14 : vector<1024x128xf32>
    %swap3A = arith.constant 0 : index
    %swap3A_15 = arith.constant 0 : index
    %swap3A_16 = vector.load %arg3[%swap3A, %swap3A_15] : memref<1024x128xf32, #tpu.memory_space<vmem>>, vector<1024x128xf32>
    tpu.vector_store %arg3[%swap3A, %swap3A_15], %mul3A {strides = array<i32>} : memref<1024x128xf32, #tpu.memory_space<vmem>>, vector<1024x128xf32>,
    %swap3A_17 = arith.constant 0 : index
    %swap3A_18 = arith.constant 0 : index
    %swap3A_19 = vector.load %arg4[%swap3A_17, %swap3A_18] : memref<1024x128xf32, #tpu.memory_space<vmem>>, vector<1024x128xf32>
    tpu.vector_store %arg4[%swap3A_17, %swap3A_18], %rsqrt3A {strides = array<i32>} : memref<1024x128xf32, #tpu.memory_space<vmem>>, vector<1024x128xf32>,
    return
  }
  func.func @transform_0(%arg0: i32) -> (i32, i32, i32) {
    %c0_i32 = arith.constant 0 : i32
    %c0_i32_0 = arith.constant 0 : i32
    %c0_i32_1 = arith.constant 0 : i32
    return %c0_i32, %arg0, %c0_i32_0 : i32, i32, i32
  }
  func.func @transform_1(%arg0: i32) -> (i32, i32) {
    %c0_i32 = arith.constant 0 : i32
    %c0_i32_0 = arith.constant 0 : i32
    return %arg0, %c0_i32 : i32, i32
  }
  func.func @transform_2(%arg0: i32) -> (i32, i32) {
    %c0_i32 = arith.constant 0 : i32
    %c0_i32_0 = arith.constant 0 : i32
    return %arg0, %c0_i32 : i32, i32
  }
  func.func @transform_3(%arg0: i32) -> (i32, i32) {
    %c0_i32 = arith.constant 0 : i32
    %c0_i32_0 = arith.constant 0 : i32
    return %arg0, %c0_i32 : i32, i32
  }
}

module attributes {stable_mosaic.version = 14 : i64} {
  func.func @body(%arg0: i32, %arg1: memref<2x1024x128xf32, #tpu.memory_space<vmem>>, %arg2: memref<1024x128xf32, #tpu.memory_space<vmem>>, %arg3: memref<1024x128xf32, #tpu.memory_space<vmem>>, %arg4: memref<1x128xf32, #tpu.memory_space<vmem>>, %arg5: memref<128x128xf32, #tpu.memory_space<vmem>>, %arg6: memref<1024x128xf32, #tpu.memory_space<vmem>>, %arg7: memref<1024x128xf32, #tpu.memory_space<vmem>>) attributes {dimension_semantics = [#tpu.dimension_semantics<arbitrary>], iteration_bounds = array<i64: 10>, scalar_prefetch = 0 : i64, scratch_operands = 0 : i64, tpu.core_type = #tpu.core_type<tc>, window_params = [{transform_indices = @transform_0, window_bounds = array<i64: 2, 1024, 128>}, {transform_indices = @transform_1, window_bounds = array<i64: 1024, 128>}, {transform_indices = @transform_2, window_bounds = array<i64: 1024, 128>}, {pipeline_mode = #tpu.pipeline_mode<synchronous>, transform_indices = @transform_3, window_bounds = array<i64: 1, 128>}, {pipeline_mode = #tpu.pipeline_mode<synchronous>, transform_indices = @transform_4, window_bounds = array<i64: 128, 128>}, {transform_indices = @transform_5, window_bounds = array<i64: 1024, 128>}, {transform_indices = @transform_6, window_bounds = array<i64: 1024, 128>}]} {
    %get3A = arith.constant 0 : index
    %get3A_0 = arith.constant 0 : index
    %get3A_1 = vector.load %arg3[%get3A, %get3A_0] : memref<1024x128xf32, #tpu.memory_space<vmem>>, vector<1024x128xf32>
    %get3A_2 = arith.constant 0 : index
    %get3A_3 = arith.constant 0 : index
    %get3A_4 = arith.constant 0 : index
    %get3A_5 = vector.load %arg1[%get3A_2, %get3A_3, %get3A_4] : memref<2x1024x128xf32, #tpu.memory_space<vmem>>, vector<1x1024x128xf32>
    %get3A_6 = vector.shape_cast %get3A_5 : vector<1x1024x128xf32> to vector<1024x128xf32>
    %get3A_7 = arith.constant 1 : index
    %get3A_8 = arith.constant 0 : index
    %get3A_9 = arith.constant 0 : index
    %get3A_10 = vector.load %arg1[%get3A_7, %get3A_8, %get3A_9] : memref<2x1024x128xf32, #tpu.memory_space<vmem>>, vector<1x1024x128xf32>
    %get3A_11 = vector.shape_cast %get3A_10 : vector<1x1024x128xf32> to vector<1024x128xf32>
    %add3A = arith.addf %get3A_6, %get3A_11 : vector<1024x128xf32>
    %mul3A = arith.mulf %get3A_1, %add3A : vector<1024x128xf32>
    %mul3A_12 = arith.mulf %get3A_1, %get3A_1 : vector<1024x128xf32>
    %get3A_13 = arith.constant 0 : index
    %get3A_14 = arith.constant 0 : index
    %get3A_15 = vector.load %arg2[%get3A_13, %get3A_14] : memref<1024x128xf32, #tpu.memory_space<vmem>>, vector<1024x128xf32>
    %mul3A_16 = arith.mulf %mul3A_12, %get3A_15 : vector<1024x128xf32>
    %add3A_17 = arith.addf %mul3A, %mul3A_16 : vector<1024x128xf32>
    %get3A_18 = arith.constant 0 : index
    %get3A_19 = arith.constant 0 : index
    %get3A_20 = vector.load %arg4[%get3A_18, %get3A_19] : memref<1x128xf32, #tpu.memory_space<vmem>>, vector<1x128xf32>
    %add3A_21 = vector.broadcast %get3A_20 : vector<1x128xf32> to vector<1024x128xf32>
    %add3A_22 = arith.addf %add3A_17, %add3A_21 : vector<1024x128xf32>
    %max3A = arith.constant 0.000000e+00 : f32
    %max3A_23 = vector.broadcast %max3A : f32 to vector<1024x128xf32>
    %max3A_24 = arith.maximumf %add3A_22, %max3A_23 : vector<1024x128xf32>
    %get3A_25 = arith.constant 0 : index
    %get3A_26 = arith.constant 0 : index
    %get3A_27 = vector.load %arg5[%get3A_25, %get3A_26] : memref<128x128xf32, #tpu.memory_space<vmem>>, vector<128x128xf32>
    %dot_general3A = arith.constant dense<0.000000e+00> : vector<1024x128xf32>
    %dot_general3A_28 = tpu.matmul %max3A_24, %get3A_27, %dot_general3A {dimension_numbers = #tpu.dot_dimension_numbers<[1], [0], [0], [1], [0, 0, 1, 1], [], []>, transpose_lhs_hint = false} : vector<1024x128xf32>, vector<128x128xf32>, vector<1024x128xf32> -> vector<1024x128xf32>
    %mul3A_29 = arith.mulf %get3A_1, %dot_general3A_28 : vector<1024x128xf32>
    %swap3A = arith.constant 0 : index
    %swap3A_30 = arith.constant 0 : index
    %swap3A_31 = vector.load %arg6[%swap3A, %swap3A_30] : memref<1024x128xf32, #tpu.memory_space<vmem>>, vector<1024x128xf32>
    tpu.vector_store %arg6[%swap3A, %swap3A_30], %mul3A_29 {strides = array<i32>} : memref<1024x128xf32, #tpu.memory_space<vmem>>, vector<1024x128xf32>,
    %swap3A_32 = arith.constant 0 : index
    %swap3A_33 = arith.constant 0 : index
    %swap3A_34 = vector.load %arg7[%swap3A_32, %swap3A_33] : memref<1024x128xf32, #tpu.memory_space<vmem>>, vector<1024x128xf32>
    tpu.vector_store %arg7[%swap3A_32, %swap3A_33], %dot_general3A_28 {strides = array<i32>} : memref<1024x128xf32, #tpu.memory_space<vmem>>, vector<1024x128xf32>,
    return
  }
  func.func @transform_0(%arg0: i32) -> (i32, i32, i32) {
    %c0_i32 = arith.constant 0 : i32
    %c0_i32_0 = arith.constant 0 : i32
    %c0_i32_1 = arith.constant 0 : i32
    return %c0_i32, %arg0, %c0_i32_0 : i32, i32, i32
  }
  func.func @transform_1(%arg0: i32) -> (i32, i32) {
    %c0_i32 = arith.constant 0 : i32
    %c0_i32_0 = arith.constant 0 : i32
    return %arg0, %c0_i32 : i32, i32
  }
  func.func @transform_2(%arg0: i32) -> (i32, i32) {
    %c0_i32 = arith.constant 0 : i32
    %c0_i32_0 = arith.constant 0 : i32
    return %arg0, %c0_i32 : i32, i32
  }
  func.func @transform_3(%arg0: i32) -> (i32, i32) {
    %c0_i32 = arith.constant 0 : i32
    %c0_i32_0 = arith.constant 0 : i32
    %c0_i32_1 = arith.constant 0 : i32
    return %c0_i32, %c0_i32_0 : i32, i32
  }
  func.func @transform_4(%arg0: i32) -> (i32, i32) {
    %c0_i32 = arith.constant 0 : i32
    %c0_i32_0 = arith.constant 0 : i32
    %c0_i32_1 = arith.constant 0 : i32
    return %c0_i32, %c0_i32_0 : i32, i32
  }
  func.func @transform_5(%arg0: i32) -> (i32, i32) {
    %c0_i32 = arith.constant 0 : i32
    %c0_i32_0 = arith.constant 0 : i32
    return %arg0, %c0_i32 : i32, i32
  }
  func.func @transform_6(%arg0: i32) -> (i32, i32) {
    %c0_i32 = arith.constant 0 : i32
    %c0_i32_0 = arith.constant 0 : i32
    return %arg0, %c0_i32 : i32, i32
  }
}

module attributes {stable_mosaic.version = 14 : i64} {
  func.func @body(%arg0: i32, %arg1: memref<2x1024x128xf32, #tpu.memory_space<vmem>>, %arg2: memref<1024x128xf32, #tpu.memory_space<vmem>>, %arg3: memref<1024x128xf32, #tpu.memory_space<vmem>>, %arg4: memref<1x128xf32, #tpu.memory_space<vmem>>, %arg5: memref<1024x128xf32, #tpu.memory_space<vmem>>) attributes {dimension_semantics = [#tpu.dimension_semantics<arbitrary>], iteration_bounds = array<i64: 10>, scalar_prefetch = 0 : i64, scratch_operands = 0 : i64, tpu.core_type = #tpu.core_type<tc>, window_params = [{transform_indices = @transform_0, window_bounds = array<i64: 2, 1024, 128>}, {transform_indices = @transform_1, window_bounds = array<i64: 1024, 128>}, {transform_indices = @transform_2, window_bounds = array<i64: 1024, 128>}, {pipeline_mode = #tpu.pipeline_mode<synchronous>, transform_indices = @transform_3, window_bounds = array<i64: 1, 128>}, {transform_indices = @transform_4, window_bounds = array<i64: 1024, 128>}]} {
    %get3A = arith.constant 0 : index
    %get3A_0 = arith.constant 0 : index
    %get3A_1 = vector.load %arg3[%get3A, %get3A_0] : memref<1024x128xf32, #tpu.memory_space<vmem>>, vector<1024x128xf32>
    %get3A_2 = arith.constant 0 : index
    %get3A_3 = arith.constant 0 : index
    %get3A_4 = arith.constant 0 : index
    %get3A_5 = vector.load %arg1[%get3A_2, %get3A_3, %get3A_4] : memref<2x1024x128xf32, #tpu.memory_space<vmem>>, vector<1x1024x128xf32>
    %get3A_6 = vector.shape_cast %get3A_5 : vector<1x1024x128xf32> to vector<1024x128xf32>
    %get3A_7 = arith.constant 1 : index
    %get3A_8 = arith.constant 0 : index
    %get3A_9 = arith.constant 0 : index
    %get3A_10 = vector.load %arg1[%get3A_7, %get3A_8, %get3A_9] : memref<2x1024x128xf32, #tpu.memory_space<vmem>>, vector<1x1024x128xf32>
    %get3A_11 = vector.shape_cast %get3A_10 : vector<1x1024x128xf32> to vector<1024x128xf32>
    %add3A = arith.addf %get3A_6, %get3A_11 : vector<1024x128xf32>
    %mul3A = arith.mulf %get3A_1, %add3A : vector<1024x128xf32>
    %mul3A_12 = arith.mulf %get3A_1, %get3A_1 : vector<1024x128xf32>
    %get3A_13 = arith.constant 0 : index
    %get3A_14 = arith.constant 0 : index
    %get3A_15 = vector.load %arg2[%get3A_13, %get3A_14] : memref<1024x128xf32, #tpu.memory_space<vmem>>, vector<1024x128xf32>
    %mul3A_16 = arith.mulf %mul3A_12, %get3A_15 : vector<1024x128xf32>
    %add3A_17 = arith.addf %mul3A, %mul3A_16 : vector<1024x128xf32>
    %get3A_18 = arith.constant 0 : index
    %get3A_19 = arith.constant 0 : index
    %get3A_20 = vector.load %arg4[%get3A_18, %get3A_19] : memref<1x128xf32, #tpu.memory_space<vmem>>, vector<1x128xf32>
    %add3A_21 = vector.broadcast %get3A_20 : vector<1x128xf32> to vector<1024x128xf32>
    %add3A_22 = arith.addf %add3A_17, %add3A_21 : vector<1024x128xf32>
    %swap3A = arith.constant 0 : index
    %swap3A_23 = arith.constant 0 : index
    %swap3A_24 = vector.load %arg5[%swap3A, %swap3A_23] : memref<1024x128xf32, #tpu.memory_space<vmem>>, vector<1024x128xf32>
    tpu.vector_store %arg5[%swap3A, %swap3A_23], %add3A_22 {strides = array<i32>} : memref<1024x128xf32, #tpu.memory_space<vmem>>, vector<1024x128xf32>,
    return
  }
  func.func @transform_0(%arg0: i32) -> (i32, i32, i32) {
    %c0_i32 = arith.constant 0 : i32
    %c0_i32_0 = arith.constant 0 : i32
    %c0_i32_1 = arith.constant 0 : i32
    return %c0_i32, %arg0, %c0_i32_0 : i32, i32, i32
  }
  func.func @transform_1(%arg0: i32) -> (i32, i32) {
    %c0_i32 = arith.constant 0 : i32
    %c0_i32_0 = arith.constant 0 : i32
    return %arg0, %c0_i32 : i32, i32
  }
  func.func @transform_2(%arg0: i32) -> (i32, i32) {
    %c0_i32 = arith.constant 0 : i32
    %c0_i32_0 = arith.constant 0 : i32
    return %arg0, %c0_i32 : i32, i32
  }
  func.func @transform_3(%arg0: i32) -> (i32, i32) {
    %c0_i32 = arith.constant 0 : i32
    %c0_i32_0 = arith.constant 0 : i32
    %c0_i32_1 = arith.constant 0 : i32
    return %c0_i32, %c0_i32_0 : i32, i32
  }
  func.func @transform_4(%arg0: i32) -> (i32, i32) {
    %c0_i32 = arith.constant 0 : i32
    %c0_i32_0 = arith.constant 0 : i32
    return %arg0, %c0_i32 : i32, i32
  }
}

</mosaic_0001>

<sc_bundles>
// kernel: kernel.12.cloned.1.call-start
scs
__scs_entry_jumppad:
0x0: {  	(pc) =	sbr.rel $0x88, $3  }
0x1: {  	(tag) =	ssettag $0x0;
	lr =	simm.s32 $0x1  }
0x2: {  	[smem:$0x3F9B] =	sst lr;
	_ =	strace $0xD0000000  }
0x3: {  	_ = 	snop  }
0x4: {  	_ = 	snop  }
0x5: {  	_ = 	snop  }
0x6: {  	_ = 	snop  }
0x7: {  	_ = 	snop  }
__scs_overlays_trampoline_lowered:
0x8: {  	[smem:$0x3FAA] =	sst s0  }
0x9: {  	[smem:$0x3FAB] =	sst s1  }
0xa: {  	[smem:$0x3FAC] =	sst s2  }
0xb: {  	[smem:$0x3FAD] =	sst s3  }
0xc: {  	[smem:$0x3FAE] =	sst s4  }
0xd: {  	[smem:$0x3FAF] =	sst s5  }
0xe: {  	[smem:$0x3FB0] =	sst s6  }
0xf: {  	[smem:$0x3FB1] =	sst s7  }
0x10: {  	[smem:$0x3FB2] =	sst s8  }
0x11: {  	[smem:$0x3FB3] =	sst s9;
	s0 =	simm.s32 @!p0 $0x0  }
0x12: {  	s1 =	sld [smem:$0x3F99];
	s0 =	simm.s32 @p0 $0x1  }
0x13: {  	[smem:$0x3FB4] =	sst s0;
	s0 =	simm.s32 @!p1 $0x0  }
0x14: {  	s2 =	sld [smem:$0x3F98];
	s0 =	simm.s32 @p1 $0x1  }
0x15: {  	[smem:$0x3FB5] =	sst s0;
	s0 =	simm.s32 @!p2 $0x0  }
0x16: {  	s3 =	sld [smem:$0x3FDB];
	s0 =	simm.s32 @p2 $0x1  }
0x17: {  	s4 =	simm.s32 $0x1BF5;
	[smem:$0x3FB7] =	sst s0  }
0x18: {  	s0 =	sld [smem:$0x3F9A];
	_ =	swait.ge [sflag:s4], $0x0  }
0x19: {  	s7 =	sld [smem:$0x3F9B]  }
0x1a: {  	s8 =	sadd.s32 $0xFFFFE003, lr  }
0x1b: {  	s9 =	sadd.s32 $0xFFFFFEF7, lr;
	s5 =	simm.s32 $0xFFFFFFFF;
	p2 =	slt.u32 s8, $0xFFFFF086  }
0x1c: {  	p1 =	slt.u32 s9, $0xF7A;
	s5 =	simm.s32 @!p2 $0x0  }
0x1d: {  	s5 =	simm.s32 @p1 $0x1;
	p0 =	seq.s32 s7, s2  }
0x1e: {  	s7 =	smul.u32 @!p0 $0xF7A, s2;
	p2 =	seq.s32 @!p0 s5, $0x0  }
0x1f: {  	s9 =	smul.u32 $0xF7A, s1;
	s8 =	simm.s32 @!p0 $0x1BF5;
	p2 =	por !p2, p0  }
0x20: {  	[sflag:s8] =	ssyncset.s32 @!p0 $0xFFFFF086;
	s6 =	sadd.s32 @!p0 s3, s7;
	s7 =	simm.s32 @!p0 $0x108  }
0x21: {  	s3 =	sadd.s32 s3, s9;
	s6 =	sadd.s32 @!p0 $0x88, s6;
	s7 =	simm.s32 @p2 $0x1082  }
0x22: {  	[simem:s7], [sflag:s8] =	dma.local @!p0 [hbm:s6], $0xF7A  }
0x23: {  	s9 =	sor.u32 $0xD0000000, s2;
	s6 =	simm.s32 $0x108;
	_ =	swait.ge @!p0 [sflag:s8], $0x0  }
0x24: {  	s3 =	sadd.s32 $0x88, s3;
	s6 =	simm.s32 @!p1 $0x1082;
	[sflag:s4] =	ssyncset.s32 $0xFFFFF086  }
0x25: {  	[simem:s6], [sflag:s4] =	dma.local [hbm:s3], $0xF7A  }
0x26: {  	[smem:$0x3F9B] =	sst s1;
	(tag) =	ssettag s2;
	_ =	strace s9  }
0x27: {  	s1 =	sld [smem:$0x3FAB]  }
0x28: {  	s2 =	sld [smem:$0x3FAC]  }
0x29: {  	s4 =	sld [smem:$0x3FAE]  }
0x2a: {  	p0 =	seq.s32 s5, $0x0;
	s5 =	sld [smem:$0x3FAF]  }
0x2b: {  	s6 =	sld [smem:$0x3FB0]  }
0x2c: {  	s7 =	sld [smem:$0x3FB1]  }
0x2d: {  	s3 =	simm.s32 $0x108;
	s8 =	sld [smem:$0x3FB2]  }
0x2e: {  	s3 =	simm.s32 @!p0 $0x1082;
	s9 =	sld [smem:$0x3FB3]  }
0x2f: {  	lr =	sadd.s32 s0, s3;
	s0 =	sld [smem:$0x3FAA]  }
0x30: {  	s3 =	sld [smem:$0x3FAD]  }
0x31: {  	[smem:$0x3FB6] =	sst s10  }
0x32: {  	s10 =	sld [smem:$0x3FB4];
	_ =	sdelay $0x3  }
0x33: {  	p0 =	seq.s32 s10, $0x1;
	s10 =	sld [smem:$0x3FB6];
	_ =	sdelay $0x3  }
0x34: {  	[smem:$0x3FB6] =	sst s10  }
0x35: {  	s10 =	sld [smem:$0x3FB5];
	_ =	sdelay $0x3  }
0x36: {  	p1 =	seq.s32 s10, $0x1;
	s10 =	sld [smem:$0x3FB6];
	_ =	sdelay $0x3  }
0x37: {  	[smem:$0x3FB6] =	sst s10  }
0x38: {  	s10 =	sld [smem:$0x3FB7]  }
0x39: {  	_ = 	snop;
	(pc) =	sbr.ind lr, $3  }
0x3a: {  	_ = 	snop  }
0x3b: {  	_ = 	snop  }
0x3c: {  	p2 =	seq.s32 s10, $0x1;
	s10 =	sld [smem:$0x3FB6]  }
0x3d: {  	_ =	shalt  }
0x3e: {  	_ =	shalt  }
0x3f: {  	_ =	shalt  }
0x40: {  	_ =	shalt  }
0x41: {  	_ =	shalt  }
0x42: {  	_ =	shalt  }
0x43: {  	_ =	shalt  }
0x44: {  	_ =	shalt  }
0x45: {  	_ =	shalt  }
0x46: {  	_ =	shalt  }
0x47: {  	_ =	shalt  }
0x48: {  	_ =	shalt  }
0x49: {  	_ =	shalt  }
0x4a: {  	_ =	shalt  }
0x4b: {  	_ =	shalt  }
0x4c: {  	_ =	shalt  }
0x4d: {  	_ =	shalt  }
0x4e: {  	_ =	shalt  }
0x4f: {  	_ =	shalt  }
0x50: {  	_ =	shalt  }
0x51: {  	_ =	shalt  }
0x52: {  	_ =	shalt  }
0x53: {  	_ =	shalt  }
0x54: {  	_ =	shalt  }
0x55: {  	_ =	shalt  }
0x56: {  	_ =	shalt  }
0x57: {  	_ =	shalt  }
0x58: {  	_ =	shalt  }
0x59: {  	_ =	shalt  }
0x5a: {  	_ =	shalt  }
0x5b: {  	_ =	shalt  }
0x5c: {  	_ =	shalt  }
0x5d: {  	_ =	shalt  }
0x5e: {  	_ =	shalt  }
0x5f: {  	_ =	shalt  }
0x60: {  	_ =	shalt  }
0x61: {  	_ =	shalt  }
0x62: {  	_ =	shalt  }
0x63: {  	_ =	shalt  }
0x64: {  	_ =	shalt  }
0x65: {  	_ =	shalt  }
0x66: {  	_ =	shalt  }
0x67: {  	_ =	shalt  }
0x68: {  	_ =	shalt  }
0x69: {  	_ =	shalt  }
0x6a: {  	_ =	shalt  }
0x6b: {  	_ =	shalt  }
0x6c: {  	_ =	shalt  }
0x6d: {  	_ =	shalt  }
0x6e: {  	_ =	shalt  }
0x6f: {  	_ =	shalt  }
0x70: {  	_ =	shalt  }
0x71: {  	_ =	shalt  }
0x72: {  	_ =	shalt  }
0x73: {  	_ =	shalt  }
0x74: {  	_ =	shalt  }
0x75: {  	_ =	shalt  }
0x76: {  	_ =	shalt  }
0x77: {  	_ =	shalt  }
0x78: {  	_ =	shalt  }
0x79: {  	_ =	shalt  }
0x7a: {  	_ =	shalt  }
0x7b: {  	_ =	shalt  }
0x7c: {  	_ =	shalt  }
0x7d: {  	_ =	shalt  }
0x7e: {  	_ =	shalt  }
0x7f: {  	_ =	shalt  }
0x80: {  	_ =	shalt  }
0x81: {  	_ =	shalt  }
0x82: {  	_ =	shalt  }
0x83: {  	_ =	shalt  }
0x84: {  	_ =	shalt  }
0x85: {  	_ =	shalt  }
0x86: {  	_ =	shalt  }
0x87: {  	_ =	shalt  }
.Lfunc_end0:
.L_simem_size_0:
called_computation.1_lowered:
.L_overlay_start_0:
0x88: {  	s2 =	sld [smem:$0x3FD9]  }
0x89: {  	s3 =	sld [smem:$0x3FFE];
	_ =	sdelay $0x1  }
0x8a: {  	s1 =	srdreg.scid  }
0x8b: {  	s0 =	sand.u32 $0x1, s1  }
0x8c: {  	s16 =	sshll.u32 s0, $0xA;
	s2 =	sadd.s32 s3, s2  }
0x8d: {  	s2 =	sadd.s32 s2, s16  }
0x8e: {  	[smem:$0x3FC2] =	sst s2  }
0x8f: {  	_ = 	snop  }
0x90: {  	(tm) =	ssettm $0x1  }
0x91: {  	s17 =	sld [smem:$0x3FFB];
	_ =	sdelay $0x3  }
0x92: {  	_ =	strace s17  }
0x93: {  	s2 =	sld [smem:$0x3FFC];
	_ =	sdelay $0x3  }
0x94: {  	_ =	strace s2  }
0x95: {  	s2 =	sld [smem:$0x3FFD];
	_ =	sdelay $0x3  }
0x96: {  	_ =	strace s2  }
0x97: {  	_ =	strace $0x8FFFFFFF  }
0x98: {  	s18 =	sld [smem:$0x3FDB];
	_ =	sdelay $0x1  }
0x99: {  	s19 =	simm.s32 $_scs_section_size  }
0x9a: {  	s4 =	simm.s32 $_size__tile_overlayer_lowered;
	s5 =	simm.s32 $_tile_overlayer_lowered  }
0x9b: {  	s22 =	simm.s32 $0x1BFF;
	s21 =	sshll.u32 s5, $0x1;
	s2 =	sadd.s32 s19, s18  }
0x9c: {  	s6 =	simm.s32 $0x0;
	s20 =	sshll.u32 s4, $0x1;
	s4 =	sadd.s32 s21, s2  }
0x9d: {  	[timem:s6], [sflag:s22] =	dma.local [hbm:s4], s20  }
0x9e: {  	_ =	swait.ge [sflag:s22], s20  }
0x9f: {  	s3 =	ssub.s32 $0x0, s20;
	[sflag:s22] =	ssyncset.done $0x0  }
0xa0: {  	[sflag:s22] =	ssyncadd.s32 s3;
	_ =	sdelay $0x1  }
0xa1: {  	s23 =	simm.s32 $0x1B8B  }
0xa2: {  	_ =	swait.ge [sflag:s23], $0x1  }
0xa3: {  	[sflag:s23] =	ssyncset.done $0x0  }
0xa4: {  	s25 =	simm.s32 $0x1B8E;
	s24 =	sld [smem:$0x3FFE];
	[sflag:s23] =	ssyncadd.s32 $0xFFFFFFFF  }
0xa5: {  	s26 =	simm.s32 $execute0_lowered;
	[smem:$0x3FD2] =	sst s25  }
0xa6: {  	s4 =	sshll.u32 s26, $0x1;
	_ =	strace $0x80000049;
	[dreg:$0x1] =	wrdreg $0xFFFFFFFF  }
0xa7: {  	s28 =	simm.s32 $_size_execute0_lowered;
	s2 =	sadd.s32 s2, s4;
	[dreg:$0x0] =	wrdreg $0x0  }
0xa8: {  	s4 =	sshll.u32 s28, $0x1;
	[dreg:$0x2] =	wrdreg s2  }
0xa9: {  	[dreg:$0x3] =	wrdreg s4  }
0xaa: {  	[dreg:$0x4] =	wrdreg $0xC0  }
0xab: {  	_ =	task [dreg:s6], $0x5FFFF  }
0xac: {  	[dreg:$0x1] =	wrdreg $0xFFFFFFFF  }
0xad: {  	[dreg:$0x0] =	wrdreg $0x60  }
0xae: {  	[dreg:$0x2] =	wrdreg s24  }
0xaf: {  	[dreg:$0x3] =	wrdreg $0x94000  }
0xb0: {  	[dreg:$0x4] =	wrdreg $0x9  }
0xb1: {  	_ =	task.clear_ibuf [dreg:s6], $0x5FFFF;
	_ =	strace $0x90000049  }
0xb2: {  	s29 =	simm.s32 $0x9;
	_ =	strace $0x8000004B  }
0xb3: {  	_ =	swait.ge [sflag:s29], $0x1  }
0xb4: {  	[sflag:s29] =	ssyncadd.s32 $0xFFFFFFFF  }
0xb5: {  	_ =	strace $0x9000004B  }
0xb6: {  	_ =	sfence  }
0xb7: {  	s30 =	sld [smem:$0x0];
	_ =	sdelay $0x2  }
0xb8: {  	s31 =	sshll.u32 s1, $0xD;
	s1 =	sshrl.u32 s1, $0x2  }
0xb9: {  	s3 =	sand.u32 $0x4000, s31;
	s1 =	sadd.s32 s1, s30  }
0xba: {  	s0 =	sor.u32 s3, s0;
	s1 =	sshll.u32 s1, $0x11  }
0xbb: {  	s0 =	sor.u32 s1, s0  }
0xbc: {  	s0 =	sadd.s32 $0x8F2B, s0  }
0xbd: {  	[sflag:s0] =	ssyncadd.remote.s32 $0x1  }
0xbe: {  	_ =	sfence.sel $0xFFFF  }
0xbf: {  	[dreg:$0x0] =	wrdreg $0xFFFFFFFF;
	(pc) =	sbr.abs _section_cstart, $3  }
0xc0: {  	[dreg:$0x1] =	wrdreg $0xFFFFFFFF  }
0xc1: {  	_ =	task.clear_ibuf [dreg:s6], $0x2FFFF;
	_ =	strace $0x9FFFFFFF  }
0xc2: {  	(tm) =	ssettm $0x7FFFFFFF  }
0xc3: {  	_ =	shalt  }
tec
execute0_lowered:
.L_overlay_start_1:
0x0: {  	(tag) =	ssettag $0x1  }
0x1: {  	s0 =	rddreg [dreg:$0x0]  }
0x2: {  	s1 =	rddreg [dreg:$0x1]  }
0x3: {  	s2 =	simm.s32 $0x0;
	s3 =	srdreg.scid;
	s11 =	stileid.u32  }
0x4: {  	s19 =	simm.s32 $0x100;
	s20 =	simm.s32 $0x200;
	s28 =	simm.s32 $0x2800  }
0x5: {  	s29 =	simm.s32 $0x3;
	s30 =	simm.s32 $0x4C00;
	s31 =	simm.s32 $0x5  }
0x6: {  	[smem:$0x7FF] =	sst s2;
	s4 =	sadd.s32 $0x4800, s0;
	s9 =	smul.u32 $0x50000, s11  }
0x7: {  	s3 =	sand.u32 $0x1, s3;
	s5 =	sadd.s32 $0x54800, s0;
	s24 =	smul.u32 $0x17000, s11  }
0x8: {  	s7 =	sshll.u32 s11, $0x1;
	s10 =	sadd.s32 $0x2000, s0;
	s18 =	smul.u32 $0x2800, s11  }
0x9: {  	s25 =	sshll.u32 s11, $0x6;
	_ =	strace $0x8000004A;
	s6 =	smul.u32 $0x28000, s3  }
0xa: {  	s8 =	ssub.s32 $0x2, s3;
	s7 =	sor.u32 s3, s7;
	[dreg:$0x3] =	wrdreg s10  }
0xb: {  	s26 =	smul.u32 $0xB800, s3;
	s15 =	sor.u32 $0x1C0D, s25;
	p0 =	seq.s32 s3, $0x0  }
0xc: {  	s21 =	sshrl.u32 s8, $0x1;
	s7 =	smul.u32 $0xB800, s7;
	s23 =	sshrl.u32 s9, $0x2  }
0xd: {  	s9 =	simm.s32 $0x6;
	[dreg:$0x5] =	wrdreg s15;
	s0 =	sadd.s32 s6, s0  }
0xe: {  	s22 =	ssub.s32 s8, s21;
	s8 =	sadd.s32 s23, s1;
	s14 =	sadd.s32 s26, s24  }
0xf: {  	s21 =	simm.s32 $0x300;
	s7 =	sshrl.u32 s7, $0x3;
	s17 =	sor.u32 $0x700, s14  }
0x10: {  	s0 =	sadd.s32 $0x82800, s0;
	s6 =	smax.u32 s22, $0x1;
	s24 =	sor.u32 $0x600, s14  }
0x11: {  	s25 =	sor.u32 $0x500, s14;
	s3 =	sor.u32 $0x400, s14;
	s11 =	sshrl.u32 s8, $0x3  }
0x12: {  	s22 =	simm.s32 $0x1;
	s8 =	simm.s32 $0x9;
	s14 =	simm.s32 $0xC  }
0x13: {  	s12 =	sadd.s32 s5, s7;
	s7 =	sshrl.u32 s17, $0x3;
	[dreg:$0xa] =	wrdreg s6  }
0x14: {  	s6 =	sshrl.u32 s24, $0x3;
	s26 =	sshrl.u32 s25, $0x3;
	[dreg:$0xf] =	wrdreg s11  }
0x15: {  	s3 =	sshrl.u32 s3, $0x3;
	s0 =	sadd.s32 s18, s0;
	[dreg:$0x4] =	wrdreg s12  }
0x16: {  	s25 =	simm.s32 $0x400;
	s10 =	sadd.s32 $0x20, s12;
	[dreg:$0x10] =	wrdreg s0  }
0x17: {  	s17 =	simm.s32 $0x0;
	s13 =	sadd.s32 $0x40, s12;
	[dreg:$0x6] =	wrdreg s10  }
0x18: {  	s16 =	sadd.s32 $0x60, s12;
	s23 =	sadd.s32 s7, s5;
	[dreg:$0x7] =	wrdreg s13  }
0x19: {  	s6 =	sadd.s32 s6, s5;
	s3 =	sadd.s32 s3, s5;
	[dreg:$0x9] =	wrdreg s16  }
0x1a: {  	s12 =	simm.s32 $0xA;
	s7 =	simm.s32 $0xB;
	[dreg:$0xb] =	wrdreg s23  }
0x1b: {  	s10 =	simm.s32 $0x2D;
	[dreg:$0xc] =	wrdreg s6;
	s6 =	sadd.s32 s26, s5  }
0x1c: {  	[dreg:$0xe] =	wrdreg s3;
	s16 =	simm.s32 $0xD;
	s23 =	simm.s32 $0x48  }
0x1d: {  	s26 =	simm.s32 $0x2;
	s3 =	simm.s32 $0x4;
	s5 =	simm.s32 $0x7000  }
0x1e: {  	s13 =	simm.s32 $0x380;
	s10 =	simm.s32 @!p0 $0x17;
	[dreg:$0xd] =	wrdreg s6  }
0x1f: {  	s6 =	simm.s32 $0x7;
	[dreg:$0x8] =	wrdreg s10;
	s10 =	simm.s32 $0x8  }
.LBB2_1:
0x20: {  	[dreg:$0x11] =	wrdreg s17  }
0x21: {  	s0 =	rddreg [dreg:$0x3]  }
0x22: {  	[spmem:s11], [sflag:s15] =	dma.local [hbm:s0], $0x2800  }
0x23: {  	_ =	swait.ge [sflag:s16], $0x2800  }
0x24: {  	[sflag:s16] =	ssyncset.done $0x0  }
0x25: {  	[sflag:s16] =	ssyncadd.s32 $0xFFFFD800  }
0x26: {  	[bflag:$0x0] =	sbarrier.arrive $0xFFFF  }
0x27: {  	s17 =	rddreg [dreg:$0x4]  }
0x28: {  	[tilespmem:s2], [sflag:$0x1] =	stream.linear.gather [hbm4b:s17+s2], $0x100, $0x38;
	[tilespmem:$0x1D400] =	vst v63  }
0x29: {  	s18 =	rddreg [dreg:$0x6]  }
0x2a: {  	[tilespmem:s19], [sflag:$0x2] =	stream.linear.gather [hbm4b:s18+s2], $0x100, $0x38;
	[tilespmem:$0x1D400] =	vst v63  }
0x2b: {  	s24 =	rddreg [dreg:$0x7]  }
0x2c: {  	[tilespmem:s20], [sflag:$0x3] =	stream.linear.gather [hbm4b:s24+s2], $0x100, $0x38;
	[tilespmem:$0x1D400] =	vst v63  }
0x2d: {  	s11 =	rddreg [dreg:$0x9]  }
0x2e: {  	[tilespmem:s21], [sflag:$0x4] =	stream.linear.gather [hbm4b:s11+s2], $0x100, $0x38;
	[tilespmem:$0x1D400] =	vst v63  }
0x2f: {  	_ =	swait.ge [sflag:s22], $0x100  }
0x30: {  	[sflag:s22] =	ssyncset.done $0x0  }
0x31: {  	[sflag:s22] =	ssyncadd.s32 $0xFFFFFF00  }
0x32: {  	[tilespmem:s25], [sflag:$0x5] =	stream.indirect.gather [hbm4b:s4+s23], $0x80, s2, s23, $0xb8;
	[tilespmem:$0x1D400] =	vst v63  }
0x33: {  	_ =	swait.ge [sflag:s26], $0x100  }
0x34: {  	[sflag:s26] =	ssyncset.done $0x0  }
0x35: {  	[sflag:s26] =	ssyncadd.s32 $0xFFFFFF00  }
0x36: {  	[tilespmem:s28], [sflag:$0x6] =	stream.indirect.gather [hbm4b:s4+s23], $0x80, s19, s23, $0xb8;
	[tilespmem:$0x1D400] =	vst v63  }
0x37: {  	_ =	swait.ge [sflag:s29], $0x100  }
0x38: {  	[sflag:s29] =	ssyncset.done $0x0  }
0x39: {  	[sflag:s29] =	ssyncadd.s32 $0xFFFFFF00  }
0x3a: {  	[tilespmem:s30], [sflag:$0x7] =	stream.indirect.gather [hbm4b:s4+s23], $0x80, s20, s23, $0xb8;
	[tilespmem:$0x1D400] =	vst v63  }
0x3b: {  	_ =	swait.ge [sflag:s31], $0x2400  }
0x3c: {  	[sflag:s31] =	ssyncset.done $0x0  }
0x3d: {  	s15 =	simm.s32 $0x80;
	[sflag:s31] =	ssyncadd.s32 $0xFFFFDC00  }
0x3e: {  	[spmem:s1] =	stream.indirect.scatter.add.f32 [tilespmem:s25], [sflag:$0x9], $0x80, s15, s23, $0xb8;
	[tilespmem:$0x1D400] =	vst v63  }
0x3f: {  	_ =	swait.ge [sflag:s3], $0x100  }
0x40: {  	[sflag:s3] =	ssyncset.done $0x0  }
0x41: {  	[sflag:s3] =	ssyncadd.s32 $0xFFFFFF00  }
0x42: {  	[tilespmem:s5], [sflag:$0x8] =	stream.indirect.gather [hbm4b:s4+s23], $0x80, s21, s23, $0xb8;
	[tilespmem:$0x1D400] =	vst v63  }
0x43: {  	_ =	swait.ge [sflag:s8], $0x2400  }
0x44: {  	[sflag:s8] =	ssyncset.done $0x0  }
0x45: {  	s15 =	rddreg [dreg:$0xe];
	[sflag:s8] =	ssyncadd.s32 $0xFFFFDC00  }
0x46: {  	[tilespmem:s2], [sflag:$0x1] =	stream.linear.gather [hbm4b:s15+s2], $0x100, $0x38;
	[tilespmem:$0x1D400] =	vst v63  }
0x47: {  	_ =	swait.ge [sflag:s9], $0x2400  }
0x48: {  	[sflag:s9] =	ssyncset.done $0x0  }
0x49: {  	s16 =	simm.s32 $0x180;
	[sflag:s9] =	ssyncadd.s32 $0xFFFFDC00  }
0x4a: {  	[spmem:s1] =	stream.indirect.scatter.add.f32 [tilespmem:s28], [sflag:$0xA], $0x80, s16, s23, $0xb8;
	[tilespmem:$0x1D400] =	vst v63  }
0x4b: {  	_ =	swait.ge [sflag:s22], $0x100  }
0x4c: {  	[sflag:s22] =	ssyncset.done $0x0  }
0x4d: {  	[sflag:s22] =	ssyncadd.s32 $0xFFFFFF00  }
0x4e: {  	[tilespmem:s25], [sflag:$0x5] =	stream.indirect.gather [hbm4b:s4+s23], $0x80, s2, s23, $0xb8;
	[tilespmem:$0x1D400] =	vst v63  }
0x4f: {  	_ =	swait.ge [sflag:s12], $0x2400  }
0x50: {  	[sflag:s12] =	ssyncset.done $0x0  }
0x51: {  	s11 =	rddreg [dreg:$0xd];
	[sflag:s12] =	ssyncadd.s32 $0xFFFFDC00  }
0x52: {  	[tilespmem:s19], [sflag:$0x2] =	stream.linear.gather [hbm4b:s11+s2], $0x100, $0x38;
	[tilespmem:$0x1D400] =	vst v63  }
0x53: {  	_ =	swait.ge [sflag:s6], $0x2400  }
0x54: {  	[sflag:s6] =	ssyncset.done $0x0  }
0x55: {  	s17 =	simm.s32 $0x280;
	[sflag:s6] =	ssyncadd.s32 $0xFFFFDC00  }
0x56: {  	[spmem:s1] =	stream.indirect.scatter.add.f32 [tilespmem:s30], [sflag:$0xB], $0x80, s17, s23, $0xb8;
	[tilespmem:$0x1D400] =	vst v63  }
0x57: {  	_ =	swait.ge [sflag:s26], $0x100  }
0x58: {  	[sflag:s26] =	ssyncset.done $0x0  }
0x59: {  	[sflag:s26] =	ssyncadd.s32 $0xFFFFFF00  }
0x5a: {  	[tilespmem:s28], [sflag:$0x6] =	stream.indirect.gather [hbm4b:s4+s23], $0x80, s19, s23, $0xb8;
	[tilespmem:$0x1D400] =	vst v63  }
0x5b: {  	_ =	swait.ge [sflag:s7], $0x2400  }
0x5c: {  	[sflag:s7] =	ssyncset.done $0x0  }
0x5d: {  	s24 =	rddreg [dreg:$0xc];
	[sflag:s7] =	ssyncadd.s32 $0xFFFFDC00  }
0x5e: {  	[tilespmem:s20], [sflag:$0x3] =	stream.linear.gather [hbm4b:s24+s2], $0x100, $0x38;
	[tilespmem:$0x1D400] =	vst v63  }
0x5f: {  	_ =	swait.ge [sflag:s10], $0x2400  }
0x60: {  	[sflag:s10] =	ssyncset.done $0x0  }
0x61: {  	[sflag:s10] =	ssyncadd.s32 $0xFFFFDC00  }
0x62: {  	[spmem:s1] =	stream.indirect.scatter.add.f32 [tilespmem:s5], [sflag:$0xC], $0x80, s13, s23, $0xb8;
	[tilespmem:$0x1D400] =	vst v63  }
0x63: {  	_ =	swait.ge [sflag:s29], $0x100  }
0x64: {  	s18 =	rddreg [dreg:$0x8]  }
0x65: {  	[sflag:s29] =	ssyncset.done $0x0;
	p0 =	sne.s32 s18, $0x1  }
.Ltmp0:
0x66: {  	[sflag:s29] =	ssyncadd.s32 $0xFFFFFF00;
	(pc) =	sbr.rel @!p0 .LBB2_3-.Ltmp0, $4  }
0x67: {  	[tilespmem:s30], [sflag:$0x7] =	stream.indirect.gather [hbm4b:s4+s23], $0x80, s20, s23, $0xb8;
	[tilespmem:$0x1D400] =	vst v63  }
0x68: {  	s15 =	sadd.s32 $0x80, s15;
	s17 =	sadd.s32 $0x80, s11;
	_ =	swait.ge [sflag:s14], $0x2400  }
0x69: {  	s0 =	sadd.s32 $0x80, s24;
	[sflag:s14] =	ssyncset.done $0x0;
	s11 =	rddreg [dreg:$0xb]  }
0x6a: {  	s16 =	sadd.s32 $0xFFFFFFFF, s18;
	[sflag:s14] =	ssyncadd.s32 $0xFFFFDC00;
	s18 =	sadd.s32 $0x80, s11  }
.LBB2_2:
0x6b: {  	[tilespmem:s21], [sflag:$0x4] =	stream.linear.gather [hbm4b:s11+s2], $0x100, $0x38;
	[tilespmem:$0x1D400] =	vst v63  }
0x6c: {  	p0 =	sne.s32 s16, $0x1;
	s16 =	sadd.s32 $0xFFFFFFFF, s16;
	_ =	swait.ge [sflag:s31], $0x2400  }
0x6d: {  	s11 =	smov.u32 s18;
	[sflag:s31] =	ssyncset.done $0x0  }
0x6e: {  	s24 =	simm.s32 $0x80;
	[sflag:s31] =	ssyncadd.s32 $0xFFFFDC00  }
0x6f: {  	[spmem:s1] =	stream.indirect.scatter.add.f32 [tilespmem:s25], [sflag:$0x9], $0x80, s24, s23, $0xb8;
	[tilespmem:$0x1D400] =	vst v63  }
0x70: {  	_ =	swait.ge [sflag:s3], $0x100  }
0x71: {  	[sflag:s3] =	ssyncset.done $0x0  }
0x72: {  	[sflag:s3] =	ssyncadd.s32 $0xFFFFFF00  }
0x73: {  	[tilespmem:s5], [sflag:$0x8] =	stream.indirect.gather [hbm4b:s4+s23], $0x80, s21, s23, $0xb8;
	[tilespmem:$0x1D400] =	vst v63  }
0x74: {  	_ =	swait.ge [sflag:s8], $0x2400  }
0x75: {  	[sflag:s8] =	ssyncset.done $0x0  }
0x76: {  	[sflag:s8] =	ssyncadd.s32 $0xFFFFDC00  }
0x77: {  	[tilespmem:s2], [sflag:$0x1] =	stream.linear.gather [hbm4b:s15+s2], $0x100, $0x38;
	[tilespmem:$0x1D400] =	vst v63  }
0x78: {  	_ =	swait.ge [sflag:s9], $0x2400  }
0x79: {  	[sflag:s9] =	ssyncset.done $0x0  }
0x7a: {  	s24 =	simm.s32 $0x180;
	[sflag:s9] =	ssyncadd.s32 $0xFFFFDC00  }
0x7b: {  	[spmem:s1] =	stream.indirect.scatter.add.f32 [tilespmem:s28], [sflag:$0xA], $0x80, s24, s23, $0xb8;
	[tilespmem:$0x1D400] =	vst v63  }
0x7c: {  	_ =	swait.ge [sflag:s22], $0x100  }
0x7d: {  	[sflag:s22] =	ssyncset.done $0x0  }
0x7e: {  	[sflag:s22] =	ssyncadd.s32 $0xFFFFFF00  }
0x7f: {  	[tilespmem:s25], [sflag:$0x5] =	stream.indirect.gather [hbm4b:s4+s23], $0x80, s2, s23, $0xb8;
	[tilespmem:$0x1D400] =	vst v63  }
0x80: {  	_ =	swait.ge [sflag:s12], $0x2400  }
0x81: {  	[sflag:s12] =	ssyncset.done $0x0  }
0x82: {  	[sflag:s12] =	ssyncadd.s32 $0xFFFFDC00  }
0x83: {  	[tilespmem:s19], [sflag:$0x2] =	stream.linear.gather [hbm4b:s17+s2], $0x100, $0x38;
	[tilespmem:$0x1D400] =	vst v63  }
0x84: {  	_ =	swait.ge [sflag:s6], $0x2400  }
0x85: {  	[sflag:s6] =	ssyncset.done $0x0  }
0x86: {  	s24 =	simm.s32 $0x280;
	[sflag:s6] =	ssyncadd.s32 $0xFFFFDC00  }
0x87: {  	[spmem:s1] =	stream.indirect.scatter.add.f32 [tilespmem:s30], [sflag:$0xB], $0x80, s24, s23, $0xb8;
	[tilespmem:$0x1D400] =	vst v63  }
0x88: {  	_ =	swait.ge [sflag:s26], $0x100  }
0x89: {  	[sflag:s26] =	ssyncset.done $0x0  }
0x8a: {  	[sflag:s26] =	ssyncadd.s32 $0xFFFFFF00  }
0x8b: {  	[tilespmem:s28], [sflag:$0x6] =	stream.indirect.gather [hbm4b:s4+s23], $0x80, s19, s23, $0xb8;
	[tilespmem:$0x1D400] =	vst v63  }
0x8c: {  	_ =	swait.ge [sflag:s7], $0x2400  }
0x8d: {  	[sflag:s7] =	ssyncset.done $0x0  }
0x8e: {  	[sflag:s7] =	ssyncadd.s32 $0xFFFFDC00  }
0x8f: {  	[tilespmem:s20], [sflag:$0x3] =	stream.linear.gather [hbm4b:s0+s2], $0x100, $0x38;
	[tilespmem:$0x1D400] =	vst v63  }
0x90: {  	_ =	swait.ge [sflag:s10], $0x2400  }
0x91: {  	[sflag:s10] =	ssyncset.done $0x0  }
0x92: {  	[sflag:s10] =	ssyncadd.s32 $0xFFFFDC00  }
0x93: {  	[spmem:s1] =	stream.indirect.scatter.add.f32 [tilespmem:s5], [sflag:$0xC], $0x80, s13, s23, $0xb8;
	[tilespmem:$0x1D400] =	vst v63  }
0x94: {  	_ =	swait.ge [sflag:s29], $0x100  }
0x95: {  	[sflag:s29] =	ssyncset.done $0x0  }
.Ltmp1:
0x96: {  	[sflag:s29] =	ssyncadd.s32 $0xFFFFFF00;
	(pc) =	sbr.rel @p0 .LBB2_2-.Ltmp1, $4  }
0x97: {  	[tilespmem:s30], [sflag:$0x7] =	stream.indirect.gather [hbm4b:s4+s23], $0x80, s20, s23, $0xb8;
	[tilespmem:$0x1D400] =	vst v63  }
0x98: {  	_ =	swait.ge [sflag:s14], $0x2400  }
0x99: {  	s15 =	sadd.s32 $0x80, s15;
	s17 =	sadd.s32 $0x80, s17;
	[sflag:s14] =	ssyncset.done $0x0  }
0x9a: {  	s18 =	sadd.s32 $0x80, s18;
	s0 =	sadd.s32 $0x80, s0;
	[sflag:s14] =	ssyncadd.s32 $0xFFFFDC00  }
.LBB2_3:
0x9b: {  	[tilespmem:s21], [sflag:$0x4] =	stream.linear.gather [hbm4b:s11+s2], $0x100, $0x38;
	[tilespmem:$0x1D400] =	vst v63  }
0x9c: {  	_ =	swait.ge [sflag:s31], $0x2400  }
0x9d: {  	[sflag:s31] =	ssyncset.done $0x0  }
0x9e: {  	s0 =	simm.s32 $0x80;
	s16 =	simm.s32 $0xD;
	[sflag:s31] =	ssyncadd.s32 $0xFFFFDC00  }
0x9f: {  	[spmem:s1] =	stream.indirect.scatter.add.f32 [tilespmem:s25], [sflag:$0xD], $0x80, s0, s23, $0xb8;
	[tilespmem:$0x1D400] =	vst v63  }
0xa0: {  	_ =	swait.ge [sflag:s16], $0x2400  }
0xa1: {  	[sflag:s16] =	ssyncset.done $0x0  }
0xa2: {  	[sflag:s16] =	ssyncadd.s32 $0xFFFFDC00  }
0xa3: {  	_ =	swait.ge [sflag:s9], $0x2400  }
0xa4: {  	[sflag:s9] =	ssyncset.done $0x0  }
0xa5: {  	s15 =	simm.s32 $0x180;
	[sflag:s9] =	ssyncadd.s32 $0xFFFFDC00  }
0xa6: {  	[spmem:s1] =	stream.indirect.scatter.add.f32 [tilespmem:s28], [sflag:$0xD], $0x80, s15, s23, $0xb8;
	[tilespmem:$0x1D400] =	vst v63  }
0xa7: {  	_ =	swait.ge [sflag:s16], $0x2400  }
0xa8: {  	[sflag:s16] =	ssyncset.done $0x0  }
0xa9: {  	[sflag:s16] =	ssyncadd.s32 $0xFFFFDC00  }
0xaa: {  	_ =	swait.ge [sflag:s6], $0x2400  }
0xab: {  	[sflag:s6] =	ssyncset.done $0x0  }
0xac: {  	s17 =	simm.s32 $0x280;
	[sflag:s6] =	ssyncadd.s32 $0xFFFFDC00  }
0xad: {  	[spmem:s1] =	stream.indirect.scatter.add.f32 [tilespmem:s30], [sflag:$0xD], $0x80, s17, s23, $0xb8;
	[tilespmem:$0x1D400] =	vst v63  }
0xae: {  	_ =	swait.ge [sflag:s16], $0x2400  }
0xaf: {  	[sflag:s16] =	ssyncset.done $0x0  }
0xb0: {  	[sflag:s16] =	ssyncadd.s32 $0xFFFFDC00  }
0xb1: {  	_ =	swait.ge [sflag:s3], $0x100  }
0xb2: {  	[sflag:s3] =	ssyncset.done $0x0  }
0xb3: {  	[sflag:s3] =	ssyncadd.s32 $0xFFFFFF00  }
0xb4: {  	[tilespmem:s5], [sflag:$0xD] =	stream.indirect.gather [hbm4b:s4+s23], $0x80, s21, s23, $0xb8;
	[tilespmem:$0x1D400] =	vst v63  }
0xb5: {  	_ =	swait.ge [sflag:s16], $0x2400  }
0xb6: {  	[sflag:s16] =	ssyncset.done $0x0  }
0xb7: {  	[sflag:s16] =	ssyncadd.s32 $0xFFFFDC00  }
0xb8: {  	[spmem:s1] =	stream.indirect.scatter.add.f32 [tilespmem:s5], [sflag:$0xD], $0x80, s13, s23, $0xb8;
	[tilespmem:$0x1D400] =	vst v63  }
0xb9: {  	_ =	swait.ge [sflag:s16], $0x2400  }
0xba: {  	[sflag:s16] =	ssyncset.done $0x0  }
0xbb: {  	[sflag:s16] =	ssyncadd.s32 $0xFFFFDC00  }
0xbc: {  	[bflag:$0x0] =	sbarrier.arrive $0xFFFF  }
0xbd: {  	s15 =	rddreg [dreg:$0x5]  }
0xbe: {  	s11 =	rddreg [dreg:$0xf]  }
0xbf: {  	s18 =	rddreg [dreg:$0x10]  }
0xc0: {  	[hbm:s18], [sflag:s15] =	dma.local [spmem:s11], $0x2800  }
0xc1: {  	_ =	swait.ge [sflag:s16], $0x2800  }
0xc2: {  	s17 =	rddreg [dreg:$0x11]  }
0xc3: {  	s24 =	rddreg [dreg:$0xa];
	s17 =	sadd.s32 $0x1, s17  }
0xc4: {  	p0 =	sne.s32 s17, s24  }
.Ltmp2:
0xc5: {  	_ = 	snop;
	(pc) =	sbr.rel @p0 .LBB2_1-.Ltmp2, $3  }
0xc6: {  	_ =	sdelay $0x1  }
0xc7: {  	[sflag:s16] =	ssyncset.done $0x0  }
0xc8: {  	[sflag:s16] =	ssyncadd.s32 $0xFFFFD800  }
0xc9: {  	_ =	sfence.sel $0x180000  }
0xca: {  	[bflag:$0x0] =	sbarrier.arrive $0xFFFF  }
0xcb: {  	_ =	strace $0x9000004A  }
0xcc: {  	s0 =	stileid.u32;
	[bflag:$0x2] =	sbarrier.arrive $0xFFFF  }
0xcd: {  	p0 =	sne.s32 s0, $0x0;
	s0 =	rddreg [dreg:$0x2]  }
0xce: {  	s0 =	sadd.s32 @!p0 $0x100000, s0  }
0xcf: {  	[sflag:s0] =	ssyncadd.tile.s32 @!p0 $0x1;
	_ =	shalt  }
.Lfunc_end2:
_tile_overlayer_lowered:
.L_overlay_start_2:
0xd0: {  	(tag) =	ssettag $0x2  }
0xd1: {  	s0 =	rddreg [dreg:$0x0];
	s2 =	stileid.u32  }
0xd2: {  	s1 =	rddreg [dreg:$0x1];
	p0 =	sne.s32 s2, $0x0  }
0xd3: {  	s3 =	rddreg [dreg:$0x2];
	[bflag:$0x3] =	sbarrier.arrive $0xFFFF;
	s2 =	simm.s32 @!p0 $0x1C0D  }
0xd4: {  	[timem:s3], [sflag:s2] =	dma.local @!p0 [hbm:s0], s1  }
0xd5: {  	s0 =	simm.s32 @!p0 $0xD  }
0xd6: {  	_ =	swait.ge @!p0 [sflag:s0], s1  }
0xd7: {  	s1 =	ssub.s32 @!p0 $0x0, s1;
	[sflag:s0] =	ssyncset.done @!p0 $0x0  }
0xd8: {  	[sflag:s0] =	ssyncadd.s32 @!p0 s1  }
0xd9: {  	[bflag:$0x3] =	sbarrier.arrive $0xFFFF  }
0xda: {  	_ =	shalt  }

// kernel: kernel.15.cloned.1.call-start
scs
__scs_entry_jumppad:
0x0: {  	(pc) =	sbr.rel $0x88, $3  }
0x1: {  	(tag) =	ssettag $0x0;
	lr =	simm.s32 $0x1  }
0x2: {  	[smem:$0x3F9B] =	sst lr;
	_ =	strace $0xD0000000  }
0x3: {  	_ = 	snop  }
0x4: {  	_ = 	snop  }
0x5: {  	_ = 	snop  }
0x6: {  	_ = 	snop  }
0x7: {  	_ = 	snop  }
__scs_overlays_trampoline_lowered:
0x8: {  	[smem:$0x3FAA] =	sst s0  }
0x9: {  	[smem:$0x3FAB] =	sst s1  }
0xa: {  	[smem:$0x3FAC] =	sst s2  }
0xb: {  	[smem:$0x3FAD] =	sst s3  }
0xc: {  	[smem:$0x3FAE] =	sst s4  }
0xd: {  	[smem:$0x3FAF] =	sst s5  }
0xe: {  	[smem:$0x3FB0] =	sst s6  }
0xf: {  	[smem:$0x3FB1] =	sst s7  }
0x10: {  	[smem:$0x3FB2] =	sst s8  }
0x11: {  	[smem:$0x3FB3] =	sst s9;
	s0 =	simm.s32 @!p0 $0x0  }
0x12: {  	s1 =	sld [smem:$0x3F99];
	s0 =	simm.s32 @p0 $0x1  }
0x13: {  	[smem:$0x3FB4] =	sst s0;
	s0 =	simm.s32 @!p1 $0x0  }
0x14: {  	s2 =	sld [smem:$0x3F98];
	s0 =	simm.s32 @p1 $0x1  }
0x15: {  	[smem:$0x3FB5] =	sst s0;
	s0 =	simm.s32 @!p2 $0x0  }
0x16: {  	s3 =	sld [smem:$0x3FDB];
	s0 =	simm.s32 @p2 $0x1  }
0x17: {  	s4 =	simm.s32 $0x1BF5;
	[smem:$0x3FB7] =	sst s0  }
0x18: {  	s0 =	sld [smem:$0x3F9A];
	_ =	swait.ge [sflag:s4], $0x0  }
0x19: {  	s7 =	sld [smem:$0x3F9B]  }
0x1a: {  	s8 =	sadd.s32 $0xFFFFE003, lr  }
0x1b: {  	s9 =	sadd.s32 $0xFFFFFEF7, lr;
	s5 =	simm.s32 $0xFFFFFFFF;
	p2 =	slt.u32 s8, $0xFFFFF086  }
0x1c: {  	p1 =	slt.u32 s9, $0xF7A;
	s5 =	simm.s32 @!p2 $0x0  }
0x1d: {  	s5 =	simm.s32 @p1 $0x1;
	p0 =	seq.s32 s7, s2  }
0x1e: {  	s7 =	smul.u32 @!p0 $0xF7A, s2;
	p2 =	seq.s32 @!p0 s5, $0x0  }
0x1f: {  	s9 =	smul.u32 $0xF7A, s1;
	s8 =	simm.s32 @!p0 $0x1BF5;
	p2 =	por !p2, p0  }
0x20: {  	[sflag:s8] =	ssyncset.s32 @!p0 $0xFFFFF086;
	s6 =	sadd.s32 @!p0 s3, s7;
	s7 =	simm.s32 @!p0 $0x108  }
0x21: {  	s3 =	sadd.s32 s3, s9;
	s6 =	sadd.s32 @!p0 $0x88, s6;
	s7 =	simm.s32 @p2 $0x1082  }
0x22: {  	[simem:s7], [sflag:s8] =	dma.local @!p0 [hbm:s6], $0xF7A  }
0x23: {  	s9 =	sor.u32 $0xD0000000, s2;
	s6 =	simm.s32 $0x108;
	_ =	swait.ge @!p0 [sflag:s8], $0x0  }
0x24: {  	s3 =	sadd.s32 $0x88, s3;
	s6 =	simm.s32 @!p1 $0x1082;
	[sflag:s4] =	ssyncset.s32 $0xFFFFF086  }
0x25: {  	[simem:s6], [sflag:s4] =	dma.local [hbm:s3], $0xF7A  }
0x26: {  	[smem:$0x3F9B] =	sst s1;
	(tag) =	ssettag s2;
	_ =	strace s9  }
0x27: {  	s1 =	sld [smem:$0x3FAB]  }
0x28: {  	s2 =	sld [smem:$0x3FAC]  }
0x29: {  	s4 =	sld [smem:$0x3FAE]  }
0x2a: {  	p0 =	seq.s32 s5, $0x0;
	s5 =	sld [smem:$0x3FAF]  }
0x2b: {  	s6 =	sld [smem:$0x3FB0]  }
0x2c: {  	s7 =	sld [smem:$0x3FB1]  }
0x2d: {  	s3 =	simm.s32 $0x108;
	s8 =	sld [smem:$0x3FB2]  }
0x2e: {  	s3 =	simm.s32 @!p0 $0x1082;
	s9 =	sld [smem:$0x3FB3]  }
0x2f: {  	lr =	sadd.s32 s0, s3;
	s0 =	sld [smem:$0x3FAA]  }
0x30: {  	s3 =	sld [smem:$0x3FAD]  }
0x31: {  	[smem:$0x3FB6] =	sst s10  }
0x32: {  	s10 =	sld [smem:$0x3FB4];
	_ =	sdelay $0x3  }
0x33: {  	p0 =	seq.s32 s10, $0x1;
	s10 =	sld [smem:$0x3FB6];
	_ =	sdelay $0x3  }
0x34: {  	[smem:$0x3FB6] =	sst s10  }
0x35: {  	s10 =	sld [smem:$0x3FB5];
	_ =	sdelay $0x3  }
0x36: {  	p1 =	seq.s32 s10, $0x1;
	s10 =	sld [smem:$0x3FB6];
	_ =	sdelay $0x3  }
0x37: {  	[smem:$0x3FB6] =	sst s10  }
0x38: {  	s10 =	sld [smem:$0x3FB7]  }
0x39: {  	_ = 	snop;
	(pc) =	sbr.ind lr, $3  }
0x3a: {  	_ = 	snop  }
0x3b: {  	_ = 	snop  }
0x3c: {  	p2 =	seq.s32 s10, $0x1;
	s10 =	sld [smem:$0x3FB6]  }
0x3d: {  	_ =	shalt  }
0x3e: {  	_ =	shalt  }
0x3f: {  	_ =	shalt  }
0x40: {  	_ =	shalt  }
0x41: {  	_ =	shalt  }
0x42: {  	_ =	shalt  }
0x43: {  	_ =	shalt  }
0x44: {  	_ =	shalt  }
0x45: {  	_ =	shalt  }
0x46: {  	_ =	shalt  }
0x47: {  	_ =	shalt  }
0x48: {  	_ =	shalt  }
0x49: {  	_ =	shalt  }
0x4a: {  	_ =	shalt  }
0x4b: {  	_ =	shalt  }
0x4c: {  	_ =	shalt  }
0x4d: {  	_ =	shalt  }
0x4e: {  	_ =	shalt  }
0x4f: {  	_ =	shalt  }
0x50: {  	_ =	shalt  }
0x51: {  	_ =	shalt  }
0x52: {  	_ =	shalt  }
0x53: {  	_ =	shalt  }
0x54: {  	_ =	shalt  }
0x55: {  	_ =	shalt  }
0x56: {  	_ =	shalt  }
0x57: {  	_ =	shalt  }
0x58: {  	_ =	shalt  }
0x59: {  	_ =	shalt  }
0x5a: {  	_ =	shalt  }
0x5b: {  	_ =	shalt  }
0x5c: {  	_ =	shalt  }
0x5d: {  	_ =	shalt  }
0x5e: {  	_ =	shalt  }
0x5f: {  	_ =	shalt  }
0x60: {  	_ =	shalt  }
0x61: {  	_ =	shalt  }
0x62: {  	_ =	shalt  }
0x63: {  	_ =	shalt  }
0x64: {  	_ =	shalt  }
0x65: {  	_ =	shalt  }
0x66: {  	_ =	shalt  }
0x67: {  	_ =	shalt  }
0x68: {  	_ =	shalt  }
0x69: {  	_ =	shalt  }
0x6a: {  	_ =	shalt  }
0x6b: {  	_ =	shalt  }
0x6c: {  	_ =	shalt  }
0x6d: {  	_ =	shalt  }
0x6e: {  	_ =	shalt  }
0x6f: {  	_ =	shalt  }
0x70: {  	_ =	shalt  }
0x71: {  	_ =	shalt  }
0x72: {  	_ =	shalt  }
0x73: {  	_ =	shalt  }
0x74: {  	_ =	shalt  }
0x75: {  	_ =	shalt  }
0x76: {  	_ =	shalt  }
0x77: {  	_ =	shalt  }
0x78: {  	_ =	shalt  }
0x79: {  	_ =	shalt  }
0x7a: {  	_ =	shalt  }
0x7b: {  	_ =	shalt  }
0x7c: {  	_ =	shalt  }
0x7d: {  	_ =	shalt  }
0x7e: {  	_ =	shalt  }
0x7f: {  	_ =	shalt  }
0x80: {  	_ =	shalt  }
0x81: {  	_ =	shalt  }
0x82: {  	_ =	shalt  }
0x83: {  	_ =	shalt  }
0x84: {  	_ =	shalt  }
0x85: {  	_ =	shalt  }
0x86: {  	_ =	shalt  }
0x87: {  	_ =	shalt  }
.Lfunc_end0:
.L_simem_size_0:
called_computation.2_lowered:
.L_overlay_start_0:
0x88: {  	s2 =	sld [smem:$0x3FD9]  }
0x89: {  	s3 =	sld [smem:$0x3FFE];
	_ =	sdelay $0x1  }
0x8a: {  	s1 =	srdreg.scid  }
0x8b: {  	s0 =	sand.u32 $0x1, s1  }
0x8c: {  	s16 =	sshll.u32 s0, $0xA;
	s2 =	sadd.s32 s3, s2  }
0x8d: {  	s2 =	sadd.s32 s2, s16  }
0x8e: {  	[smem:$0x3FC2] =	sst s2  }
0x8f: {  	_ = 	snop  }
0x90: {  	(tm) =	ssettm $0x1  }
0x91: {  	s17 =	sld [smem:$0x3FFB];
	_ =	sdelay $0x3  }
0x92: {  	_ =	strace s17  }
0x93: {  	s2 =	sld [smem:$0x3FFC];
	_ =	sdelay $0x3  }
0x94: {  	_ =	strace s2  }
0x95: {  	s2 =	sld [smem:$0x3FFD];
	_ =	sdelay $0x3  }
0x96: {  	_ =	strace s2  }
0x97: {  	_ =	strace $0x8FFFFFFF  }
0x98: {  	s18 =	sld [smem:$0x3FDB];
	_ =	sdelay $0x1  }
0x99: {  	s19 =	simm.s32 $_scs_section_size  }
0x9a: {  	s4 =	simm.s32 $_size__tile_overlayer_lowered;
	s5 =	simm.s32 $_tile_overlayer_lowered  }
0x9b: {  	s22 =	simm.s32 $0x1BFF;
	s21 =	sshll.u32 s5, $0x1;
	s2 =	sadd.s32 s19, s18  }
0x9c: {  	s6 =	simm.s32 $0x0;
	s20 =	sshll.u32 s4, $0x1;
	s4 =	sadd.s32 s21, s2  }
0x9d: {  	[timem:s6], [sflag:s22] =	dma.local [hbm:s4], s20  }
0x9e: {  	_ =	swait.ge [sflag:s22], s20  }
0x9f: {  	s3 =	ssub.s32 $0x0, s20;
	[sflag:s22] =	ssyncset.done $0x0  }
0xa0: {  	[sflag:s22] =	ssyncadd.s32 s3;
	_ =	sdelay $0x1  }
0xa1: {  	s23 =	simm.s32 $0x1B8B  }
0xa2: {  	_ =	swait.ge [sflag:s23], $0x1  }
0xa3: {  	[sflag:s23] =	ssyncset.done $0x0  }
0xa4: {  	s25 =	simm.s32 $0x1B8E;
	s24 =	sld [smem:$0x3FFE];
	[sflag:s23] =	ssyncadd.s32 $0xFFFFFFFF  }
0xa5: {  	s26 =	simm.s32 $execute0_lowered;
	[smem:$0x3FD2] =	sst s25  }
0xa6: {  	s4 =	sshll.u32 s26, $0x1;
	_ =	strace $0x8000004C;
	[dreg:$0x1] =	wrdreg $0xFFFFFFFF  }
0xa7: {  	s28 =	simm.s32 $_size_execute0_lowered;
	s2 =	sadd.s32 s2, s4;
	[dreg:$0x0] =	wrdreg $0x0  }
0xa8: {  	s4 =	sshll.u32 s28, $0x1;
	[dreg:$0x2] =	wrdreg s2  }
0xa9: {  	[dreg:$0x3] =	wrdreg s4  }
0xaa: {  	[dreg:$0x4] =	wrdreg $0xC0  }
0xab: {  	_ =	task [dreg:s6], $0x5FFFF  }
0xac: {  	[dreg:$0x1] =	wrdreg $0xFFFFFFFF  }
0xad: {  	[dreg:$0x0] =	wrdreg $0x60  }
0xae: {  	[dreg:$0x2] =	wrdreg s24  }
0xaf: {  	[dreg:$0x3] =	wrdreg $0x94000  }
0xb0: {  	[dreg:$0x4] =	wrdreg $0x9  }
0xb1: {  	_ =	task.clear_ibuf [dreg:s6], $0x5FFFF;
	_ =	strace $0x9000004C  }
0xb2: {  	s29 =	simm.s32 $0x9;
	_ =	strace $0x8000004E  }
0xb3: {  	_ =	swait.ge [sflag:s29], $0x1  }
0xb4: {  	[sflag:s29] =	ssyncadd.s32 $0xFFFFFFFF  }
0xb5: {  	_ =	strace $0x9000004E  }
0xb6: {  	_ =	sfence  }
0xb7: {  	s30 =	sld [smem:$0x0];
	_ =	sdelay $0x2  }
0xb8: {  	s31 =	sshll.u32 s1, $0xD;
	s1 =	sshrl.u32 s1, $0x2  }
0xb9: {  	s3 =	sand.u32 $0x4000, s31;
	s1 =	sadd.s32 s1, s30  }
0xba: {  	s0 =	sor.u32 s3, s0;
	s1 =	sshll.u32 s1, $0x11  }
0xbb: {  	s0 =	sor.u32 s1, s0  }
0xbc: {  	s0 =	sadd.s32 $0x8F2B, s0  }
0xbd: {  	[sflag:s0] =	ssyncadd.remote.s32 $0x1  }
0xbe: {  	_ =	sfence.sel $0xFFFF  }
0xbf: {  	[dreg:$0x0] =	wrdreg $0xFFFFFFFF;
	(pc) =	sbr.abs _section_cstart, $3  }
0xc0: {  	[dreg:$0x1] =	wrdreg $0xFFFFFFFF  }
0xc1: {  	_ =	task.clear_ibuf [dreg:s6], $0x2FFFF;
	_ =	strace $0x9FFFFFFF  }
0xc2: {  	(tm) =	ssettm $0x7FFFFFFF  }
0xc3: {  	_ =	shalt  }
tec
execute0_lowered:
.L_overlay_start_1:
0x0: {  	(tag) =	ssettag $0x1  }
0x1: {  	s0 =	rddreg [dreg:$0x0]  }
0x2: {  	s1 =	rddreg [dreg:$0x1]  }
0x3: {  	s2 =	simm.s32 $0x0;
	s3 =	srdreg.scid;
	s11 =	stileid.u32  }
0x4: {  	s19 =	simm.s32 $0x100;
	s20 =	simm.s32 $0x200;
	s28 =	simm.s32 $0x2800  }
0x5: {  	s29 =	simm.s32 $0x3;
	s30 =	simm.s32 $0x4C00;
	s31 =	simm.s32 $0x5  }
0x6: {  	[smem:$0x7FF] =	sst s2;
	s4 =	sadd.s32 $0x4800, s0;
	s9 =	smul.u32 $0x50000, s11  }
0x7: {  	s3 =	sand.u32 $0x1, s3;
	s5 =	sadd.s32 $0x54800, s0;
	s24 =	smul.u32 $0x17000, s11  }
0x8: {  	s7 =	sshll.u32 s11, $0x1;
	s10 =	sadd.s32 $0x2000, s0;
	s18 =	smul.u32 $0x2800, s11  }
0x9: {  	s25 =	sshll.u32 s11, $0x6;
	_ =	strace $0x8000004D;
	s6 =	smul.u32 $0x28000, s3  }
0xa: {  	s8 =	ssub.s32 $0x2, s3;
	s7 =	sor.u32 s3, s7;
	[dreg:$0x3] =	wrdreg s10  }
0xb: {  	s26 =	smul.u32 $0xB800, s3;
	s15 =	sor.u32 $0x1C0D, s25;
	p0 =	seq.s32 s3, $0x0  }
0xc: {  	s21 =	sshrl.u32 s8, $0x1;
	s7 =	smul.u32 $0xB800, s7;
	s23 =	sshrl.u32 s9, $0x2  }
0xd: {  	s9 =	simm.s32 $0x6;
	[dreg:$0x5] =	wrdreg s15;
	s0 =	sadd.s32 s6, s0  }
0xe: {  	s22 =	ssub.s32 s8, s21;
	s8 =	sadd.s32 s23, s1;
	s14 =	sadd.s32 s26, s24  }
0xf: {  	s21 =	simm.s32 $0x300;
	s7 =	sshrl.u32 s7, $0x3;
	s17 =	sor.u32 $0x700, s14  }
0x10: {  	s0 =	sadd.s32 $0x82800, s0;
	s6 =	smax.u32 s22, $0x1;
	s24 =	sor.u32 $0x600, s14  }
0x11: {  	s25 =	sor.u32 $0x500, s14;
	s3 =	sor.u32 $0x400, s14;
	s11 =	sshrl.u32 s8, $0x3  }
0x12: {  	s22 =	simm.s32 $0x1;
	s8 =	simm.s32 $0x9;
	s14 =	simm.s32 $0xC  }
0x13: {  	s12 =	sadd.s32 s5, s7;
	s7 =	sshrl.u32 s17, $0x3;
	[dreg:$0xa] =	wrdreg s6  }
0x14: {  	s6 =	sshrl.u32 s24, $0x3;
	s26 =	sshrl.u32 s25, $0x3;
	[dreg:$0xf] =	wrdreg s11  }
0x15: {  	s3 =	sshrl.u32 s3, $0x3;
	s0 =	sadd.s32 s18, s0;
	[dreg:$0x4] =	wrdreg s12  }
0x16: {  	s25 =	simm.s32 $0x400;
	s10 =	sadd.s32 $0x20, s12;
	[dreg:$0x10] =	wrdreg s0  }
0x17: {  	s17 =	simm.s32 $0x0;
	s13 =	sadd.s32 $0x40, s12;
	[dreg:$0x6] =	wrdreg s10  }
0x18: {  	s16 =	sadd.s32 $0x60, s12;
	s23 =	sadd.s32 s7, s5;
	[dreg:$0x7] =	wrdreg s13  }
0x19: {  	s6 =	sadd.s32 s6, s5;
	s3 =	sadd.s32 s3, s5;
	[dreg:$0x9] =	wrdreg s16  }
0x1a: {  	s12 =	simm.s32 $0xA;
	s7 =	simm.s32 $0xB;
	[dreg:$0xb] =	wrdreg s23  }
0x1b: {  	s10 =	simm.s32 $0x2D;
	[dreg:$0xc] =	wrdreg s6;
	s6 =	sadd.s32 s26, s5  }
0x1c: {  	[dreg:$0xe] =	wrdreg s3;
	s16 =	simm.s32 $0xD;
	s23 =	simm.s32 $0x48  }
0x1d: {  	s26 =	simm.s32 $0x2;
	s3 =	simm.s32 $0x4;
	s5 =	simm.s32 $0x7000  }
0x1e: {  	s13 =	simm.s32 $0x380;
	s10 =	simm.s32 @!p0 $0x17;
	[dreg:$0xd] =	wrdreg s6  }
0x1f: {  	s6 =	simm.s32 $0x7;
	[dreg:$0x8] =	wrdreg s10;
	s10 =	simm.s32 $0x8  }
.LBB2_1:
0x20: {  	[dreg:$0x11] =	wrdreg s17  }
0x21: {  	s0 =	rddreg [dreg:$0x3]  }
0x22: {  	[spmem:s11], [sflag:s15] =	dma.local [hbm:s0], $0x2800  }
0x23: {  	_ =	swait.ge [sflag:s16], $0x2800  }
0x24: {  	[sflag:s16] =	ssyncset.done $0x0  }
0x25: {  	[sflag:s16] =	ssyncadd.s32 $0xFFFFD800  }
0x26: {  	[bflag:$0x0] =	sbarrier.arrive $0xFFFF  }
0x27: {  	s17 =	rddreg [dreg:$0x4]  }
0x28: {  	[tilespmem:s2], [sflag:$0x1] =	stream.linear.gather [hbm4b:s17+s2], $0x100, $0x38;
	[tilespmem:$0x1D400] =	vst v63  }
0x29: {  	s18 =	rddreg [dreg:$0x6]  }
0x2a: {  	[tilespmem:s19], [sflag:$0x2] =	stream.linear.gather [hbm4b:s18+s2], $0x100, $0x38;
	[tilespmem:$0x1D400] =	vst v63  }
0x2b: {  	s24 =	rddreg [dreg:$0x7]  }
0x2c: {  	[tilespmem:s20], [sflag:$0x3] =	stream.linear.gather [hbm4b:s24+s2], $0x100, $0x38;
	[tilespmem:$0x1D400] =	vst v63  }
0x2d: {  	s11 =	rddreg [dreg:$0x9]  }
0x2e: {  	[tilespmem:s21], [sflag:$0x4] =	stream.linear.gather [hbm4b:s11+s2], $0x100, $0x38;
	[tilespmem:$0x1D400] =	vst v63  }
0x2f: {  	_ =	swait.ge [sflag:s22], $0x100  }
0x30: {  	[sflag:s22] =	ssyncset.done $0x0  }
0x31: {  	[sflag:s22] =	ssyncadd.s32 $0xFFFFFF00  }
0x32: {  	[tilespmem:s25], [sflag:$0x5] =	stream.indirect.gather [hbm4b:s4+s23], $0x80, s2, s23, $0xb8;
	[tilespmem:$0x1D400] =	vst v63  }
0x33: {  	_ =	swait.ge [sflag:s26], $0x100  }
0x34: {  	[sflag:s26] =	ssyncset.done $0x0  }
0x35: {  	[sflag:s26] =	ssyncadd.s32 $0xFFFFFF00  }
0x36: {  	[tilespmem:s28], [sflag:$0x6] =	stream.indirect.gather [hbm4b:s4+s23], $0x80, s19, s23, $0xb8;
	[tilespmem:$0x1D400] =	vst v63  }
0x37: {  	_ =	swait.ge [sflag:s29], $0x100  }
0x38: {  	[sflag:s29] =	ssyncset.done $0x0  }
0x39: {  	[sflag:s29] =	ssyncadd.s32 $0xFFFFFF00  }
0x3a: {  	[tilespmem:s30], [sflag:$0x7] =	stream.indirect.gather [hbm4b:s4+s23], $0x80, s20, s23, $0xb8;
	[tilespmem:$0x1D400] =	vst v63  }
0x3b: {  	_ =	swait.ge [sflag:s31], $0x2400  }
0x3c: {  	[sflag:s31] =	ssyncset.done $0x0  }
0x3d: {  	s15 =	simm.s32 $0x80;
	[sflag:s31] =	ssyncadd.s32 $0xFFFFDC00  }
0x3e: {  	[spmem:s1] =	stream.indirect.scatter.add.f32 [tilespmem:s25], [sflag:$0x9], $0x80, s15, s23, $0xb8;
	[tilespmem:$0x1D400] =	vst v63  }
0x3f: {  	_ =	swait.ge [sflag:s3], $0x100  }
0x40: {  	[sflag:s3] =	ssyncset.done $0x0  }
0x41: {  	[sflag:s3] =	ssyncadd.s32 $0xFFFFFF00  }
0x42: {  	[tilespmem:s5], [sflag:$0x8] =	stream.indirect.gather [hbm4b:s4+s23], $0x80, s21, s23, $0xb8;
	[tilespmem:$0x1D400] =	vst v63  }
0x43: {  	_ =	swait.ge [sflag:s8], $0x2400  }
0x44: {  	[sflag:s8] =	ssyncset.done $0x0  }
0x45: {  	s15 =	rddreg [dreg:$0xe];
	[sflag:s8] =	ssyncadd.s32 $0xFFFFDC00  }
0x46: {  	[tilespmem:s2], [sflag:$0x1] =	stream.linear.gather [hbm4b:s15+s2], $0x100, $0x38;
	[tilespmem:$0x1D400] =	vst v63  }
0x47: {  	_ =	swait.ge [sflag:s9], $0x2400  }
0x48: {  	[sflag:s9] =	ssyncset.done $0x0  }
0x49: {  	s16 =	simm.s32 $0x180;
	[sflag:s9] =	ssyncadd.s32 $0xFFFFDC00  }
0x4a: {  	[spmem:s1] =	stream.indirect.scatter.add.f32 [tilespmem:s28], [sflag:$0xA], $0x80, s16, s23, $0xb8;
	[tilespmem:$0x1D400] =	vst v63  }
0x4b: {  	_ =	swait.ge [sflag:s22], $0x100  }
0x4c: {  	[sflag:s22] =	ssyncset.done $0x0  }
0x4d: {  	[sflag:s22] =	ssyncadd.s32 $0xFFFFFF00  }
0x4e: {  	[tilespmem:s25], [sflag:$0x5] =	stream.indirect.gather [hbm4b:s4+s23], $0x80, s2, s23, $0xb8;
	[tilespmem:$0x1D400] =	vst v63  }
0x4f: {  	_ =	swait.ge [sflag:s12], $0x2400  }
0x50: {  	[sflag:s12] =	ssyncset.done $0x0  }
0x51: {  	s11 =	rddreg [dreg:$0xd];
	[sflag:s12] =	ssyncadd.s32 $0xFFFFDC00  }
0x52: {  	[tilespmem:s19], [sflag:$0x2] =	stream.linear.gather [hbm4b:s11+s2], $0x100, $0x38;
	[tilespmem:$0x1D400] =	vst v63  }
0x53: {  	_ =	swait.ge [sflag:s6], $0x2400  }
0x54: {  	[sflag:s6] =	ssyncset.done $0x0  }
0x55: {  	s17 =	simm.s32 $0x280;
	[sflag:s6] =	ssyncadd.s32 $0xFFFFDC00  }
0x56: {  	[spmem:s1] =	stream.indirect.scatter.add.f32 [tilespmem:s30], [sflag:$0xB], $0x80, s17, s23, $0xb8;
	[tilespmem:$0x1D400] =	vst v63  }
0x57: {  	_ =	swait.ge [sflag:s26], $0x100  }
0x58: {  	[sflag:s26] =	ssyncset.done $0x0  }
0x59: {  	[sflag:s26] =	ssyncadd.s32 $0xFFFFFF00  }
0x5a: {  	[tilespmem:s28], [sflag:$0x6] =	stream.indirect.gather [hbm4b:s4+s23], $0x80, s19, s23, $0xb8;
	[tilespmem:$0x1D400] =	vst v63  }
0x5b: {  	_ =	swait.ge [sflag:s7], $0x2400  }
0x5c: {  	[sflag:s7] =	ssyncset.done $0x0  }
0x5d: {  	s24 =	rddreg [dreg:$0xc];
	[sflag:s7] =	ssyncadd.s32 $0xFFFFDC00  }
0x5e: {  	[tilespmem:s20], [sflag:$0x3] =	stream.linear.gather [hbm4b:s24+s2], $0x100, $0x38;
	[tilespmem:$0x1D400] =	vst v63  }
0x5f: {  	_ =	swait.ge [sflag:s10], $0x2400  }
0x60: {  	[sflag:s10] =	ssyncset.done $0x0  }
0x61: {  	[sflag:s10] =	ssyncadd.s32 $0xFFFFDC00  }
0x62: {  	[spmem:s1] =	stream.indirect.scatter.add.f32 [tilespmem:s5], [sflag:$0xC], $0x80, s13, s23, $0xb8;
	[tilespmem:$0x1D400] =	vst v63  }
0x63: {  	_ =	swait.ge [sflag:s29], $0x100  }
0x64: {  	s18 =	rddreg [dreg:$0x8]  }
0x65: {  	[sflag:s29] =	ssyncset.done $0x0;
	p0 =	sne.s32 s18, $0x1  }
.Ltmp0:
0x66: {  	[sflag:s29] =	ssyncadd.s32 $0xFFFFFF00;
	(pc) =	sbr.rel @!p0 .LBB2_3-.Ltmp0, $4  }
0x67: {  	[tilespmem:s30], [sflag:$0x7] =	stream.indirect.gather [hbm4b:s4+s23], $0x80, s20, s23, $0xb8;
	[tilespmem:$0x1D400] =	vst v63  }
0x68: {  	s15 =	sadd.s32 $0x80, s15;
	s17 =	sadd.s32 $0x80, s11;
	_ =	swait.ge [sflag:s14], $0x2400  }
0x69: {  	s0 =	sadd.s32 $0x80, s24;
	[sflag:s14] =	ssyncset.done $0x0;
	s11 =	rddreg [dreg:$0xb]  }
0x6a: {  	s16 =	sadd.s32 $0xFFFFFFFF, s18;
	[sflag:s14] =	ssyncadd.s32 $0xFFFFDC00;
	s18 =	sadd.s32 $0x80, s11  }
.LBB2_2:
0x6b: {  	[tilespmem:s21], [sflag:$0x4] =	stream.linear.gather [hbm4b:s11+s2], $0x100, $0x38;
	[tilespmem:$0x1D400] =	vst v63  }
0x6c: {  	p0 =	sne.s32 s16, $0x1;
	s16 =	sadd.s32 $0xFFFFFFFF, s16;
	_ =	swait.ge [sflag:s31], $0x2400  }
0x6d: {  	s11 =	smov.u32 s18;
	[sflag:s31] =	ssyncset.done $0x0  }
0x6e: {  	s24 =	simm.s32 $0x80;
	[sflag:s31] =	ssyncadd.s32 $0xFFFFDC00  }
0x6f: {  	[spmem:s1] =	stream.indirect.scatter.add.f32 [tilespmem:s25], [sflag:$0x9], $0x80, s24, s23, $0xb8;
	[tilespmem:$0x1D400] =	vst v63  }
0x70: {  	_ =	swait.ge [sflag:s3], $0x100  }
0x71: {  	[sflag:s3] =	ssyncset.done $0x0  }
0x72: {  	[sflag:s3] =	ssyncadd.s32 $0xFFFFFF00  }
0x73: {  	[tilespmem:s5], [sflag:$0x8] =	stream.indirect.gather [hbm4b:s4+s23], $0x80, s21, s23, $0xb8;
	[tilespmem:$0x1D400] =	vst v63  }
0x74: {  	_ =	swait.ge [sflag:s8], $0x2400  }
0x75: {  	[sflag:s8] =	ssyncset.done $0x0  }
0x76: {  	[sflag:s8] =	ssyncadd.s32 $0xFFFFDC00  }
0x77: {  	[tilespmem:s2], [sflag:$0x1] =	stream.linear.gather [hbm4b:s15+s2], $0x100, $0x38;
	[tilespmem:$0x1D400] =	vst v63  }
0x78: {  	_ =	swait.ge [sflag:s9], $0x2400  }
0x79: {  	[sflag:s9] =	ssyncset.done $0x0  }
0x7a: {  	s24 =	simm.s32 $0x180;
	[sflag:s9] =	ssyncadd.s32 $0xFFFFDC00  }
0x7b: {  	[spmem:s1] =	stream.indirect.scatter.add.f32 [tilespmem:s28], [sflag:$0xA], $0x80, s24, s23, $0xb8;
	[tilespmem:$0x1D400] =	vst v63  }
0x7c: {  	_ =	swait.ge [sflag:s22], $0x100  }
0x7d: {  	[sflag:s22] =	ssyncset.done $0x0  }
0x7e: {  	[sflag:s22] =	ssyncadd.s32 $0xFFFFFF00  }
0x7f: {  	[tilespmem:s25], [sflag:$0x5] =	stream.indirect.gather [hbm4b:s4+s23], $0x80, s2, s23, $0xb8;
	[tilespmem:$0x1D400] =	vst v63  }
0x80: {  	_ =	swait.ge [sflag:s12], $0x2400  }
0x81: {  	[sflag:s12] =	ssyncset.done $0x0  }
0x82: {  	[sflag:s12] =	ssyncadd.s32 $0xFFFFDC00  }
0x83: {  	[tilespmem:s19], [sflag:$0x2] =	stream.linear.gather [hbm4b:s17+s2], $0x100, $0x38;
	[tilespmem:$0x1D400] =	vst v63  }
0x84: {  	_ =	swait.ge [sflag:s6], $0x2400  }
0x85: {  	[sflag:s6] =	ssyncset.done $0x0  }
0x86: {  	s24 =	simm.s32 $0x280;
	[sflag:s6] =	ssyncadd.s32 $0xFFFFDC00  }
0x87: {  	[spmem:s1] =	stream.indirect.scatter.add.f32 [tilespmem:s30], [sflag:$0xB], $0x80, s24, s23, $0xb8;
	[tilespmem:$0x1D400] =	vst v63  }
0x88: {  	_ =	swait.ge [sflag:s26], $0x100  }
0x89: {  	[sflag:s26] =	ssyncset.done $0x0  }
0x8a: {  	[sflag:s26] =	ssyncadd.s32 $0xFFFFFF00  }
0x8b: {  	[tilespmem:s28], [sflag:$0x6] =	stream.indirect.gather [hbm4b:s4+s23], $0x80, s19, s23, $0xb8;
	[tilespmem:$0x1D400] =	vst v63  }
0x8c: {  	_ =	swait.ge [sflag:s7], $0x2400  }
0x8d: {  	[sflag:s7] =	ssyncset.done $0x0  }
0x8e: {  	[sflag:s7] =	ssyncadd.s32 $0xFFFFDC00  }
0x8f: {  	[tilespmem:s20], [sflag:$0x3] =	stream.linear.gather [hbm4b:s0+s2], $0x100, $0x38;
	[tilespmem:$0x1D400] =	vst v63  }
0x90: {  	_ =	swait.ge [sflag:s10], $0x2400  }
0x91: {  	[sflag:s10] =	ssyncset.done $0x0  }
0x92: {  	[sflag:s10] =	ssyncadd.s32 $0xFFFFDC00  }
0x93: {  	[spmem:s1] =	stream.indirect.scatter.add.f32 [tilespmem:s5], [sflag:$0xC], $0x80, s13, s23, $0xb8;
	[tilespmem:$0x1D400] =	vst v63  }
0x94: {  	_ =	swait.ge [sflag:s29], $0x100  }
0x95: {  	[sflag:s29] =	ssyncset.done $0x0  }
.Ltmp1:
0x96: {  	[sflag:s29] =	ssyncadd.s32 $0xFFFFFF00;
	(pc) =	sbr.rel @p0 .LBB2_2-.Ltmp1, $4  }
0x97: {  	[tilespmem:s30], [sflag:$0x7] =	stream.indirect.gather [hbm4b:s4+s23], $0x80, s20, s23, $0xb8;
	[tilespmem:$0x1D400] =	vst v63  }
0x98: {  	_ =	swait.ge [sflag:s14], $0x2400  }
0x99: {  	s15 =	sadd.s32 $0x80, s15;
	s17 =	sadd.s32 $0x80, s17;
	[sflag:s14] =	ssyncset.done $0x0  }
0x9a: {  	s18 =	sadd.s32 $0x80, s18;
	s0 =	sadd.s32 $0x80, s0;
	[sflag:s14] =	ssyncadd.s32 $0xFFFFDC00  }
.LBB2_3:
0x9b: {  	[tilespmem:s21], [sflag:$0x4] =	stream.linear.gather [hbm4b:s11+s2], $0x100, $0x38;
	[tilespmem:$0x1D400] =	vst v63  }
0x9c: {  	_ =	swait.ge [sflag:s31], $0x2400  }
0x9d: {  	[sflag:s31] =	ssyncset.done $0x0  }
0x9e: {  	s0 =	simm.s32 $0x80;
	s16 =	simm.s32 $0xD;
	[sflag:s31] =	ssyncadd.s32 $0xFFFFDC00  }
0x9f: {  	[spmem:s1] =	stream.indirect.scatter.add.f32 [tilespmem:s25], [sflag:$0xD], $0x80, s0, s23, $0xb8;
	[tilespmem:$0x1D400] =	vst v63  }
0xa0: {  	_ =	swait.ge [sflag:s16], $0x2400  }
0xa1: {  	[sflag:s16] =	ssyncset.done $0x0  }
0xa2: {  	[sflag:s16] =	ssyncadd.s32 $0xFFFFDC00  }
0xa3: {  	_ =	swait.ge [sflag:s9], $0x2400  }
0xa4: {  	[sflag:s9] =	ssyncset.done $0x0  }
0xa5: {  	s15 =	simm.s32 $0x180;
	[sflag:s9] =	ssyncadd.s32 $0xFFFFDC00  }
0xa6: {  	[spmem:s1] =	stream.indirect.scatter.add.f32 [tilespmem:s28], [sflag:$0xD], $0x80, s15, s23, $0xb8;
	[tilespmem:$0x1D400] =	vst v63  }
0xa7: {  	_ =	swait.ge [sflag:s16], $0x2400  }
0xa8: {  	[sflag:s16] =	ssyncset.done $0x0  }
0xa9: {  	[sflag:s16] =	ssyncadd.s32 $0xFFFFDC00  }
0xaa: {  	_ =	swait.ge [sflag:s6], $0x2400  }
0xab: {  	[sflag:s6] =	ssyncset.done $0x0  }
0xac: {  	s17 =	simm.s32 $0x280;
	[sflag:s6] =	ssyncadd.s32 $0xFFFFDC00  }
0xad: {  	[spmem:s1] =	stream.indirect.scatter.add.f32 [tilespmem:s30], [sflag:$0xD], $0x80, s17, s23, $0xb8;
	[tilespmem:$0x1D400] =	vst v63  }
0xae: {  	_ =	swait.ge [sflag:s16], $0x2400  }
0xaf: {  	[sflag:s16] =	ssyncset.done $0x0  }
0xb0: {  	[sflag:s16] =	ssyncadd.s32 $0xFFFFDC00  }
0xb1: {  	_ =	swait.ge [sflag:s3], $0x100  }
0xb2: {  	[sflag:s3] =	ssyncset.done $0x0  }
0xb3: {  	[sflag:s3] =	ssyncadd.s32 $0xFFFFFF00  }
0xb4: {  	[tilespmem:s5], [sflag:$0xD] =	stream.indirect.gather [hbm4b:s4+s23], $0x80, s21, s23, $0xb8;
	[tilespmem:$0x1D400] =	vst v63  }
0xb5: {  	_ =	swait.ge [sflag:s16], $0x2400  }
0xb6: {  	[sflag:s16] =	ssyncset.done $0x0  }
0xb7: {  	[sflag:s16] =	ssyncadd.s32 $0xFFFFDC00  }
0xb8: {  	[spmem:s1] =	stream.indirect.scatter.add.f32 [tilespmem:s5], [sflag:$0xD], $0x80, s13, s23, $0xb8;
	[tilespmem:$0x1D400] =	vst v63  }
0xb9: {  	_ =	swait.ge [sflag:s16], $0x2400  }
0xba: {  	[sflag:s16] =	ssyncset.done $0x0  }
0xbb: {  	[sflag:s16] =	ssyncadd.s32 $0xFFFFDC00  }
0xbc: {  	[bflag:$0x0] =	sbarrier.arrive $0xFFFF  }
0xbd: {  	s15 =	rddreg [dreg:$0x5]  }
0xbe: {  	s11 =	rddreg [dreg:$0xf]  }
0xbf: {  	s18 =	rddreg [dreg:$0x10]  }
0xc0: {  	[hbm:s18], [sflag:s15] =	dma.local [spmem:s11], $0x2800  }
0xc1: {  	_ =	swait.ge [sflag:s16], $0x2800  }
0xc2: {  	s17 =	rddreg [dreg:$0x11]  }
0xc3: {  	s24 =	rddreg [dreg:$0xa];
	s17 =	sadd.s32 $0x1, s17  }
0xc4: {  	p0 =	sne.s32 s17, s24  }
.Ltmp2:
0xc5: {  	_ = 	snop;
	(pc) =	sbr.rel @p0 .LBB2_1-.Ltmp2, $3  }
0xc6: {  	_ =	sdelay $0x1  }
0xc7: {  	[sflag:s16] =	ssyncset.done $0x0  }
0xc8: {  	[sflag:s16] =	ssyncadd.s32 $0xFFFFD800  }
0xc9: {  	_ =	sfence.sel $0x180000  }
0xca: {  	[bflag:$0x0] =	sbarrier.arrive $0xFFFF  }
0xcb: {  	_ =	strace $0x9000004D  }
0xcc: {  	s0 =	stileid.u32;
	[bflag:$0x2] =	sbarrier.arrive $0xFFFF  }
0xcd: {  	p0 =	sne.s32 s0, $0x0;
	s0 =	rddreg [dreg:$0x2]  }
0xce: {  	s0 =	sadd.s32 @!p0 $0x100000, s0  }
0xcf: {  	[sflag:s0] =	ssyncadd.tile.s32 @!p0 $0x1;
	_ =	shalt  }
.Lfunc_end2:
_tile_overlayer_lowered:
.L_overlay_start_2:
0xd0: {  	(tag) =	ssettag $0x2  }
0xd1: {  	s0 =	rddreg [dreg:$0x0];
	s2 =	stileid.u32  }
0xd2: {  	s1 =	rddreg [dreg:$0x1];
	p0 =	sne.s32 s2, $0x0  }
0xd3: {  	s3 =	rddreg [dreg:$0x2];
	[bflag:$0x3] =	sbarrier.arrive $0xFFFF;
	s2 =	simm.s32 @!p0 $0x1C0D  }
0xd4: {  	[timem:s3], [sflag:s2] =	dma.local @!p0 [hbm:s0], s1  }
0xd5: {  	s0 =	simm.s32 @!p0 $0xD  }
0xd6: {  	_ =	swait.ge @!p0 [sflag:s0], s1  }
0xd7: {  	s1 =	ssub.s32 @!p0 $0x0, s1;
	[sflag:s0] =	ssyncset.done @!p0 $0x0  }
0xd8: {  	[sflag:s0] =	ssyncadd.s32 @!p0 s1  }
0xd9: {  	[bflag:$0x3] =	sbarrier.arrive $0xFFFF  }
0xda: {  	_ =	shalt  }

// kernel: kernel.9.cloned.1.call-start
scs
__scs_entry_jumppad:
0x0: {  	(pc) =	sbr.rel $0x88, $3  }
0x1: {  	(tag) =	ssettag $0x0;
	lr =	simm.s32 $0x1  }
0x2: {  	[smem:$0x3F9B] =	sst lr;
	_ =	strace $0xD0000000  }
0x3: {  	_ = 	snop  }
0x4: {  	_ = 	snop  }
0x5: {  	_ = 	snop  }
0x6: {  	_ = 	snop  }
0x7: {  	_ = 	snop  }
__scs_overlays_trampoline_lowered:
0x8: {  	[smem:$0x3FAA] =	sst s0  }
0x9: {  	[smem:$0x3FAB] =	sst s1  }
0xa: {  	[smem:$0x3FAC] =	sst s2  }
0xb: {  	[smem:$0x3FAD] =	sst s3  }
0xc: {  	[smem:$0x3FAE] =	sst s4  }
0xd: {  	[smem:$0x3FAF] =	sst s5  }
0xe: {  	[smem:$0x3FB0] =	sst s6  }
0xf: {  	[smem:$0x3FB1] =	sst s7  }
0x10: {  	[smem:$0x3FB2] =	sst s8  }
0x11: {  	[smem:$0x3FB3] =	sst s9;
	s0 =	simm.s32 @!p0 $0x0  }
0x12: {  	s1 =	sld [smem:$0x3F99];
	s0 =	simm.s32 @p0 $0x1  }
0x13: {  	[smem:$0x3FB4] =	sst s0;
	s0 =	simm.s32 @!p1 $0x0  }
0x14: {  	s2 =	sld [smem:$0x3F98];
	s0 =	simm.s32 @p1 $0x1  }
0x15: {  	[smem:$0x3FB5] =	sst s0;
	s0 =	simm.s32 @!p2 $0x0  }
0x16: {  	s3 =	sld [smem:$0x3FDB];
	s0 =	simm.s32 @p2 $0x1  }
0x17: {  	s4 =	simm.s32 $0x1BF5;
	[smem:$0x3FB7] =	sst s0  }
0x18: {  	s0 =	sld [smem:$0x3F9A];
	_ =	swait.ge [sflag:s4], $0x0  }
0x19: {  	s7 =	sld [smem:$0x3F9B]  }
0x1a: {  	s8 =	sadd.s32 $0xFFFFE003, lr  }
0x1b: {  	s9 =	sadd.s32 $0xFFFFFEF7, lr;
	s5 =	simm.s32 $0xFFFFFFFF;
	p2 =	slt.u32 s8, $0xFFFFF086  }
0x1c: {  	p1 =	slt.u32 s9, $0xF7A;
	s5 =	simm.s32 @!p2 $0x0  }
0x1d: {  	s5 =	simm.s32 @p1 $0x1;
	p0 =	seq.s32 s7, s2  }
0x1e: {  	s7 =	smul.u32 @!p0 $0xF7A, s2;
	p2 =	seq.s32 @!p0 s5, $0x0  }
0x1f: {  	s9 =	smul.u32 $0xF7A, s1;
	s8 =	simm.s32 @!p0 $0x1BF5;
	p2 =	por !p2, p0  }
0x20: {  	[sflag:s8] =	ssyncset.s32 @!p0 $0xFFFFF086;
	s6 =	sadd.s32 @!p0 s3, s7;
	s7 =	simm.s32 @!p0 $0x108  }
0x21: {  	s3 =	sadd.s32 s3, s9;
	s6 =	sadd.s32 @!p0 $0x88, s6;
	s7 =	simm.s32 @p2 $0x1082  }
0x22: {  	[simem:s7], [sflag:s8] =	dma.local @!p0 [hbm:s6], $0xF7A  }
0x23: {  	s9 =	sor.u32 $0xD0000000, s2;
	s6 =	simm.s32 $0x108;
	_ =	swait.ge @!p0 [sflag:s8], $0x0  }
0x24: {  	s3 =	sadd.s32 $0x88, s3;
	s6 =	simm.s32 @!p1 $0x1082;
	[sflag:s4] =	ssyncset.s32 $0xFFFFF086  }
0x25: {  	[simem:s6], [sflag:s4] =	dma.local [hbm:s3], $0xF7A  }
0x26: {  	[smem:$0x3F9B] =	sst s1;
	(tag) =	ssettag s2;
	_ =	strace s9  }
0x27: {  	s1 =	sld [smem:$0x3FAB]  }
0x28: {  	s2 =	sld [smem:$0x3FAC]  }
0x29: {  	s4 =	sld [smem:$0x3FAE]  }
0x2a: {  	p0 =	seq.s32 s5, $0x0;
	s5 =	sld [smem:$0x3FAF]  }
0x2b: {  	s6 =	sld [smem:$0x3FB0]  }
0x2c: {  	s7 =	sld [smem:$0x3FB1]  }
0x2d: {  	s3 =	simm.s32 $0x108;
	s8 =	sld [smem:$0x3FB2]  }
0x2e: {  	s3 =	simm.s32 @!p0 $0x1082;
	s9 =	sld [smem:$0x3FB3]  }
0x2f: {  	lr =	sadd.s32 s0, s3;
	s0 =	sld [smem:$0x3FAA]  }
0x30: {  	s3 =	sld [smem:$0x3FAD]  }
0x31: {  	[smem:$0x3FB6] =	sst s10  }
0x32: {  	s10 =	sld [smem:$0x3FB4];
	_ =	sdelay $0x3  }
0x33: {  	p0 =	seq.s32 s10, $0x1;
	s10 =	sld [smem:$0x3FB6];
	_ =	sdelay $0x3  }
0x34: {  	[smem:$0x3FB6] =	sst s10  }
0x35: {  	s10 =	sld [smem:$0x3FB5];
	_ =	sdelay $0x3  }
0x36: {  	p1 =	seq.s32 s10, $0x1;
	s10 =	sld [smem:$0x3FB6];
	_ =	sdelay $0x3  }
0x37: {  	[smem:$0x3FB6] =	sst s10  }
0x38: {  	s10 =	sld [smem:$0x3FB7]  }
0x39: {  	_ = 	snop;
	(pc) =	sbr.ind lr, $3  }
0x3a: {  	_ = 	snop  }
0x3b: {  	_ = 	snop  }
0x3c: {  	p2 =	seq.s32 s10, $0x1;
	s10 =	sld [smem:$0x3FB6]  }
0x3d: {  	_ =	shalt  }
0x3e: {  	_ =	shalt  }
0x3f: {  	_ =	shalt  }
0x40: {  	_ =	shalt  }
0x41: {  	_ =	shalt  }
0x42: {  	_ =	shalt  }
0x43: {  	_ =	shalt  }
0x44: {  	_ =	shalt  }
0x45: {  	_ =	shalt  }
0x46: {  	_ =	shalt  }
0x47: {  	_ =	shalt  }
0x48: {  	_ =	shalt  }
0x49: {  	_ =	shalt  }
0x4a: {  	_ =	shalt  }
0x4b: {  	_ =	shalt  }
0x4c: {  	_ =	shalt  }
0x4d: {  	_ =	shalt  }
0x4e: {  	_ =	shalt  }
0x4f: {  	_ =	shalt  }
0x50: {  	_ =	shalt  }
0x51: {  	_ =	shalt  }
0x52: {  	_ =	shalt  }
0x53: {  	_ =	shalt  }
0x54: {  	_ =	shalt  }
0x55: {  	_ =	shalt  }
0x56: {  	_ =	shalt  }
0x57: {  	_ =	shalt  }
0x58: {  	_ =	shalt  }
0x59: {  	_ =	shalt  }
0x5a: {  	_ =	shalt  }
0x5b: {  	_ =	shalt  }
0x5c: {  	_ =	shalt  }
0x5d: {  	_ =	shalt  }
0x5e: {  	_ =	shalt  }
0x5f: {  	_ =	shalt  }
0x60: {  	_ =	shalt  }
0x61: {  	_ =	shalt  }
0x62: {  	_ =	shalt  }
0x63: {  	_ =	shalt  }
0x64: {  	_ =	shalt  }
0x65: {  	_ =	shalt  }
0x66: {  	_ =	shalt  }
0x67: {  	_ =	shalt  }
0x68: {  	_ =	shalt  }
0x69: {  	_ =	shalt  }
0x6a: {  	_ =	shalt  }
0x6b: {  	_ =	shalt  }
0x6c: {  	_ =	shalt  }
0x6d: {  	_ =	shalt  }
0x6e: {  	_ =	shalt  }
0x6f: {  	_ =	shalt  }
0x70: {  	_ =	shalt  }
0x71: {  	_ =	shalt  }
0x72: {  	_ =	shalt  }
0x73: {  	_ =	shalt  }
0x74: {  	_ =	shalt  }
0x75: {  	_ =	shalt  }
0x76: {  	_ =	shalt  }
0x77: {  	_ =	shalt  }
0x78: {  	_ =	shalt  }
0x79: {  	_ =	shalt  }
0x7a: {  	_ =	shalt  }
0x7b: {  	_ =	shalt  }
0x7c: {  	_ =	shalt  }
0x7d: {  	_ =	shalt  }
0x7e: {  	_ =	shalt  }
0x7f: {  	_ =	shalt  }
0x80: {  	_ =	shalt  }
0x81: {  	_ =	shalt  }
0x82: {  	_ =	shalt  }
0x83: {  	_ =	shalt  }
0x84: {  	_ =	shalt  }
0x85: {  	_ =	shalt  }
0x86: {  	_ =	shalt  }
0x87: {  	_ =	shalt  }
.Lfunc_end0:
.L_simem_size_0:
called_computation_lowered:
.L_overlay_start_0:
0x88: {  	s2 =	sld [smem:$0x3FD9]  }
0x89: {  	s3 =	sld [smem:$0x3FFE];
	_ =	sdelay $0x1  }
0x8a: {  	s1 =	srdreg.scid  }
0x8b: {  	s0 =	sand.u32 $0x1, s1  }
0x8c: {  	s17 =	sshll.u32 s0, $0xA;
	s2 =	sadd.s32 s3, s2  }
0x8d: {  	s2 =	sadd.s32 s2, s17  }
0x8e: {  	[smem:$0x3FC2] =	sst s2  }
0x8f: {  	_ = 	snop  }
0x90: {  	s2 =	sld [smem:$0x3FD0];
	(tm) =	ssettm $0x1  }
0x91: {  	s18 =	sld [smem:$0x3FFB];
	_ =	sdelay $0x3  }
0x92: {  	_ =	strace s18  }
0x93: {  	s3 =	sld [smem:$0x3FFC];
	_ =	sdelay $0x3  }
0x94: {  	_ =	strace s3  }
0x95: {  	s3 =	sld [smem:$0x3FFD];
	_ =	sdelay $0x3  }
0x96: {  	_ =	strace s3  }
0x97: {  	_ =	strace $0x8FFFFFFF  }
0x98: {  	s19 =	sld [smem:$0x3FDB];
	_ =	sdelay $0x1  }
0x99: {  	s4 =	simm.s32 $_scs_section_size  }
0x9a: {  	s5 =	simm.s32 $_size__tile_overlayer_lowered;
	s6 =	simm.s32 $_tile_overlayer_lowered  }
0x9b: {  	s22 =	simm.s32 $0x1BFF;
	s21 =	sshll.u32 s6, $0x1;
	s3 =	sadd.s32 s4, s19  }
0x9c: {  	s7 =	simm.s32 $0x0;
	s20 =	sshll.u32 s5, $0x1;
	s5 =	sadd.s32 s21, s3  }
0x9d: {  	[timem:s7], [sflag:s22] =	dma.local [hbm:s5], s20  }
0x9e: {  	_ =	swait.ge [sflag:s22], s20  }
0x9f: {  	s4 =	ssub.s32 $0x0, s20;
	[sflag:s22] =	ssyncset.done $0x0  }
0xa0: {  	[sflag:s22] =	ssyncadd.s32 s4;
	_ =	sdelay $0x1  }
0xa1: {  	s23 =	simm.s32 $0x1B8B  }
0xa2: {  	_ =	swait.ge [sflag:s23], $0x1  }
0xa3: {  	[sflag:s23] =	ssyncset.done $0x0  }
0xa4: {  	s25 =	simm.s32 $0x1B8E;
	s24 =	sld [smem:$0x3FFE];
	[sflag:s23] =	ssyncadd.s32 $0xFFFFFFFF  }
0xa5: {  	s26 =	simm.s32 $execute0_lowered;
	[smem:$0x3FD2] =	sst s25  }
0xa6: {  	s5 =	sshll.u32 s26, $0x1;
	_ =	strace $0x80000046;
	[dreg:$0x1] =	wrdreg $0xFFFFFFFF  }
0xa7: {  	s28 =	simm.s32 $_size_execute0_lowered;
	s3 =	sadd.s32 s3, s5;
	[dreg:$0x0] =	wrdreg $0x0  }
0xa8: {  	s5 =	sshll.u32 s28, $0x1;
	[dreg:$0x2] =	wrdreg s3  }
0xa9: {  	[dreg:$0x3] =	wrdreg s5  }
0xaa: {  	[dreg:$0x4] =	wrdreg $0xC0  }
0xab: {  	_ =	task [dreg:s7], $0x5FFFF  }
0xac: {  	[dreg:$0x1] =	wrdreg $0xFFFFFFFF  }
0xad: {  	[dreg:$0x0] =	wrdreg $0x60  }
0xae: {  	[dreg:$0x2] =	wrdreg s2  }
0xaf: {  	[dreg:$0x3] =	wrdreg s24  }
0xb0: {  	[dreg:$0x4] =	wrdreg $0x21000  }
0xb1: {  	[dreg:$0x5] =	wrdreg $0x9  }
0xb2: {  	_ =	task.clear_ibuf [dreg:s7], $0x6FFFF;
	_ =	strace $0x90000046  }
0xb3: {  	s29 =	simm.s32 $0x9;
	_ =	strace $0x80000048  }
0xb4: {  	_ =	swait.ge [sflag:s29], $0x1  }
0xb5: {  	[sflag:s29] =	ssyncadd.s32 $0xFFFFFFFF  }
0xb6: {  	_ =	strace $0x90000048  }
0xb7: {  	_ =	sfence  }
0xb8: {  	s30 =	sld [smem:$0x0];
	_ =	sdelay $0x2  }
0xb9: {  	s31 =	sshll.u32 s1, $0xD;
	s1 =	sshrl.u32 s1, $0x2  }
0xba: {  	s3 =	sand.u32 $0x4000, s31;
	s1 =	sadd.s32 s1, s30  }
0xbb: {  	s0 =	sor.u32 s3, s0;
	s1 =	sshll.u32 s1, $0x11  }
0xbc: {  	s0 =	sor.u32 s1, s0  }
0xbd: {  	s0 =	sadd.s32 $0x8F2B, s0  }
0xbe: {  	[sflag:s0] =	ssyncadd.remote.s32 $0x1  }
0xbf: {  	_ =	sfence.sel $0xFFFF  }
0xc0: {  	[dreg:$0x0] =	wrdreg $0xFFFFFFFF;
	(pc) =	sbr.abs _section_cstart, $3  }
0xc1: {  	[dreg:$0x1] =	wrdreg $0xFFFFFFFF  }
0xc2: {  	_ =	task.clear_ibuf [dreg:s7], $0x2FFFF;
	_ =	strace $0x9FFFFFFF  }
0xc3: {  	(tm) =	ssettm $0x7FFFFFFF  }
tec
execute0_lowered:
.L_overlay_start_1:
0x0: {  	(tag) =	ssettag $0x1  }
0x1: {  	s1 =	rddreg [dreg:$0x0]  }
0x2: {  	s7 =	rddreg [dreg:$0x1]  }
0x3: {  	s3 =	rddreg [dreg:$0x2];
	s2 =	srdreg.scid  }
0x4: {  	s0 =	rddreg [dreg:$0x3];
	s4 =	simm.s32 $0x0;
	s16 =	simm.s32 $0x80  }
0x5: {  	s17 =	simm.s32 $0x1;
	s18 =	simm.s32 $0x40;
	s8 =	sand.u32 $0x1, s2  }
0x6: {  	s19 =	simm.s32 $0x2;
	s2 =	stileid.u32;
	s9 =	smul.u32 $0x28000, s8  }
0x7: {  	s20 =	simm.s32 $0x3;
	s21 =	simm.s32 $0x4;
	s10 =	smul.u32 $0x50000, s2  }
0x8: {  	[smem:$0x7FF] =	sst s4;
	s5 =	sshll.u32 s2, $0x1;
	s13 =	smul.u32 $0x9E00, s2  }
0x9: {  	_ =	strace $0x80000047;
	s12 =	ssub.s32 $0x2, s8;
	s23 =	smul.u32 $0x2800, s2  }
0xa: {  	s14 =	sshll.u32 s2, $0x6;
	s6 =	sor.u32 s8, s5;
	s5 =	sadd.s32 $0x1C00, s7  }
0xb: {  	s26 =	sshrl.u32 s12, $0x1;
	s8 =	smul.u32 $0x4F00, s8;
	s14 =	sor.u32 $0x1C05, s14  }
0xc: {  	s11 =	smul.u32 $0x4F00, s6;
	s6 =	sadd.s32 $0x2000, s7;
	s28 =	sshrl.u32 s10, $0x2  }
0xd: {  	s9 =	sadd.s32 s9, s7;
	s12 =	ssub.s32 s12, s26;
	s15 =	sadd.s32 s28, s3  }
0xe: {  	s30 =	sadd.s32 s8, s13;
	s22 =	sadd.s32 $0x4800, s9;
	s9 =	smax.u32 s12, $0x1  }
0xf: {  	s12 =	simm.s32 $0x100;
	s13 =	simm.s32 $0x5;
	s29 =	sshrl.u32 s11, $0x3  }
0x10: {  	s31 =	sadd.s32 $0x180, s30;
	s11 =	sadd.s32 $0x100, s30;
	s15 =	sshrl.u32 s15, $0x3  }
0x11: {  	s22 =	sadd.s32 s23, s22;
	s7 =	sadd.s32 s1, s29;
	s10 =	sshrl.u32 s31, $0x3  }
0x12: {  	s23 =	simm.s32 $0x0;
	s8 =	sadd.s32 $0x10, s7;
	s10 =	sadd.s32 s10, s1  }
.LBB2_1:
0x13: {  	[tilespmem:s12], [sflag:$0x5] =	stream.linear.gather [hbm4b:s5+s4], $0x2000, $0x38;
	[tilespmem:$0x16100] =	vst v63  }
0x14: {  	_ =	swait.ge [sflag:s13], $0x2000  }
0x15: {  	[sflag:s13] =	ssyncset.done $0x0  }
0x16: {  	[sflag:s13] =	ssyncadd.s32 $0xFFFFE000  }
0x17: {  	[spmem:s15], [sflag:s14] =	dma.local [hbm:s6], $0x2800  }
0x18: {  	_ =	swait.ge [sflag:s13], $0x2800  }
0x19: {  	[sflag:s13] =	ssyncset.done $0x0  }
0x1a: {  	[sflag:s13] =	ssyncadd.s32 $0xFFFFD800  }
0x1b: {  	[bflag:$0x0] =	sbarrier.arrive $0xFFFF  }
0x1c: {  	[tilespmem:s4], [sflag:$0x1] =	stream.linear.gather [hbm4b:s7+s4], $0x80, $0x38;
	[tilespmem:$0x16100] =	vst v63  }
0x1d: {  	_ = 	snop  }
0x1e: {  	[tilespmem:s16], [sflag:$0x2] =	stream.linear.gather [hbm4b:s8+s4], $0x80, $0x38;
	[tilespmem:$0x16100] =	vst v63  }
0x1f: {  	_ =	swait.ge [sflag:s17], $0x80  }
0x20: {  	[sflag:s17] =	ssyncset.done $0x0  }
0x21: {  	[sflag:s17] =	ssyncadd.s32 $0xFFFFFF80  }
0x22: {  	[spmem:s3] =	stream.indirect.scatter.add.f32 [tilespmem:s12], [sflag:$0x3], $0x80, s4, s18, $0xb8;
	[tilespmem:$0x16100] =	vst v63  }
0x23: {  	_ =	swait.ge [sflag:s19], $0x80  }
0x24: {  	[sflag:s19] =	ssyncset.done $0x0  }
0x25: {  	[sflag:s19] =	ssyncadd.s32 $0xFFFFFF80  }
0x26: {  	[spmem:s3] =	stream.indirect.scatter.add.f32 [tilespmem:s12], [sflag:$0x4], $0x80, s16, s18, $0xb8;
	[tilespmem:$0x16100] =	vst v63  }
0x27: {  	_ =	swait.ge [sflag:s20], $0x2000  }
0x28: {  	s24 =	sshrl.u32 s11, $0x3;
	[sflag:s20] =	ssyncset.done $0x0  }
0x29: {  	s24 =	sadd.s32 s1, s24;
	[sflag:s20] =	ssyncadd.s32 $0xFFFFE000  }
0x2a: {  	[tilespmem:s4], [sflag:$0x1] =	stream.linear.gather [hbm4b:s24+s4], $0x80, $0x38;
	[tilespmem:$0x16100] =	vst v63  }
0x2b: {  	_ =	swait.ge [sflag:s21], $0x2000  }
0x2c: {  	s26 =	sadd.s32 $0x0, s10;
	[sflag:s21] =	ssyncset.done $0x0  }
0x2d: {  	s25 =	sadd.s32 $0x100, s11;
	s24 =	simm.s32 $0x20;
	[sflag:s21] =	ssyncadd.s32 $0xFFFFE000  }
.LBB2_2:
0x2e: {  	[tilespmem:s16], [sflag:$0x2] =	stream.linear.gather [hbm4b:s26+s4], $0x80, $0x38;
	[tilespmem:$0x16100] =	vst v63  }
0x2f: {  	s26 =	smov.u32 s24  }
0x30: {  	p0 =	sne.s32 s24, $0x9A0;
	s24 =	sadd.s32 $0x20, s24;
	_ =	swait.ge [sflag:s17], $0x80  }
0x31: {  	[sflag:s17] =	ssyncset.done $0x0  }
0x32: {  	[sflag:s17] =	ssyncadd.s32 $0xFFFFFF80  }
0x33: {  	[spmem:s3] =	stream.indirect.scatter.add.f32 [tilespmem:s12], [sflag:$0x3], $0x80, s4, s18, $0xb8;
	[tilespmem:$0x16100] =	vst v63  }
0x34: {  	_ =	swait.ge [sflag:s19], $0x80  }
0x35: {  	[sflag:s19] =	ssyncset.done $0x0  }
0x36: {  	[sflag:s19] =	ssyncadd.s32 $0xFFFFFF80  }
0x37: {  	[spmem:s3] =	stream.indirect.scatter.add.f32 [tilespmem:s12], [sflag:$0x4], $0x80, s16, s18, $0xb8;
	[tilespmem:$0x16100] =	vst v63  }
0x38: {  	_ =	swait.ge [sflag:s20], $0x2000  }
0x39: {  	s28 =	sshrl.u32 s25, $0x3;
	[sflag:s20] =	ssyncset.done $0x0  }
.Ltmp0:
0x3a: {  	s28 =	sadd.s32 s1, s28;
	[sflag:s20] =	ssyncadd.s32 $0xFFFFE000;
	(pc) =	sbr.rel @p0 .LBB2_2-.Ltmp0, $4  }
0x3b: {  	[tilespmem:s4], [sflag:$0x1] =	stream.linear.gather [hbm4b:s28+s4], $0x80, $0x38;
	[tilespmem:$0x16100] =	vst v63  }
0x3c: {  	_ =	swait.ge [sflag:s21], $0x2000  }
0x3d: {  	[sflag:s21] =	ssyncset.done $0x0  }
0x3e: {  	s25 =	sadd.s32 $0x100, s25;
	s26 =	sadd.s32 s26, s10;
	[sflag:s21] =	ssyncadd.s32 $0xFFFFE000  }
0x3f: {  	[tilespmem:s16], [sflag:$0x2] =	stream.linear.gather [hbm4b:s26+s4], $0x80, $0x38;
	[tilespmem:$0x16100] =	vst v63  }
0x40: {  	_ =	swait.ge [sflag:s17], $0x80  }
0x41: {  	[sflag:s17] =	ssyncset.done $0x0  }
0x42: {  	[sflag:s17] =	ssyncadd.s32 $0xFFFFFF80  }
0x43: {  	[spmem:s3] =	stream.indirect.scatter.add.f32 [tilespmem:s12], [sflag:$0x5], $0x80, s4, s18, $0xb8;
	[tilespmem:$0x16100] =	vst v63  }
0x44: {  	_ =	swait.ge [sflag:s13], $0x2000  }
0x45: {  	[sflag:s13] =	ssyncset.done $0x0  }
0x46: {  	[sflag:s13] =	ssyncadd.s32 $0xFFFFE000  }
0x47: {  	_ =	swait.ge [sflag:s19], $0x80  }
0x48: {  	[sflag:s19] =	ssyncset.done $0x0  }
0x49: {  	[sflag:s19] =	ssyncadd.s32 $0xFFFFFF80  }
0x4a: {  	[spmem:s3] =	stream.indirect.scatter.add.f32 [tilespmem:s12], [sflag:$0x5], $0x80, s16, s18, $0xb8;
	[tilespmem:$0x16100] =	vst v63  }
0x4b: {  	_ =	swait.ge [sflag:s13], $0x2000  }
0x4c: {  	s23 =	sadd.s32 $0x1, s23;
	[sflag:s13] =	ssyncset.done $0x0  }
0x4d: {  	p0 =	sne.s32 s23, s9;
	[sflag:s13] =	ssyncadd.s32 $0xFFFFE000  }
.Ltmp1:
0x4e: {  	[bflag:$0x0] =	sbarrier.arrive $0xFFFF;
	(pc) =	sbr.rel @p0 .LBB2_1-.Ltmp1, $4  }
0x4f: {  	[hbm:s22], [sflag:s14] =	dma.local [spmem:s15], $0x2800  }
0x50: {  	_ =	swait.ge [sflag:s13], $0x2800  }
0x51: {  	[sflag:s13] =	ssyncset.done $0x0  }
0x52: {  	[sflag:s13] =	ssyncadd.s32 $0xFFFFD800  }
0x53: {  	_ =	sfence.sel $0x180000  }
0x54: {  	[bflag:$0x0] =	sbarrier.arrive $0xFFFF  }
0x55: {  	p0 =	sne.s32 s2, $0x0;
	_ =	strace $0x90000047  }
0x56: {  	s0 =	sadd.s32 @!p0 $0x100000, s0;
	[bflag:$0x2] =	sbarrier.arrive $0xFFFF  }
0x57: {  	[sflag:s0] =	ssyncadd.tile.s32 @!p0 $0x1;
	_ =	shalt  }
.Lfunc_end2:
_tile_overlayer_lowered:
.L_overlay_start_2:
0x58: {  	(tag) =	ssettag $0x2  }
0x59: {  	s0 =	rddreg [dreg:$0x0];
	s2 =	stileid.u32  }
0x5a: {  	s1 =	rddreg [dreg:$0x1];
	p0 =	sne.s32 s2, $0x0  }
0x5b: {  	s3 =	rddreg [dreg:$0x2];
	[bflag:$0x3] =	sbarrier.arrive $0xFFFF;
	s2 =	simm.s32 @!p0 $0x1C05  }
0x5c: {  	[timem:s3], [sflag:s2] =	dma.local @!p0 [hbm:s0], s1  }
0x5d: {  	s0 =	simm.s32 @!p0 $0x5  }
0x5e: {  	_ =	swait.ge @!p0 [sflag:s0], s1  }
0x5f: {  	s1 =	ssub.s32 @!p0 $0x0, s1;
	[sflag:s0] =	ssyncset.done @!p0 $0x0  }
0x60: {  	[sflag:s0] =	ssyncadd.s32 @!p0 s1  }
0x61: {  	[bflag:$0x3] =	sbarrier.arrive $0xFFFF  }
0x62: {  	_ =	shalt  }

</sc_bundles>
